<compile_context>
chip_gen: v7x
topology: tpu7x:2x2x1
jax: 0.10.2.dev20260603
libtpu: 0.0.44.dev20260713+nightly
codegen_flags: <defaults>
</compile_context>

<pallas_src>
import functools

import jax
import jax.numpy as jnp
from jax import lax
from jax.experimental import pallas as pl
from jax.experimental.pallas import tpu as pltpu
from jax.experimental.pallas import tpu_sc as plsc

K = 20
EPS = 1e-5
B, N = 8, 2048
BN = B * N
DP = 128
NEG = -3.0e38


def _lrelu(v):
    return jnp.where(v > 0, v, 0.1 * v)


def _knn_stage(xs, st, *, k, tn, apply_affine, interpret=False):
    b_, n_, cdim = xs.shape
    nt = n_ // tn

    def body(xs_ref, st_ref, idx_ref, xc_ref):
        b = pl.program_id(0)
        t = pl.program_id(1)
        xall = xs_ref[0]
        rows = xs_ref[0, pl.ds(t * tn, tn), :]
        if apply_affine:
            xall = _lrelu(xall * st_ref[0, :][None, :] + st_ref[1, :][None, :])
            rows = _lrelu(rows * st_ref[0, :][None, :] + st_ref[1, :][None, :])
        g = lax.dot_general(rows, xall, (((1,), (1,)), ((), ())),
                            preferred_element_type=jnp.float32)
        nn = jnp.sum(xall * xall, axis=1)
        ntile = jnp.sum(rows * rows, axis=1)
        p = 2.0 * g - ntile[:, None] - nn[None, :]
        base = b * n_
        iota = lax.broadcasted_iota(jnp.int32, (tn, n_), 1).astype(jnp.float32)
        nf = jnp.float32(n_)
        kiota = lax.broadcasted_iota(jnp.int32, (tn, 32), 1).astype(jnp.float32)
        posm = jnp.zeros((tn, 32), jnp.float32)
        for j in range(k):
            m = jnp.max(p, axis=1)
            eq = p >= m[:, None]
            pos = jnp.min(jnp.where(eq, iota, nf), axis=1)
            posm = jnp.where(kiota == j, pos[:, None], posm)
            p = jnp.where(iota == pos[:, None], NEG, p)
        idx_ref[...] = posm[:, :k].astype(jnp.int32) + base
        xc_ref[0] = jnp.pad(rows, ((0, 0), (0, DP - cdim)))

    return pl.pallas_call(
        body,
        grid=(b_, nt),
        in_specs=[
            pl.BlockSpec((1, n_, cdim), lambda b, t: (b, 0, 0)),
            pl.BlockSpec((8, cdim), lambda b, t: (0, 0)),
        ],
        out_specs=[
            pl.BlockSpec((tn, k), lambda b, t: (b * (n_ // tn) + t, 0)),
            pl.BlockSpec((1, tn, DP), lambda b, t: (b, t, 0)),
        ],
        out_shape=[
            jax.ShapeDtypeStruct((b_ * n_, k), jnp.int32),
            jax.ShapeDtypeStruct((b_, n_, DP), jnp.float32),
        ],
        interpret=interpret,
    )(xs, st)


def _idx_transpose(idx, *, k, tb, interpret=False):
    bn = idx.shape[0]

    def body(i_ref, o_ref):
        o_ref[...] = i_ref[...].T

    return pl.pallas_call(
        body,
        grid=(bn // tb,),
        in_specs=[pl.BlockSpec((tb, k), lambda i: (i, 0))],
        out_specs=pl.BlockSpec((k, tb), lambda i: (0, i)),
        out_shape=jax.ShapeDtypeStruct((k, bn), jnp.int32),
        interpret=interpret,
    )(idx)


def _sc_gather(table, idx_flat, d):
    r = idx_flat.shape[0]
    info = plsc.get_sparse_core_info()
    nc, ns = info.num_cores, info.num_subcores
    nw = nc * ns
    pw = r // nw
    gsz = 128
    nbuf = 4
    nchunk = pw // gsz
    mesh = plsc.VectorSubcoreMesh(core_axis_name="c", subcore_axis_name="s")

    @functools.partial(
        pl.kernel,
        mesh=mesh,
        out_type=jax.ShapeDtypeStruct((r, d), jnp.float32),
        scratch_types=[
            pltpu.VMEM((pw,), jnp.int32),
            [pltpu.VMEM((gsz, d), jnp.float32)] * nbuf,
            [pltpu.SemaphoreType.DMA] * nbuf,
        ],
    )
    def gather_kernel(table_hbm, idx_hbm, out_hbm, idx_v, bufs, sems):
        wid = lax.axis_index("s") * nc + lax.axis_index("c")
        base = pl.multiple_of(wid * pw, gsz)
        pltpu.sync_copy(idx_hbm.at[pl.ds(base, pw)], idx_v)

        def outer(o, _):
            g0 = pl.multiple_of(o * nbuf * gsz, gsz)
            for s in range(nbuf):
                off = pl.multiple_of(g0 + s * gsz, gsz)
                pltpu.make_async_copy(
                    table_hbm.at[idx_v.at[pl.ds(off, gsz)]], bufs[s], sems[s]
                ).start()
            for s in range(nbuf):
                off = pl.multiple_of(g0 + s * gsz, gsz)
                pltpu.make_async_copy(
                    table_hbm.at[idx_v.at[pl.ds(off, gsz)]], bufs[s], sems[s]
                ).wait()
                pltpu.sync_copy(bufs[s], out_hbm.at[pl.ds(base + off, gsz)])
            return 0

        lax.fori_loop(0, nchunk // nbuf, outer, 0)

    return gather_kernel(table, idx_flat)


def _edge_features(g_ref, c_ref, k, tp):
    g = g_ref[:, :, pl.ds(0, 64)]
    ctr = c_ref[:, pl.ds(0, 64)][None, :, :]
    e = jnp.concatenate([g - ctr, jnp.broadcast_to(ctr, g.shape)], axis=2)
    return e.reshape(k * tp, DP)


def _stage_stats(g3, ctr, wcat, *, k, tp, interpret=False):
    _, bn, _ = g3.shape
    d = wcat.shape[1]

    def body(g_ref, c_ref, w_ref, s_ref):
        i = pl.program_id(0)
        e = _edge_features(g_ref, c_ref, k, tp)
        h1 = jnp.dot(e, w_ref[...], preferred_element_type=jnp.float32)
        s = jnp.sum(h1, axis=0)
        sq = jnp.sum(h1 * h1, axis=0)
        upd = jnp.concatenate([s[None], sq[None], jnp.zeros((6, d), jnp.float32)], axis=0)

        @pl.when(i == 0)
        def _():
            s_ref[...] = jnp.zeros_like(s_ref)

        s_ref[...] += upd

    return pl.pallas_call(
        body,
        grid=(bn // tp,),
        in_specs=[
            pl.BlockSpec((k, tp, DP), lambda i: (0, i, 0)),
            pl.BlockSpec((tp, DP), lambda i: (i, 0)),
            pl.BlockSpec((DP, d), lambda i: (0, 0)),
        ],
        out_specs=pl.BlockSpec((8, d), lambda i: (0, 0)),
        out_shape=jax.ShapeDtypeStruct((8, d), jnp.float32),
        interpret=interpret,
    )(g3, ctr, wcat)


def _stage_main(g3, ctr, wcat, st1, w2t, *, k, tp, interpret=False):
    _, bn, _ = g3.shape
    d = wcat.shape[1]
    d2 = w2t.shape[1]

    def body(g_ref, c_ref, w_ref, st_ref, w2_ref, mx_ref, s_ref):
        i = pl.program_id(0)
        e = _edge_features(g_ref, c_ref, k, tp)
        h1 = jnp.dot(e, w_ref[...], preferred_element_type=jnp.float32)
        a = _lrelu(h1 * st_ref[0, :][None, :] + st_ref[1, :][None, :])
        h2 = jnp.dot(a, w2_ref[...], preferred_element_type=jnp.float32)
        s = jnp.sum(h2, axis=0)
        sq = jnp.sum(h2 * h2, axis=0)
        mx_ref[...] = jnp.max(h2.reshape(k, tp, d2), axis=0)
        upd = jnp.concatenate([s[None], sq[None], jnp.zeros((6, d2), jnp.float32)], axis=0)

        @pl.when(i == 0)
        def _():
            s_ref[...] = jnp.zeros_like(s_ref)

        s_ref[...] += upd

    return pl.pallas_call(
        body,
        grid=(bn // tp,),
        in_specs=[
            pl.BlockSpec((k, tp, DP), lambda i: (0, i, 0)),
            pl.BlockSpec((tp, DP), lambda i: (i, 0)),
            pl.BlockSpec((DP, d), lambda i: (0, 0)),
            pl.BlockSpec((8, d), lambda i: (0, 0)),
            pl.BlockSpec((d, d2), lambda i: (0, 0)),
        ],
        out_specs=[
            pl.BlockSpec((tp, d2), lambda i: (i, 0)),
            pl.BlockSpec((8, d2), lambda i: (0, 0)),
        ],
        out_shape=[
            jax.ShapeDtypeStruct((bn, d2), jnp.float32),
            jax.ShapeDtypeStruct((8, d2), jnp.float32),
        ],
        interpret=interpret,
    )(g3, ctr, wcat, st1, w2t)


def _stage3_maxstats(g3, ctr, wcat, *, k, tp, interpret=False):
    _, bn, _ = g3.shape
    d = wcat.shape[1]

    def body(g_ref, c_ref, w_ref, mx_ref, s_ref):
        i = pl.program_id(0)
        e = _edge_features(g_ref, c_ref, k, tp)
        h1 = jnp.dot(e, w_ref[...], preferred_element_type=jnp.float32)
        s = jnp.sum(h1, axis=0)
        sq = jnp.sum(h1 * h1, axis=0)
        mx_ref[...] = jnp.max(h1.reshape(k, tp, d), axis=0)
        upd = jnp.concatenate([s[None], sq[None], jnp.zeros((6, d), jnp.float32)], axis=0)

        @pl.when(i == 0)
        def _():
            s_ref[...] = jnp.zeros_like(s_ref)

        s_ref[...] += upd

    return pl.pallas_call(
        body,
        grid=(bn // tp,),
        in_specs=[
            pl.BlockSpec((k, tp, DP), lambda i: (0, i, 0)),
            pl.BlockSpec((tp, DP), lambda i: (i, 0)),
            pl.BlockSpec((DP, d), lambda i: (0, 0)),
        ],
        out_specs=[
            pl.BlockSpec((tp, d), lambda i: (i, 0)),
            pl.BlockSpec((8, d), lambda i: (0, 0)),
        ],
        out_shape=[
            jax.ShapeDtypeStruct((bn, d), jnp.float32),
            jax.ShapeDtypeStruct((8, d), jnp.float32),
        ],
        interpret=interpret,
    )(g3, ctr, wcat)


def _final_matmul(m1, st2, m2, st4, m3, st5, w6t, *, tp, interpret=False):
    bn = m1.shape[0]
    dco = w6t.shape[1]

    def body(m1_ref, s2_ref, m2_ref, s4_ref, m3_ref, s5_ref, w_ref, o_ref, s_ref):
        i = pl.program_id(0)
        x1 = _lrelu(m1_ref[...] * s2_ref[0, :][None, :] + s2_ref[1, :][None, :])
        x2 = _lrelu(m2_ref[...] * s4_ref[0, :][None, :] + s4_ref[1, :][None, :])
        x3 = _lrelu(m3_ref[...] * s5_ref[0, :][None, :] + s5_ref[1, :][None, :])
        h = jnp.concatenate([x1, x2, x3], axis=1)
        o = jnp.dot(h, w_ref[...], preferred_element_type=jnp.float32)
        o_ref[...] = o
        s = jnp.sum(o, axis=0)
        sq = jnp.sum(o * o, axis=0)
        upd = jnp.concatenate([s[None], sq[None], jnp.zeros((6, dco), jnp.float32)], axis=0)

        @pl.when(i == 0)
        def _():
            s_ref[...] = jnp.zeros_like(s_ref)

        s_ref[...] += upd

    return pl.pallas_call(
        body,
        grid=(bn // tp,),
        in_specs=[
            pl.BlockSpec((tp, 64), lambda i: (i, 0)),
            pl.BlockSpec((8, 64), lambda i: (0, 0)),
            pl.BlockSpec((tp, 64), lambda i: (i, 0)),
            pl.BlockSpec((8, 64), lambda i: (0, 0)),
            pl.BlockSpec((tp, 128), lambda i: (i, 0)),
            pl.BlockSpec((8, 128), lambda i: (0, 0)),
            pl.BlockSpec((256, dco), lambda i: (0, 0)),
        ],
        out_specs=[
            pl.BlockSpec((tp, dco), lambda i: (i, 0)),
            pl.BlockSpec((8, dco), lambda i: (0, 0)),
        ],
        out_shape=[
            jax.ShapeDtypeStruct((bn, dco), jnp.float32),
            jax.ShapeDtypeStruct((8, dco), jnp.float32),
        ],
        interpret=interpret,
    )(m1, st2, m2, st4, m3, st5, w6t)


def _final_norm(opre, st6, *, b, n, tp, interpret=False):
    dco = opre.shape[1]
    nt = n // tp

    def body(o_ref, st_ref, out_ref):
        o = _lrelu(o_ref[...] * st_ref[0, :][None, :] + st_ref[1, :][None, :])
        out_ref[0] = o.T

    return pl.pallas_call(
        body,
        grid=(b, nt),
        in_specs=[
            pl.BlockSpec((tp, dco), lambda bb, t: (bb * (n // tp) + t, 0)),
            pl.BlockSpec((8, dco), lambda bb, t: (0, 0)),
        ],
        out_specs=pl.BlockSpec((1, dco, tp), lambda bb, t: (bb, 0, t)),
        out_shape=jax.ShapeDtypeStruct((b, dco, n), jnp.float32),
        interpret=interpret,
    )(opre, st6)


def _affine_from_sums(sums, g, bparam, cnt):
    mean = sums[0] / cnt
    var = sums[1] / cnt - mean * mean
    scale = g / jnp.sqrt(var + EPS)
    shift = bparam - mean * scale
    d = scale.shape[0]
    return jnp.concatenate(
        [scale[None], shift[None], jnp.zeros((6, d), jnp.float32)], axis=0)


def _build_wcat(w, c):
    d = w.shape[0]
    wl = w[:, :c].T
    wr = w[:, c:].T
    top = jnp.concatenate([wl, jnp.zeros((64 - c, d), jnp.float32)], axis=0)
    bot = jnp.concatenate([wr, jnp.zeros((64 - c, d), jnp.float32)], axis=0)
    return jnp.concatenate([top, bot], axis=0)


def kernel(x, W1, W2, W3, W4, W5, W6, g1, b1, g2, b2, g3, b3, g4, b4, g5, b5, g6, b6):
    return _pipeline(x, W1, W2, W3, W4, W5, W6, g1, b1, g2, b2, g3, b3, g4,
                     b4, g5, b5, g6, b6, b=B, n=N)


def _pipeline(x, W1, W2, W3, W4, W5, W6, g1, b1, g2, b2, g3, b3, g4, b4, g5,
              b5, g6, b6, *, b, n, tn=256, tp=512, interpret=False):
    B, N, BN = b, n, b * n
    k = K
    cnt2d = float(B * N * k)
    cnt1d = float(B * N)

    xs1 = jnp.concatenate([x, jnp.zeros((B, N, 5), jnp.float32)], axis=2)
    st_id = jnp.zeros((8, 8), jnp.float32)
    idx1, tab1 = _knn_stage(xs1, st_id, k=k, tn=tn, apply_affine=False,
                            interpret=interpret)
    gv1 = _sc_gather(tab1.reshape(BN, DP), _idx_transpose(idx1, k=k, tb=2048 if BN % 2048 == 0 else BN, interpret=interpret).reshape(-1), DP)
    g31 = gv1.reshape(k, BN, DP)
    ctr1 = tab1.reshape(BN, DP)
    wcat1 = _build_wcat(W1, 3)
    sums1 = _stage_stats(g31, ctr1, wcat1, k=k, tp=tp, interpret=interpret)
    st_bn1 = _affine_from_sums(sums1, g1, b1, cnt2d)
    maxh1, sums2 = _stage_main(g31, ctr1, wcat1, st_bn1, W2.T, k=k, tp=tp,
                               interpret=interpret)
    st_bn2 = _affine_from_sums(sums2, g2, b2, cnt2d)

    idx2, tab2 = _knn_stage(maxh1.reshape(B, N, 64), st_bn2[:, :64], k=k,
                            tn=tn, apply_affine=True, interpret=interpret)
    gv2 = _sc_gather(tab2.reshape(BN, DP), _idx_transpose(idx2, k=k, tb=2048 if BN % 2048 == 0 else BN, interpret=interpret).reshape(-1), DP)
    g32 = gv2.reshape(k, BN, DP)
    ctr2 = tab2.reshape(BN, DP)
    wcat3 = _build_wcat(W3, 64)
    sums3 = _stage_stats(g32, ctr2, wcat3, k=k, tp=tp, interpret=interpret)
    st_bn3 = _affine_from_sums(sums3, g3, b3, cnt2d)
    maxh2, sums4 = _stage_main(g32, ctr2, wcat3, st_bn3, W4.T, k=k, tp=tp,
                               interpret=interpret)
    st_bn4 = _affine_from_sums(sums4, g4, b4, cnt2d)

    idx3, tab3 = _knn_stage(maxh2.reshape(B, N, 64), st_bn4[:, :64], k=k,
                            tn=tn, apply_affine=True, interpret=interpret)
    gv3 = _sc_gather(tab3.reshape(BN, DP), _idx_transpose(idx3, k=k, tb=2048 if BN % 2048 == 0 else BN, interpret=interpret).reshape(-1), DP)
    g33 = gv3.reshape(k, BN, DP)
    ctr3 = tab3.reshape(BN, DP)
    wcat5 = _build_wcat(W5, 64)
    maxh3, sums5 = _stage3_maxstats(g33, ctr3, wcat5, k=k, tp=tp,
                                    interpret=interpret)
    st_bn5 = _affine_from_sums(sums5, g5, b5, cnt2d)

    opre, sums6 = _final_matmul(maxh1, st_bn2, maxh2, st_bn4, maxh3, st_bn5,
                                W6.T, tp=tp, interpret=interpret)
    st_bn6 = _affine_from_sums(sums6, g6, b6, cnt1d)
    return _final_norm(opre, st_bn6, b=B, n=N, tp=tp, interpret=interpret)

# --- scband reference (transcript-rebuilt; emitter-appended) ---
"""Pipeline reference for scband-dgcnn-6700148981855 (READ-ONLY COPY).

The authoritative reference and input builder live on the scoring server;
editing this copy changes nothing except your own understanding.
"""

import jax, jax.numpy as jnp
import numpy as np

K = 20
EPS = 1e-5


def knn(x, k):
    # x: [B, C, N]
    inner = -2.0 * jnp.matmul(jnp.swapaxes(x, 2, 1), x)
    xx = jnp.sum(x ** 2, axis=1, keepdims=True)
    pairwise = -xx - inner - jnp.swapaxes(xx, 2, 1)
    return jax.lax.top_k(pairwise, k)[1]  # [B, N, k]


def get_graph_feature(x, k=K):
    B, C, N = x.shape
    idx = knn(x, k)
    x_t = jnp.swapaxes(x, 2, 1)  # [B, N, C]
    feature = jax.vmap(lambda xt, id_: jnp.take(xt, id_, axis=0))(x_t, idx)  # [B, N, k, C]
    center = jnp.broadcast_to(x_t[:, :, None, :], (B, N, k, C))
    out = jnp.concatenate((feature - center, center), axis=3)  # [B, N, k, 2C]
    return jnp.transpose(out, (0, 3, 1, 2))  # [B, 2C, N, k]


def conv2d_1x1(x, W):
    # x: [B, C, N, k], W: [O, C] (Conv2d kernel_size=1, no bias)
    return jnp.einsum('bcnk,oc->bonk', x, W)


def bn2d(x, g, b):
    mean = jnp.mean(x, axis=(0, 2, 3), keepdims=True)
    var = jnp.var(x, axis=(0, 2, 3), keepdims=True)
    xn = (x - mean) / jnp.sqrt(var + EPS)
    return xn * g[None, :, None, None] + b[None, :, None, None]


def bn1d(x, g, b):
    mean = jnp.mean(x, axis=(0, 2), keepdims=True)
    var = jnp.var(x, axis=(0, 2), keepdims=True)
    xn = (x - mean) / jnp.sqrt(var + EPS)
    return xn * g[None, :, None] + b[None, :, None]


def lrelu(x):
    return jnp.where(x > 0, x, 0.1 * x)


def setup_inputs(seed: int = 0):
    key = jax.random.key(seed)
    ks = jax.random.split(key, 8)
    B, N, d_model = 8, 2048, 512
    x = jax.random.normal(ks[0], (B, N, 3), dtype=jnp.float32)
    W1 = jax.random.normal(ks[1], (64, 6), dtype=jnp.float32) * 0.1
    W2 = jax.random.normal(ks[2], (64, 64), dtype=jnp.float32) * 0.1
    W3 = jax.random.normal(ks[3], (64, 128), dtype=jnp.float32) * 0.1
    W4 = jax.random.normal(ks[4], (64, 64), dtype=jnp.float32) * 0.1
    W5 = jax.random.normal(ks[5], (128, 128), dtype=jnp.float32) * 0.1
    W6 = jax.random.normal(ks[6], (d_model, 256), dtype=jnp.float32) * 0.1
    g1, b1 = jnp.ones((64,), jnp.float32), jnp.zeros((64,), jnp.float32)
    g2, b2 = jnp.ones((64,), jnp.float32), jnp.zeros((64,), jnp.float32)
    g3, b3 = jnp.ones((64,), jnp.float32), jnp.zeros((64,), jnp.float32)
    g4, b4 = jnp.ones((64,), jnp.float32), jnp.zeros((64,), jnp.float32)
    g5, b5 = jnp.ones((128,), jnp.float32), jnp.zeros((128,), jnp.float32)
    g6, b6 = jnp.ones((d_model,), jnp.float32), jnp.zeros((d_model,), jnp.float32)
    return {"x": x, "W1": W1, "W2": W2, "W3": W3, "W4": W4, "W5": W5, "W6": W6,
            "g1": g1, "b1": b1, "g2": g2, "b2": b2, "g3": g3, "b3": b3,
            "g4": g4, "b4": b4, "g5": g5, "b5": b5, "g6": g6, "b6": b6}


def reference(x, W1, W2, W3, W4, W5, W6, g1, b1, g2, b2, g3, b3, g4, b4, g5, b5, g6, b6):
    h = get_graph_feature(jnp.swapaxes(x, 2, 1))  # [B, 6, N, k]
    h = lrelu(bn2d(conv2d_1x1(h, W1), g1, b1))
    h = lrelu(bn2d(conv2d_1x1(h, W2), g2, b2))
    x1 = jnp.max(h, axis=-1)  # [B, 64, N]
    h = get_graph_feature(x1)  # [B, 128, N, k]
    h = lrelu(bn2d(conv2d_1x1(h, W3), g3, b3))
    h = lrelu(bn2d(conv2d_1x1(h, W4), g4, b4))
    x2 = jnp.max(h, axis=-1)  # [B, 64, N]
    h = get_graph_feature(x2)  # [B, 128, N, k]
    h = lrelu(bn2d(conv2d_1x1(h, W5), g5, b5))
    x3 = jnp.max(h, axis=-1)  # [B, 128, N]
    h = jnp.concatenate((x1, x2, x3), axis=1)  # [B, 256, N]
    out = lrelu(bn1d(jnp.einsum('bcn,oc->bon', h, W6), g6, b6))  # [B, d_model, N]
    return out  # squeeze(-1) is a no-op since N > 1

if __name__ == "__main__":
    import jax
    _d = setup_inputs()
    print(jax.jit(kernel)(*tuple(_d.values())))

</pallas_src>

<mosaic_0001>
#map = affine_map<(d0, d1) -> (0, 0)>
#map1 = affine_map<(d0, d1) -> (0)>
module attributes {stable_mosaic.version = 14 : i64} {
  func.func @gather_kernel(%arg0: i32, %arg1: i32, %arg2: memref<16384x128xf32, #tpu.memory_space<hbm>>, %arg3: memref<327680xi32, #tpu.memory_space<hbm>>, %arg4: memref<327680x128xf32, #tpu.memory_space<hbm>>, %arg5: memref<10240xi32, #tpu.memory_space<vmem>>, %arg6: memref<128x128xf32, #tpu.memory_space<vmem>>, %arg7: memref<128x128xf32, #tpu.memory_space<vmem>>, %arg8: memref<128x128xf32, #tpu.memory_space<vmem>>, %arg9: memref<128x128xf32, #tpu.memory_space<vmem>>, %arg10: memref<!tpu.dma_semaphore, #tpu.memory_space<semaphore_mem>>, %arg11: memref<!tpu.dma_semaphore, #tpu.memory_space<semaphore_mem>>, %arg12: memref<!tpu.dma_semaphore, #tpu.memory_space<semaphore_mem>>, %arg13: memref<!tpu.dma_semaphore, #tpu.memory_space<semaphore_mem>>) attributes {dimension_semantics = [#tpu.dimension_semantics<core_parallel>, #tpu.dimension_semantics<subcore_parallel>], iteration_bounds = array<i64: 2, 16>, scalar_prefetch = 0 : i64, scratch_operands = 9 : i64, tpu.core_type = #tpu.core_type<sc_vector_subcore>, window_params = [{transform_indices = #map}, {transform_indices = #map1}, {transform_indices = #map}]} {
    %mul3A = arith.constant 2 : i32
    %mul3A_0 = arith.muli %arg1, %mul3A : i32
    %add3A = arith.addi %mul3A_0, %arg0 : i32
    %mul3A_1 = arith.constant 10240 : i32
    %mul3A_2 = arith.muli %add3A, %mul3A_1 : i32
    %multiple_of3A = tpu.assume_multiple %mul3A_2, 128 : i32
    "tpu.region"() ({
      %run_scoped3A = tpu.sem_alloc : memref<!tpu.dma_semaphore, #tpu.memory_space<semaphore_mem>>
      %dma_start3A = tpu.memref_slice %arg3[%multiple_of3A] : memref<327680xi32, #tpu.memory_space<hbm>> -> memref<10240xi32, #tpu.memory_space<hbm>>
      %dma_start3A_9 = tpu.memref_slice %arg3[%multiple_of3A] : memref<327680xi32, #tpu.memory_space<hbm>> -> memref<10240xi32, #tpu.memory_space<hbm>>
      tpu.enqueue_dma source(%dma_start3A_9 : memref<10240xi32, #tpu.memory_space<hbm>>) target(%arg5 : memref<10240xi32, #tpu.memory_space<vmem>>) target_semaphore(%run_scoped3A : memref<!tpu.dma_semaphore, #tpu.memory_space<semaphore_mem>>)
      %dma_wait3A = tpu.memref_slice %arg3[%multiple_of3A] : memref<327680xi32, #tpu.memory_space<hbm>> -> memref<10240xi32, #tpu.memory_space<hbm>>
      %dma_wait3A_10 = tpu.memref_slice %arg3[%multiple_of3A] : memref<327680xi32, #tpu.memory_space<hbm>> -> memref<10240xi32, #tpu.memory_space<hbm>>
      tpu.wait_dma2 semaphore(%run_scoped3A : memref<!tpu.dma_semaphore, #tpu.memory_space<semaphore_mem>>) src(%dma_wait3A_10 : memref<10240xi32, #tpu.memory_space<hbm>>) dst(%arg5 : memref<10240xi32, #tpu.memory_space<vmem>>)
      tpu.yield
    }) : () -> ()
    %scan3A = arith.constant 0 : i32
    %scan3A_3 = arith.constant 0 : i32
    %scan3A_4 = arith.constant 20 : i32
    %scan3A_5 = arith.addi %scan3A_3, %scan3A_4 : i32
    %scan3A_6 = arith.constant 1 : i32
    %scan3A_7 = scf.for %scan3A_9 = %scan3A_3 to %scan3A_5 step %scan3A_6 iter_args(%scan3A_10 = %scan3A) -> (i32)  : i32 {
      %mul3A_11 = arith.constant 4 : i32
      %mul3A_12 = arith.muli %scan3A_9, %mul3A_11 : i32
      %mul3A_13 = arith.constant 128 : i32
      %mul3A_14 = arith.muli %mul3A_12, %mul3A_13 : i32
      %multiple_of3A_15 = tpu.assume_multiple %mul3A_14, 128 : i32
      %add3A_16 = arith.constant 0 : i32
      %add3A_17 = arith.addi %multiple_of3A_15, %add3A_16 : i32
      %multiple_of3A_18 = tpu.assume_multiple %add3A_17, 128 : i32
      %dma_start3A = tpu.memref_slice %arg5[%multiple_of3A_18] : memref<10240xi32, #tpu.memory_space<vmem>> -> memref<128xi32, #tpu.memory_space<vmem>>
      %dma_start3A_19 = arith.constant 0 : i32
      %dma_start3A_20 = arith.constant 0 : i32
      %dma_start3A_21 = tpu.memref_slice %arg2[%dma_start3A_19, %dma_start3A_20] : memref<16384x128xf32, #tpu.memory_space<hbm>> -> memref<16384x128xf32, #tpu.memory_space<hbm>>
      tpu.enqueue_indirect_dma source(%dma_start3A_21 : memref<16384x128xf32, #tpu.memory_space<hbm>>) target(%arg6 : memref<128x128xf32, #tpu.memory_space<vmem>>) offsets(%dma_start3A : memref<128xi32, #tpu.memory_space<vmem>>) semaphore(%arg10 : memref<!tpu.dma_semaphore, #tpu.memory_space<semaphore_mem>>)
      %add3A_22 = arith.constant 128 : i32
      %add3A_23 = arith.addi %multiple_of3A_15, %add3A_22 : i32
      %multiple_of3A_24 = tpu.assume_multiple %add3A_23, 128 : i32
      %dma_start3A_25 = tpu.memref_slice %arg5[%multiple_of3A_24] : memref<10240xi32, #tpu.memory_space<vmem>> -> memref<128xi32, #tpu.memory_space<vmem>>
      %dma_start3A_26 = arith.constant 0 : i32
      %dma_start3A_27 = arith.constant 0 : i32
      %dma_start3A_28 = tpu.memref_slice %arg2[%dma_start3A_26, %dma_start3A_27] : memref<16384x128xf32, #tpu.memory_space<hbm>> -> memref<16384x128xf32, #tpu.memory_space<hbm>>
      tpu.enqueue_indirect_dma source(%dma_start3A_28 : memref<16384x128xf32, #tpu.memory_space<hbm>>) target(%arg7 : memref<128x128xf32, #tpu.memory_space<vmem>>) offsets(%dma_start3A_25 : memref<128xi32, #tpu.memory_space<vmem>>) semaphore(%arg11 : memref<!tpu.dma_semaphore, #tpu.memory_space<semaphore_mem>>)
      %add3A_29 = arith.constant 256 : i32
      %add3A_30 = arith.addi %multiple_of3A_15, %add3A_29 : i32
      %multiple_of3A_31 = tpu.assume_multiple %add3A_30, 128 : i32
      %dma_start3A_32 = tpu.memref_slice %arg5[%multiple_of3A_31] : memref<10240xi32, #tpu.memory_space<vmem>> -> memref<128xi32, #tpu.memory_space<vmem>>
      %dma_start3A_33 = arith.constant 0 : i32
      %dma_start3A_34 = arith.constant 0 : i32
      %dma_start3A_35 = tpu.memref_slice %arg2[%dma_start3A_33, %dma_start3A_34] : memref<16384x128xf32, #tpu.memory_space<hbm>> -> memref<16384x128xf32, #tpu.memory_space<hbm>>
      tpu.enqueue_indirect_dma source(%dma_start3A_35 : memref<16384x128xf32, #tpu.memory_space<hbm>>) target(%arg8 : memref<128x128xf32, #tpu.memory_space<vmem>>) offsets(%dma_start3A_32 : memref<128xi32, #tpu.memory_space<vmem>>) semaphore(%arg12 : memref<!tpu.dma_semaphore, #tpu.memory_space<semaphore_mem>>)
      %add3A_36 = arith.constant 384 : i32
      %add3A_37 = arith.addi %multiple_of3A_15, %add3A_36 : i32
      %multiple_of3A_38 = tpu.assume_multiple %add3A_37, 128 : i32
      %dma_start3A_39 = tpu.memref_slice %arg5[%multiple_of3A_38] : memref<10240xi32, #tpu.memory_space<vmem>> -> memref<128xi32, #tpu.memory_space<vmem>>
      %dma_start3A_40 = arith.constant 0 : i32
      %dma_start3A_41 = arith.constant 0 : i32
      %dma_start3A_42 = tpu.memref_slice %arg2[%dma_start3A_40, %dma_start3A_41] : memref<16384x128xf32, #tpu.memory_space<hbm>> -> memref<16384x128xf32, #tpu.memory_space<hbm>>
      tpu.enqueue_indirect_dma source(%dma_start3A_42 : memref<16384x128xf32, #tpu.memory_space<hbm>>) target(%arg9 : memref<128x128xf32, #tpu.memory_space<vmem>>) offsets(%dma_start3A_39 : memref<128xi32, #tpu.memory_space<vmem>>) semaphore(%arg13 : memref<!tpu.dma_semaphore, #tpu.memory_space<semaphore_mem>>)
      %add3A_43 = arith.constant 0 : i32
      %add3A_44 = arith.addi %multiple_of3A_15, %add3A_43 : i32
      %multiple_of3A_45 = tpu.assume_multiple %add3A_44, 128 : i32
      %dma_wait3A = tpu.memref_slice %arg5[%multiple_of3A_45] : memref<10240xi32, #tpu.memory_space<vmem>> -> memref<128xi32, #tpu.memory_space<vmem>>
      %dma_wait3A_46 = arith.constant 0 : i32
      %dma_wait3A_47 = arith.constant 0 : i32
      %dma_wait3A_48 = tpu.memref_slice %arg2[%dma_wait3A_46, %dma_wait3A_47] : memref<16384x128xf32, #tpu.memory_space<hbm>> -> memref<16384x128xf32, #tpu.memory_space<hbm>>
      tpu.wait_indirect_dma semaphore(%arg10 : memref<!tpu.dma_semaphore, #tpu.memory_space<semaphore_mem>>) src(%dma_wait3A_48 : memref<16384x128xf32, #tpu.memory_space<hbm>>) dst(%arg6 : memref<128x128xf32, #tpu.memory_space<vmem>>)
      %add3A_49 = arith.addi %multiple_of3A, %multiple_of3A_45 : i32
      "tpu.region"() ({
        %run_scoped3A = tpu.sem_alloc : memref<!tpu.dma_semaphore, #tpu.memory_space<semaphore_mem>>
        %dma_start3A_75 = arith.constant 0 : i32
        %dma_start3A_76 = tpu.memref_slice %arg4[%add3A_49, %dma_start3A_75] : memref<327680x128xf32, #tpu.memory_space<hbm>> -> memref<128x128xf32, #tpu.memory_space<hbm>>
        %dma_start3A_77 = arith.constant 0 : i32
        %dma_start3A_78 = tpu.memref_slice %arg4[%add3A_49, %dma_start3A_77] : memref<327680x128xf32, #tpu.memory_space<hbm>> -> memref<128x128xf32, #tpu.memory_space<hbm>>
        tpu.enqueue_dma source(%arg6 : memref<128x128xf32, #tpu.memory_space<vmem>>) target(%dma_start3A_78 : memref<128x128xf32, #tpu.memory_space<hbm>>) target_semaphore(%run_scoped3A : memref<!tpu.dma_semaphore, #tpu.memory_space<semaphore_mem>>)
        %dma_wait3A_79 = arith.constant 0 : i32
        %dma_wait3A_80 = tpu.memref_slice %arg4[%add3A_49, %dma_wait3A_79] : memref<327680x128xf32, #tpu.memory_space<hbm>> -> memref<128x128xf32, #tpu.memory_space<hbm>>
        %dma_wait3A_81 = arith.constant 0 : i32
        %dma_wait3A_82 = tpu.memref_slice %arg4[%add3A_49, %dma_wait3A_81] : memref<327680x128xf32, #tpu.memory_space<hbm>> -> memref<128x128xf32, #tpu.memory_space<hbm>>
        tpu.wait_dma2 semaphore(%run_scoped3A : memref<!tpu.dma_semaphore, #tpu.memory_space<semaphore_mem>>) src(%arg6 : memref<128x128xf32, #tpu.memory_space<vmem>>) dst(%dma_wait3A_82 : memref<128x128xf32, #tpu.memory_space<hbm>>)
        tpu.yield
      }) : () -> ()
      %add3A_50 = arith.constant 128 : i32
      %add3A_51 = arith.addi %multiple_of3A_15, %add3A_50 : i32
      %multiple_of3A_52 = tpu.assume_multiple %add3A_51, 128 : i32
      %dma_wait3A_53 = tpu.memref_slice %arg5[%multiple_of3A_52] : memref<10240xi32, #tpu.memory_space<vmem>> -> memref<128xi32, #tpu.memory_space<vmem>>
      %dma_wait3A_54 = arith.constant 0 : i32
      %dma_wait3A_55 = arith.constant 0 : i32
      %dma_wait3A_56 = tpu.memref_slice %arg2[%dma_wait3A_54, %dma_wait3A_55] : memref<16384x128xf32, #tpu.memory_space<hbm>> -> memref<16384x128xf32, #tpu.memory_space<hbm>>
      tpu.wait_indirect_dma semaphore(%arg11 : memref<!tpu.dma_semaphore, #tpu.memory_space<semaphore_mem>>) src(%dma_wait3A_56 : memref<16384x128xf32, #tpu.memory_space<hbm>>) dst(%arg7 : memref<128x128xf32, #tpu.memory_space<vmem>>)
      %add3A_57 = arith.addi %multiple_of3A, %multiple_of3A_52 : i32
      "tpu.region"() ({
        %run_scoped3A = tpu.sem_alloc : memref<!tpu.dma_semaphore, #tpu.memory_space<semaphore_mem>>
        %dma_start3A_75 = arith.constant 0 : i32
        %dma_start3A_76 = tpu.memref_slice %arg4[%add3A_57, %dma_start3A_75] : memref<327680x128xf32, #tpu.memory_space<hbm>> -> memref<128x128xf32, #tpu.memory_space<hbm>>
        %dma_start3A_77 = arith.constant 0 : i32
        %dma_start3A_78 = tpu.memref_slice %arg4[%add3A_57, %dma_start3A_77] : memref<327680x128xf32, #tpu.memory_space<hbm>> -> memref<128x128xf32, #tpu.memory_space<hbm>>
        tpu.enqueue_dma source(%arg7 : memref<128x128xf32, #tpu.memory_space<vmem>>) target(%dma_start3A_78 : memref<128x128xf32, #tpu.memory_space<hbm>>) target_semaphore(%run_scoped3A : memref<!tpu.dma_semaphore, #tpu.memory_space<semaphore_mem>>)
        %dma_wait3A_79 = arith.constant 0 : i32
        %dma_wait3A_80 = tpu.memref_slice %arg4[%add3A_57, %dma_wait3A_79] : memref<327680x128xf32, #tpu.memory_space<hbm>> -> memref<128x128xf32, #tpu.memory_space<hbm>>
        %dma_wait3A_81 = arith.constant 0 : i32
        %dma_wait3A_82 = tpu.memref_slice %arg4[%add3A_57, %dma_wait3A_81] : memref<327680x128xf32, #tpu.memory_space<hbm>> -> memref<128x128xf32, #tpu.memory_space<hbm>>
        tpu.wait_dma2 semaphore(%run_scoped3A : memref<!tpu.dma_semaphore, #tpu.memory_space<semaphore_mem>>) src(%arg7 : memref<128x128xf32, #tpu.memory_space<vmem>>) dst(%dma_wait3A_82 : memref<128x128xf32, #tpu.memory_space<hbm>>)
        tpu.yield
      }) : () -> ()
      %add3A_58 = arith.constant 256 : i32
      %add3A_59 = arith.addi %multiple_of3A_15, %add3A_58 : i32
      %multiple_of3A_60 = tpu.assume_multiple %add3A_59, 128 : i32
      %dma_wait3A_61 = tpu.memref_slice %arg5[%multiple_of3A_60] : memref<10240xi32, #tpu.memory_space<vmem>> -> memref<128xi32, #tpu.memory_space<vmem>>
      %dma_wait3A_62 = arith.constant 0 : i32
      %dma_wait3A_63 = arith.constant 0 : i32
      %dma_wait3A_64 = tpu.memref_slice %arg2[%dma_wait3A_62, %dma_wait3A_63] : memref<16384x128xf32, #tpu.memory_space<hbm>> -> memref<16384x128xf32, #tpu.memory_space<hbm>>
      tpu.wait_indirect_dma semaphore(%arg12 : memref<!tpu.dma_semaphore, #tpu.memory_space<semaphore_mem>>) src(%dma_wait3A_64 : memref<16384x128xf32, #tpu.memory_space<hbm>>) dst(%arg8 : memref<128x128xf32, #tpu.memory_space<vmem>>)
      %add3A_65 = arith.addi %multiple_of3A, %multiple_of3A_60 : i32
      "tpu.region"() ({
        %run_scoped3A = tpu.sem_alloc : memref<!tpu.dma_semaphore, #tpu.memory_space<semaphore_mem>>
        %dma_start3A_75 = arith.constant 0 : i32
        %dma_start3A_76 = tpu.memref_slice %arg4[%add3A_65, %dma_start3A_75] : memref<327680x128xf32, #tpu.memory_space<hbm>> -> memref<128x128xf32, #tpu.memory_space<hbm>>
        %dma_start3A_77 = arith.constant 0 : i32
        %dma_start3A_78 = tpu.memref_slice %arg4[%add3A_65, %dma_start3A_77] : memref<327680x128xf32, #tpu.memory_space<hbm>> -> memref<128x128xf32, #tpu.memory_space<hbm>>
        tpu.enqueue_dma source(%arg8 : memref<128x128xf32, #tpu.memory_space<vmem>>) target(%dma_start3A_78 : memref<128x128xf32, #tpu.memory_space<hbm>>) target_semaphore(%run_scoped3A : memref<!tpu.dma_semaphore, #tpu.memory_space<semaphore_mem>>)
        %dma_wait3A_79 = arith.constant 0 : i32
        %dma_wait3A_80 = tpu.memref_slice %arg4[%add3A_65, %dma_wait3A_79] : memref<327680x128xf32, #tpu.memory_space<hbm>> -> memref<128x128xf32, #tpu.memory_space<hbm>>
        %dma_wait3A_81 = arith.constant 0 : i32
        %dma_wait3A_82 = tpu.memref_slice %arg4[%add3A_65, %dma_wait3A_81] : memref<327680x128xf32, #tpu.memory_space<hbm>> -> memref<128x128xf32, #tpu.memory_space<hbm>>
        tpu.wait_dma2 semaphore(%run_scoped3A : memref<!tpu.dma_semaphore, #tpu.memory_space<semaphore_mem>>) src(%arg8 : memref<128x128xf32, #tpu.memory_space<vmem>>) dst(%dma_wait3A_82 : memref<128x128xf32, #tpu.memory_space<hbm>>)
        tpu.yield
      }) : () -> ()
      %add3A_66 = arith.constant 384 : i32
      %add3A_67 = arith.addi %multiple_of3A_15, %add3A_66 : i32
      %multiple_of3A_68 = tpu.assume_multiple %add3A_67, 128 : i32
      %dma_wait3A_69 = tpu.memref_slice %arg5[%multiple_of3A_68] : memref<10240xi32, #tpu.memory_space<vmem>> -> memref<128xi32, #tpu.memory_space<vmem>>
      %dma_wait3A_70 = arith.constant 0 : i32
      %dma_wait3A_71 = arith.constant 0 : i32
      %dma_wait3A_72 = tpu.memref_slice %arg2[%dma_wait3A_70, %dma_wait3A_71] : memref<16384x128xf32, #tpu.memory_space<hbm>> -> memref<16384x128xf32, #tpu.memory_space<hbm>>
      tpu.wait_indirect_dma semaphore(%arg13 : memref<!tpu.dma_semaphore, #tpu.memory_space<semaphore_mem>>) src(%dma_wait3A_72 : memref<16384x128xf32, #tpu.memory_space<hbm>>) dst(%arg9 : memref<128x128xf32, #tpu.memory_space<vmem>>)
      %add3A_73 = arith.addi %multiple_of3A, %multiple_of3A_68 : i32
      "tpu.region"() ({
        %run_scoped3A = tpu.sem_alloc : memref<!tpu.dma_semaphore, #tpu.memory_space<semaphore_mem>>
        %dma_start3A_75 = arith.constant 0 : i32
        %dma_start3A_76 = tpu.memref_slice %arg4[%add3A_73, %dma_start3A_75] : memref<327680x128xf32, #tpu.memory_space<hbm>> -> memref<128x128xf32, #tpu.memory_space<hbm>>
        %dma_start3A_77 = arith.constant 0 : i32
        %dma_start3A_78 = tpu.memref_slice %arg4[%add3A_73, %dma_start3A_77] : memref<327680x128xf32, #tpu.memory_space<hbm>> -> memref<128x128xf32, #tpu.memory_space<hbm>>
        tpu.enqueue_dma source(%arg9 : memref<128x128xf32, #tpu.memory_space<vmem>>) target(%dma_start3A_78 : memref<128x128xf32, #tpu.memory_space<hbm>>) target_semaphore(%run_scoped3A : memref<!tpu.dma_semaphore, #tpu.memory_space<semaphore_mem>>)
        %dma_wait3A_79 = arith.constant 0 : i32
        %dma_wait3A_80 = tpu.memref_slice %arg4[%add3A_73, %dma_wait3A_79] : memref<327680x128xf32, #tpu.memory_space<hbm>> -> memref<128x128xf32, #tpu.memory_space<hbm>>
        %dma_wait3A_81 = arith.constant 0 : i32
        %dma_wait3A_82 = tpu.memref_slice %arg4[%add3A_73, %dma_wait3A_81] : memref<327680x128xf32, #tpu.memory_space<hbm>> -> memref<128x128xf32, #tpu.memory_space<hbm>>
        tpu.wait_dma2 semaphore(%run_scoped3A : memref<!tpu.dma_semaphore, #tpu.memory_space<semaphore_mem>>) src(%arg9 : memref<128x128xf32, #tpu.memory_space<vmem>>) dst(%dma_wait3A_82 : memref<128x128xf32, #tpu.memory_space<hbm>>)
        tpu.yield
      }) : () -> ()
      %scan3A_74 = arith.constant 0 : i32
      scf.yield %scan3A_74 : i32
    }
    %scan3A_8 = arith.constant 20 : i32
    return
  }
}

#map = affine_map<(d0, d1) -> (0, 0)>
#map1 = affine_map<(d0, d1) -> (0)>
module attributes {stable_mosaic.version = 14 : i64} {
  func.func @gather_kernel(%arg0: i32, %arg1: i32, %arg2: memref<16384x128xf32, #tpu.memory_space<hbm>>, %arg3: memref<327680xi32, #tpu.memory_space<hbm>>, %arg4: memref<327680x128xf32, #tpu.memory_space<hbm>>, %arg5: memref<10240xi32, #tpu.memory_space<vmem>>, %arg6: memref<128x128xf32, #tpu.memory_space<vmem>>, %arg7: memref<128x128xf32, #tpu.memory_space<vmem>>, %arg8: memref<128x128xf32, #tpu.memory_space<vmem>>, %arg9: memref<128x128xf32, #tpu.memory_space<vmem>>, %arg10: memref<!tpu.dma_semaphore, #tpu.memory_space<semaphore_mem>>, %arg11: memref<!tpu.dma_semaphore, #tpu.memory_space<semaphore_mem>>, %arg12: memref<!tpu.dma_semaphore, #tpu.memory_space<semaphore_mem>>, %arg13: memref<!tpu.dma_semaphore, #tpu.memory_space<semaphore_mem>>) attributes {dimension_semantics = [#tpu.dimension_semantics<core_parallel>, #tpu.dimension_semantics<subcore_parallel>], iteration_bounds = array<i64: 2, 16>, scalar_prefetch = 0 : i64, scratch_operands = 9 : i64, tpu.core_type = #tpu.core_type<sc_vector_subcore>, window_params = [{transform_indices = #map}, {transform_indices = #map1}, {transform_indices = #map}]} {
    %mul3A = arith.constant 2 : i32
    %mul3A_0 = arith.muli %arg1, %mul3A : i32
    %add3A = arith.addi %mul3A_0, %arg0 : i32
    %mul3A_1 = arith.constant 10240 : i32
    %mul3A_2 = arith.muli %add3A, %mul3A_1 : i32
    %multiple_of3A = tpu.assume_multiple %mul3A_2, 128 : i32
    "tpu.region"() ({
      %run_scoped3A = tpu.sem_alloc : memref<!tpu.dma_semaphore, #tpu.memory_space<semaphore_mem>>
      %dma_start3A = tpu.memref_slice %arg3[%multiple_of3A] : memref<327680xi32, #tpu.memory_space<hbm>> -> memref<10240xi32, #tpu.memory_space<hbm>>
      %dma_start3A_9 = tpu.memref_slice %arg3[%multiple_of3A] : memref<327680xi32, #tpu.memory_space<hbm>> -> memref<10240xi32, #tpu.memory_space<hbm>>
      tpu.enqueue_dma source(%dma_start3A_9 : memref<10240xi32, #tpu.memory_space<hbm>>) target(%arg5 : memref<10240xi32, #tpu.memory_space<vmem>>) target_semaphore(%run_scoped3A : memref<!tpu.dma_semaphore, #tpu.memory_space<semaphore_mem>>)
      %dma_wait3A = tpu.memref_slice %arg3[%multiple_of3A] : memref<327680xi32, #tpu.memory_space<hbm>> -> memref<10240xi32, #tpu.memory_space<hbm>>
      %dma_wait3A_10 = tpu.memref_slice %arg3[%multiple_of3A] : memref<327680xi32, #tpu.memory_space<hbm>> -> memref<10240xi32, #tpu.memory_space<hbm>>
      tpu.wait_dma2 semaphore(%run_scoped3A : memref<!tpu.dma_semaphore, #tpu.memory_space<semaphore_mem>>) src(%dma_wait3A_10 : memref<10240xi32, #tpu.memory_space<hbm>>) dst(%arg5 : memref<10240xi32, #tpu.memory_space<vmem>>)
      tpu.yield
    }) : () -> ()
    %scan3A = arith.constant 0 : i32
    %scan3A_3 = arith.constant 0 : i32
    %scan3A_4 = arith.constant 20 : i32
    %scan3A_5 = arith.addi %scan3A_3, %scan3A_4 : i32
    %scan3A_6 = arith.constant 1 : i32
    %scan3A_7 = scf.for %scan3A_9 = %scan3A_3 to %scan3A_5 step %scan3A_6 iter_args(%scan3A_10 = %scan3A) -> (i32)  : i32 {
      %mul3A_11 = arith.constant 4 : i32
      %mul3A_12 = arith.muli %scan3A_9, %mul3A_11 : i32
      %mul3A_13 = arith.constant 128 : i32
      %mul3A_14 = arith.muli %mul3A_12, %mul3A_13 : i32
      %multiple_of3A_15 = tpu.assume_multiple %mul3A_14, 128 : i32
      %add3A_16 = arith.constant 0 : i32
      %add3A_17 = arith.addi %multiple_of3A_15, %add3A_16 : i32
      %multiple_of3A_18 = tpu.assume_multiple %add3A_17, 128 : i32
      %dma_start3A = tpu.memref_slice %arg5[%multiple_of3A_18] : memref<10240xi32, #tpu.memory_space<vmem>> -> memref<128xi32, #tpu.memory_space<vmem>>
      %dma_start3A_19 = arith.constant 0 : i32
      %dma_start3A_20 = arith.constant 0 : i32
      %dma_start3A_21 = tpu.memref_slice %arg2[%dma_start3A_19, %dma_start3A_20] : memref<16384x128xf32, #tpu.memory_space<hbm>> -> memref<16384x128xf32, #tpu.memory_space<hbm>>
      tpu.enqueue_indirect_dma source(%dma_start3A_21 : memref<16384x128xf32, #tpu.memory_space<hbm>>) target(%arg6 : memref<128x128xf32, #tpu.memory_space<vmem>>) offsets(%dma_start3A : memref<128xi32, #tpu.memory_space<vmem>>) semaphore(%arg10 : memref<!tpu.dma_semaphore, #tpu.memory_space<semaphore_mem>>)
      %add3A_22 = arith.constant 128 : i32
      %add3A_23 = arith.addi %multiple_of3A_15, %add3A_22 : i32
      %multiple_of3A_24 = tpu.assume_multiple %add3A_23, 128 : i32
      %dma_start3A_25 = tpu.memref_slice %arg5[%multiple_of3A_24] : memref<10240xi32, #tpu.memory_space<vmem>> -> memref<128xi32, #tpu.memory_space<vmem>>
      %dma_start3A_26 = arith.constant 0 : i32
      %dma_start3A_27 = arith.constant 0 : i32
      %dma_start3A_28 = tpu.memref_slice %arg2[%dma_start3A_26, %dma_start3A_27] : memref<16384x128xf32, #tpu.memory_space<hbm>> -> memref<16384x128xf32, #tpu.memory_space<hbm>>
      tpu.enqueue_indirect_dma source(%dma_start3A_28 : memref<16384x128xf32, #tpu.memory_space<hbm>>) target(%arg7 : memref<128x128xf32, #tpu.memory_space<vmem>>) offsets(%dma_start3A_25 : memref<128xi32, #tpu.memory_space<vmem>>) semaphore(%arg11 : memref<!tpu.dma_semaphore, #tpu.memory_space<semaphore_mem>>)
      %add3A_29 = arith.constant 256 : i32
      %add3A_30 = arith.addi %multiple_of3A_15, %add3A_29 : i32
      %multiple_of3A_31 = tpu.assume_multiple %add3A_30, 128 : i32
      %dma_start3A_32 = tpu.memref_slice %arg5[%multiple_of3A_31] : memref<10240xi32, #tpu.memory_space<vmem>> -> memref<128xi32, #tpu.memory_space<vmem>>
      %dma_start3A_33 = arith.constant 0 : i32
      %dma_start3A_34 = arith.constant 0 : i32
      %dma_start3A_35 = tpu.memref_slice %arg2[%dma_start3A_33, %dma_start3A_34] : memref<16384x128xf32, #tpu.memory_space<hbm>> -> memref<16384x128xf32, #tpu.memory_space<hbm>>
      tpu.enqueue_indirect_dma source(%dma_start3A_35 : memref<16384x128xf32, #tpu.memory_space<hbm>>) target(%arg8 : memref<128x128xf32, #tpu.memory_space<vmem>>) offsets(%dma_start3A_32 : memref<128xi32, #tpu.memory_space<vmem>>) semaphore(%arg12 : memref<!tpu.dma_semaphore, #tpu.memory_space<semaphore_mem>>)
      %add3A_36 = arith.constant 384 : i32
      %add3A_37 = arith.addi %multiple_of3A_15, %add3A_36 : i32
      %multiple_of3A_38 = tpu.assume_multiple %add3A_37, 128 : i32
      %dma_start3A_39 = tpu.memref_slice %arg5[%multiple_of3A_38] : memref<10240xi32, #tpu.memory_space<vmem>> -> memref<128xi32, #tpu.memory_space<vmem>>
      %dma_start3A_40 = arith.constant 0 : i32
      %dma_start3A_41 = arith.constant 0 : i32
      %dma_start3A_42 = tpu.memref_slice %arg2[%dma_start3A_40, %dma_start3A_41] : memref<16384x128xf32, #tpu.memory_space<hbm>> -> memref<16384x128xf32, #tpu.memory_space<hbm>>
      tpu.enqueue_indirect_dma source(%dma_start3A_42 : memref<16384x128xf32, #tpu.memory_space<hbm>>) target(%arg9 : memref<128x128xf32, #tpu.memory_space<vmem>>) offsets(%dma_start3A_39 : memref<128xi32, #tpu.memory_space<vmem>>) semaphore(%arg13 : memref<!tpu.dma_semaphore, #tpu.memory_space<semaphore_mem>>)
      %add3A_43 = arith.constant 0 : i32
      %add3A_44 = arith.addi %multiple_of3A_15, %add3A_43 : i32
      %multiple_of3A_45 = tpu.assume_multiple %add3A_44, 128 : i32
      %dma_wait3A = tpu.memref_slice %arg5[%multiple_of3A_45] : memref<10240xi32, #tpu.memory_space<vmem>> -> memref<128xi32, #tpu.memory_space<vmem>>
      %dma_wait3A_46 = arith.constant 0 : i32
      %dma_wait3A_47 = arith.constant 0 : i32
      %dma_wait3A_48 = tpu.memref_slice %arg2[%dma_wait3A_46, %dma_wait3A_47] : memref<16384x128xf32, #tpu.memory_space<hbm>> -> memref<16384x128xf32, #tpu.memory_space<hbm>>
      tpu.wait_indirect_dma semaphore(%arg10 : memref<!tpu.dma_semaphore, #tpu.memory_space<semaphore_mem>>) src(%dma_wait3A_48 : memref<16384x128xf32, #tpu.memory_space<hbm>>) dst(%arg6 : memref<128x128xf32, #tpu.memory_space<vmem>>)
      %add3A_49 = arith.addi %multiple_of3A, %multiple_of3A_45 : i32
      "tpu.region"() ({
        %run_scoped3A = tpu.sem_alloc : memref<!tpu.dma_semaphore, #tpu.memory_space<semaphore_mem>>
        %dma_start3A_75 = arith.constant 0 : i32
        %dma_start3A_76 = tpu.memref_slice %arg4[%add3A_49, %dma_start3A_75] : memref<327680x128xf32, #tpu.memory_space<hbm>> -> memref<128x128xf32, #tpu.memory_space<hbm>>
        %dma_start3A_77 = arith.constant 0 : i32
        %dma_start3A_78 = tpu.memref_slice %arg4[%add3A_49, %dma_start3A_77] : memref<327680x128xf32, #tpu.memory_space<hbm>> -> memref<128x128xf32, #tpu.memory_space<hbm>>
        tpu.enqueue_dma source(%arg6 : memref<128x128xf32, #tpu.memory_space<vmem>>) target(%dma_start3A_78 : memref<128x128xf32, #tpu.memory_space<hbm>>) target_semaphore(%run_scoped3A : memref<!tpu.dma_semaphore, #tpu.memory_space<semaphore_mem>>)
        %dma_wait3A_79 = arith.constant 0 : i32
        %dma_wait3A_80 = tpu.memref_slice %arg4[%add3A_49, %dma_wait3A_79] : memref<327680x128xf32, #tpu.memory_space<hbm>> -> memref<128x128xf32, #tpu.memory_space<hbm>>
        %dma_wait3A_81 = arith.constant 0 : i32
        %dma_wait3A_82 = tpu.memref_slice %arg4[%add3A_49, %dma_wait3A_81] : memref<327680x128xf32, #tpu.memory_space<hbm>> -> memref<128x128xf32, #tpu.memory_space<hbm>>
        tpu.wait_dma2 semaphore(%run_scoped3A : memref<!tpu.dma_semaphore, #tpu.memory_space<semaphore_mem>>) src(%arg6 : memref<128x128xf32, #tpu.memory_space<vmem>>) dst(%dma_wait3A_82 : memref<128x128xf32, #tpu.memory_space<hbm>>)
        tpu.yield
      }) : () -> ()
      %add3A_50 = arith.constant 128 : i32
      %add3A_51 = arith.addi %multiple_of3A_15, %add3A_50 : i32
      %multiple_of3A_52 = tpu.assume_multiple %add3A_51, 128 : i32
      %dma_wait3A_53 = tpu.memref_slice %arg5[%multiple_of3A_52] : memref<10240xi32, #tpu.memory_space<vmem>> -> memref<128xi32, #tpu.memory_space<vmem>>
      %dma_wait3A_54 = arith.constant 0 : i32
      %dma_wait3A_55 = arith.constant 0 : i32
      %dma_wait3A_56 = tpu.memref_slice %arg2[%dma_wait3A_54, %dma_wait3A_55] : memref<16384x128xf32, #tpu.memory_space<hbm>> -> memref<16384x128xf32, #tpu.memory_space<hbm>>
      tpu.wait_indirect_dma semaphore(%arg11 : memref<!tpu.dma_semaphore, #tpu.memory_space<semaphore_mem>>) src(%dma_wait3A_56 : memref<16384x128xf32, #tpu.memory_space<hbm>>) dst(%arg7 : memref<128x128xf32, #tpu.memory_space<vmem>>)
      %add3A_57 = arith.addi %multiple_of3A, %multiple_of3A_52 : i32
      "tpu.region"() ({
        %run_scoped3A = tpu.sem_alloc : memref<!tpu.dma_semaphore, #tpu.memory_space<semaphore_mem>>
        %dma_start3A_75 = arith.constant 0 : i32
        %dma_start3A_76 = tpu.memref_slice %arg4[%add3A_57, %dma_start3A_75] : memref<327680x128xf32, #tpu.memory_space<hbm>> -> memref<128x128xf32, #tpu.memory_space<hbm>>
        %dma_start3A_77 = arith.constant 0 : i32
        %dma_start3A_78 = tpu.memref_slice %arg4[%add3A_57, %dma_start3A_77] : memref<327680x128xf32, #tpu.memory_space<hbm>> -> memref<128x128xf32, #tpu.memory_space<hbm>>
        tpu.enqueue_dma source(%arg7 : memref<128x128xf32, #tpu.memory_space<vmem>>) target(%dma_start3A_78 : memref<128x128xf32, #tpu.memory_space<hbm>>) target_semaphore(%run_scoped3A : memref<!tpu.dma_semaphore, #tpu.memory_space<semaphore_mem>>)
        %dma_wait3A_79 = arith.constant 0 : i32
        %dma_wait3A_80 = tpu.memref_slice %arg4[%add3A_57, %dma_wait3A_79] : memref<327680x128xf32, #tpu.memory_space<hbm>> -> memref<128x128xf32, #tpu.memory_space<hbm>>
        %dma_wait3A_81 = arith.constant 0 : i32
        %dma_wait3A_82 = tpu.memref_slice %arg4[%add3A_57, %dma_wait3A_81] : memref<327680x128xf32, #tpu.memory_space<hbm>> -> memref<128x128xf32, #tpu.memory_space<hbm>>
        tpu.wait_dma2 semaphore(%run_scoped3A : memref<!tpu.dma_semaphore, #tpu.memory_space<semaphore_mem>>) src(%arg7 : memref<128x128xf32, #tpu.memory_space<vmem>>) dst(%dma_wait3A_82 : memref<128x128xf32, #tpu.memory_space<hbm>>)
        tpu.yield
      }) : () -> ()
      %add3A_58 = arith.constant 256 : i32
      %add3A_59 = arith.addi %multiple_of3A_15, %add3A_58 : i32
      %multiple_of3A_60 = tpu.assume_multiple %add3A_59, 128 : i32
      %dma_wait3A_61 = tpu.memref_slice %arg5[%multiple_of3A_60] : memref<10240xi32, #tpu.memory_space<vmem>> -> memref<128xi32, #tpu.memory_space<vmem>>
      %dma_wait3A_62 = arith.constant 0 : i32
      %dma_wait3A_63 = arith.constant 0 : i32
      %dma_wait3A_64 = tpu.memref_slice %arg2[%dma_wait3A_62, %dma_wait3A_63] : memref<16384x128xf32, #tpu.memory_space<hbm>> -> memref<16384x128xf32, #tpu.memory_space<hbm>>
      tpu.wait_indirect_dma semaphore(%arg12 : memref<!tpu.dma_semaphore, #tpu.memory_space<semaphore_mem>>) src(%dma_wait3A_64 : memref<16384x128xf32, #tpu.memory_space<hbm>>) dst(%arg8 : memref<128x128xf32, #tpu.memory_space<vmem>>)
      %add3A_65 = arith.addi %multiple_of3A, %multiple_of3A_60 : i32
      "tpu.region"() ({
        %run_scoped3A = tpu.sem_alloc : memref<!tpu.dma_semaphore, #tpu.memory_space<semaphore_mem>>
        %dma_start3A_75 = arith.constant 0 : i32
        %dma_start3A_76 = tpu.memref_slice %arg4[%add3A_65, %dma_start3A_75] : memref<327680x128xf32, #tpu.memory_space<hbm>> -> memref<128x128xf32, #tpu.memory_space<hbm>>
        %dma_start3A_77 = arith.constant 0 : i32
        %dma_start3A_78 = tpu.memref_slice %arg4[%add3A_65, %dma_start3A_77] : memref<327680x128xf32, #tpu.memory_space<hbm>> -> memref<128x128xf32, #tpu.memory_space<hbm>>
        tpu.enqueue_dma source(%arg8 : memref<128x128xf32, #tpu.memory_space<vmem>>) target(%dma_start3A_78 : memref<128x128xf32, #tpu.memory_space<hbm>>) target_semaphore(%run_scoped3A : memref<!tpu.dma_semaphore, #tpu.memory_space<semaphore_mem>>)
        %dma_wait3A_79 = arith.constant 0 : i32
        %dma_wait3A_80 = tpu.memref_slice %arg4[%add3A_65, %dma_wait3A_79] : memref<327680x128xf32, #tpu.memory_space<hbm>> -> memref<128x128xf32, #tpu.memory_space<hbm>>
        %dma_wait3A_81 = arith.constant 0 : i32
        %dma_wait3A_82 = tpu.memref_slice %arg4[%add3A_65, %dma_wait3A_81] : memref<327680x128xf32, #tpu.memory_space<hbm>> -> memref<128x128xf32, #tpu.memory_space<hbm>>
        tpu.wait_dma2 semaphore(%run_scoped3A : memref<!tpu.dma_semaphore, #tpu.memory_space<semaphore_mem>>) src(%arg8 : memref<128x128xf32, #tpu.memory_space<vmem>>) dst(%dma_wait3A_82 : memref<128x128xf32, #tpu.memory_space<hbm>>)
        tpu.yield
      }) : () -> ()
      %add3A_66 = arith.constant 384 : i32
      %add3A_67 = arith.addi %multiple_of3A_15, %add3A_66 : i32
      %multiple_of3A_68 = tpu.assume_multiple %add3A_67, 128 : i32
      %dma_wait3A_69 = tpu.memref_slice %arg5[%multiple_of3A_68] : memref<10240xi32, #tpu.memory_space<vmem>> -> memref<128xi32, #tpu.memory_space<vmem>>
      %dma_wait3A_70 = arith.constant 0 : i32
      %dma_wait3A_71 = arith.constant 0 : i32
      %dma_wait3A_72 = tpu.memref_slice %arg2[%dma_wait3A_70, %dma_wait3A_71] : memref<16384x128xf32, #tpu.memory_space<hbm>> -> memref<16384x128xf32, #tpu.memory_space<hbm>>
      tpu.wait_indirect_dma semaphore(%arg13 : memref<!tpu.dma_semaphore, #tpu.memory_space<semaphore_mem>>) src(%dma_wait3A_72 : memref<16384x128xf32, #tpu.memory_space<hbm>>) dst(%arg9 : memref<128x128xf32, #tpu.memory_space<vmem>>)
      %add3A_73 = arith.addi %multiple_of3A, %multiple_of3A_68 : i32
      "tpu.region"() ({
        %run_scoped3A = tpu.sem_alloc : memref<!tpu.dma_semaphore, #tpu.memory_space<semaphore_mem>>
        %dma_start3A_75 = arith.constant 0 : i32
        %dma_start3A_76 = tpu.memref_slice %arg4[%add3A_73, %dma_start3A_75] : memref<327680x128xf32, #tpu.memory_space<hbm>> -> memref<128x128xf32, #tpu.memory_space<hbm>>
        %dma_start3A_77 = arith.constant 0 : i32
        %dma_start3A_78 = tpu.memref_slice %arg4[%add3A_73, %dma_start3A_77] : memref<327680x128xf32, #tpu.memory_space<hbm>> -> memref<128x128xf32, #tpu.memory_space<hbm>>
        tpu.enqueue_dma source(%arg9 : memref<128x128xf32, #tpu.memory_space<vmem>>) target(%dma_start3A_78 : memref<128x128xf32, #tpu.memory_space<hbm>>) target_semaphore(%run_scoped3A : memref<!tpu.dma_semaphore, #tpu.memory_space<semaphore_mem>>)
        %dma_wait3A_79 = arith.constant 0 : i32
        %dma_wait3A_80 = tpu.memref_slice %arg4[%add3A_73, %dma_wait3A_79] : memref<327680x128xf32, #tpu.memory_space<hbm>> -> memref<128x128xf32, #tpu.memory_space<hbm>>
        %dma_wait3A_81 = arith.constant 0 : i32
        %dma_wait3A_82 = tpu.memref_slice %arg4[%add3A_73, %dma_wait3A_81] : memref<327680x128xf32, #tpu.memory_space<hbm>> -> memref<128x128xf32, #tpu.memory_space<hbm>>
        tpu.wait_dma2 semaphore(%run_scoped3A : memref<!tpu.dma_semaphore, #tpu.memory_space<semaphore_mem>>) src(%arg9 : memref<128x128xf32, #tpu.memory_space<vmem>>) dst(%dma_wait3A_82 : memref<128x128xf32, #tpu.memory_space<hbm>>)
        tpu.yield
      }) : () -> ()
      %scan3A_74 = arith.constant 0 : i32
      scf.yield %scan3A_74 : i32
    }
    %scan3A_8 = arith.constant 20 : i32
    return
  }
}

#map = affine_map<(d0, d1) -> (0, 0)>
#map1 = affine_map<(d0, d1) -> (0)>
module attributes {stable_mosaic.version = 14 : i64} {
  func.func @gather_kernel(%arg0: i32, %arg1: i32, %arg2: memref<16384x128xf32, #tpu.memory_space<hbm>>, %arg3: memref<327680xi32, #tpu.memory_space<hbm>>, %arg4: memref<327680x128xf32, #tpu.memory_space<hbm>>, %arg5: memref<10240xi32, #tpu.memory_space<vmem>>, %arg6: memref<128x128xf32, #tpu.memory_space<vmem>>, %arg7: memref<128x128xf32, #tpu.memory_space<vmem>>, %arg8: memref<128x128xf32, #tpu.memory_space<vmem>>, %arg9: memref<128x128xf32, #tpu.memory_space<vmem>>, %arg10: memref<!tpu.dma_semaphore, #tpu.memory_space<semaphore_mem>>, %arg11: memref<!tpu.dma_semaphore, #tpu.memory_space<semaphore_mem>>, %arg12: memref<!tpu.dma_semaphore, #tpu.memory_space<semaphore_mem>>, %arg13: memref<!tpu.dma_semaphore, #tpu.memory_space<semaphore_mem>>) attributes {dimension_semantics = [#tpu.dimension_semantics<core_parallel>, #tpu.dimension_semantics<subcore_parallel>], iteration_bounds = array<i64: 2, 16>, scalar_prefetch = 0 : i64, scratch_operands = 9 : i64, tpu.core_type = #tpu.core_type<sc_vector_subcore>, window_params = [{transform_indices = #map}, {transform_indices = #map1}, {transform_indices = #map}]} {
    %mul3A = arith.constant 2 : i32
    %mul3A_0 = arith.muli %arg1, %mul3A : i32
    %add3A = arith.addi %mul3A_0, %arg0 : i32
    %mul3A_1 = arith.constant 10240 : i32
    %mul3A_2 = arith.muli %add3A, %mul3A_1 : i32
    %multiple_of3A = tpu.assume_multiple %mul3A_2, 128 : i32
    "tpu.region"() ({
      %run_scoped3A = tpu.sem_alloc : memref<!tpu.dma_semaphore, #tpu.memory_space<semaphore_mem>>
      %dma_start3A = tpu.memref_slice %arg3[%multiple_of3A] : memref<327680xi32, #tpu.memory_space<hbm>> -> memref<10240xi32, #tpu.memory_space<hbm>>
      %dma_start3A_9 = tpu.memref_slice %arg3[%multiple_of3A] : memref<327680xi32, #tpu.memory_space<hbm>> -> memref<10240xi32, #tpu.memory_space<hbm>>
      tpu.enqueue_dma source(%dma_start3A_9 : memref<10240xi32, #tpu.memory_space<hbm>>) target(%arg5 : memref<10240xi32, #tpu.memory_space<vmem>>) target_semaphore(%run_scoped3A : memref<!tpu.dma_semaphore, #tpu.memory_space<semaphore_mem>>)
      %dma_wait3A = tpu.memref_slice %arg3[%multiple_of3A] : memref<327680xi32, #tpu.memory_space<hbm>> -> memref<10240xi32, #tpu.memory_space<hbm>>
      %dma_wait3A_10 = tpu.memref_slice %arg3[%multiple_of3A] : memref<327680xi32, #tpu.memory_space<hbm>> -> memref<10240xi32, #tpu.memory_space<hbm>>
      tpu.wait_dma2 semaphore(%run_scoped3A : memref<!tpu.dma_semaphore, #tpu.memory_space<semaphore_mem>>) src(%dma_wait3A_10 : memref<10240xi32, #tpu.memory_space<hbm>>) dst(%arg5 : memref<10240xi32, #tpu.memory_space<vmem>>)
      tpu.yield
    }) : () -> ()
    %scan3A = arith.constant 0 : i32
    %scan3A_3 = arith.constant 0 : i32
    %scan3A_4 = arith.constant 20 : i32
    %scan3A_5 = arith.addi %scan3A_3, %scan3A_4 : i32
    %scan3A_6 = arith.constant 1 : i32
    %scan3A_7 = scf.for %scan3A_9 = %scan3A_3 to %scan3A_5 step %scan3A_6 iter_args(%scan3A_10 = %scan3A) -> (i32)  : i32 {
      %mul3A_11 = arith.constant 4 : i32
      %mul3A_12 = arith.muli %scan3A_9, %mul3A_11 : i32
      %mul3A_13 = arith.constant 128 : i32
      %mul3A_14 = arith.muli %mul3A_12, %mul3A_13 : i32
      %multiple_of3A_15 = tpu.assume_multiple %mul3A_14, 128 : i32
      %add3A_16 = arith.constant 0 : i32
      %add3A_17 = arith.addi %multiple_of3A_15, %add3A_16 : i32
      %multiple_of3A_18 = tpu.assume_multiple %add3A_17, 128 : i32
      %dma_start3A = tpu.memref_slice %arg5[%multiple_of3A_18] : memref<10240xi32, #tpu.memory_space<vmem>> -> memref<128xi32, #tpu.memory_space<vmem>>
      %dma_start3A_19 = arith.constant 0 : i32
      %dma_start3A_20 = arith.constant 0 : i32
      %dma_start3A_21 = tpu.memref_slice %arg2[%dma_start3A_19, %dma_start3A_20] : memref<16384x128xf32, #tpu.memory_space<hbm>> -> memref<16384x128xf32, #tpu.memory_space<hbm>>
      tpu.enqueue_indirect_dma source(%dma_start3A_21 : memref<16384x128xf32, #tpu.memory_space<hbm>>) target(%arg6 : memref<128x128xf32, #tpu.memory_space<vmem>>) offsets(%dma_start3A : memref<128xi32, #tpu.memory_space<vmem>>) semaphore(%arg10 : memref<!tpu.dma_semaphore, #tpu.memory_space<semaphore_mem>>)
      %add3A_22 = arith.constant 128 : i32
      %add3A_23 = arith.addi %multiple_of3A_15, %add3A_22 : i32
      %multiple_of3A_24 = tpu.assume_multiple %add3A_23, 128 : i32
      %dma_start3A_25 = tpu.memref_slice %arg5[%multiple_of3A_24] : memref<10240xi32, #tpu.memory_space<vmem>> -> memref<128xi32, #tpu.memory_space<vmem>>
      %dma_start3A_26 = arith.constant 0 : i32
      %dma_start3A_27 = arith.constant 0 : i32
      %dma_start3A_28 = tpu.memref_slice %arg2[%dma_start3A_26, %dma_start3A_27] : memref<16384x128xf32, #tpu.memory_space<hbm>> -> memref<16384x128xf32, #tpu.memory_space<hbm>>
      tpu.enqueue_indirect_dma source(%dma_start3A_28 : memref<16384x128xf32, #tpu.memory_space<hbm>>) target(%arg7 : memref<128x128xf32, #tpu.memory_space<vmem>>) offsets(%dma_start3A_25 : memref<128xi32, #tpu.memory_space<vmem>>) semaphore(%arg11 : memref<!tpu.dma_semaphore, #tpu.memory_space<semaphore_mem>>)
      %add3A_29 = arith.constant 256 : i32
      %add3A_30 = arith.addi %multiple_of3A_15, %add3A_29 : i32
      %multiple_of3A_31 = tpu.assume_multiple %add3A_30, 128 : i32
      %dma_start3A_32 = tpu.memref_slice %arg5[%multiple_of3A_31] : memref<10240xi32, #tpu.memory_space<vmem>> -> memref<128xi32, #tpu.memory_space<vmem>>
      %dma_start3A_33 = arith.constant 0 : i32
      %dma_start3A_34 = arith.constant 0 : i32
      %dma_start3A_35 = tpu.memref_slice %arg2[%dma_start3A_33, %dma_start3A_34] : memref<16384x128xf32, #tpu.memory_space<hbm>> -> memref<16384x128xf32, #tpu.memory_space<hbm>>
      tpu.enqueue_indirect_dma source(%dma_start3A_35 : memref<16384x128xf32, #tpu.memory_space<hbm>>) target(%arg8 : memref<128x128xf32, #tpu.memory_space<vmem>>) offsets(%dma_start3A_32 : memref<128xi32, #tpu.memory_space<vmem>>) semaphore(%arg12 : memref<!tpu.dma_semaphore, #tpu.memory_space<semaphore_mem>>)
      %add3A_36 = arith.constant 384 : i32
      %add3A_37 = arith.addi %multiple_of3A_15, %add3A_36 : i32
      %multiple_of3A_38 = tpu.assume_multiple %add3A_37, 128 : i32
      %dma_start3A_39 = tpu.memref_slice %arg5[%multiple_of3A_38] : memref<10240xi32, #tpu.memory_space<vmem>> -> memref<128xi32, #tpu.memory_space<vmem>>
      %dma_start3A_40 = arith.constant 0 : i32
      %dma_start3A_41 = arith.constant 0 : i32
      %dma_start3A_42 = tpu.memref_slice %arg2[%dma_start3A_40, %dma_start3A_41] : memref<16384x128xf32, #tpu.memory_space<hbm>> -> memref<16384x128xf32, #tpu.memory_space<hbm>>
      tpu.enqueue_indirect_dma source(%dma_start3A_42 : memref<16384x128xf32, #tpu.memory_space<hbm>>) target(%arg9 : memref<128x128xf32, #tpu.memory_space<vmem>>) offsets(%dma_start3A_39 : memref<128xi32, #tpu.memory_space<vmem>>) semaphore(%arg13 : memref<!tpu.dma_semaphore, #tpu.memory_space<semaphore_mem>>)
      %add3A_43 = arith.constant 0 : i32
      %add3A_44 = arith.addi %multiple_of3A_15, %add3A_43 : i32
      %multiple_of3A_45 = tpu.assume_multiple %add3A_44, 128 : i32
      %dma_wait3A = tpu.memref_slice %arg5[%multiple_of3A_45] : memref<10240xi32, #tpu.memory_space<vmem>> -> memref<128xi32, #tpu.memory_space<vmem>>
      %dma_wait3A_46 = arith.constant 0 : i32
      %dma_wait3A_47 = arith.constant 0 : i32
      %dma_wait3A_48 = tpu.memref_slice %arg2[%dma_wait3A_46, %dma_wait3A_47] : memref<16384x128xf32, #tpu.memory_space<hbm>> -> memref<16384x128xf32, #tpu.memory_space<hbm>>
      tpu.wait_indirect_dma semaphore(%arg10 : memref<!tpu.dma_semaphore, #tpu.memory_space<semaphore_mem>>) src(%dma_wait3A_48 : memref<16384x128xf32, #tpu.memory_space<hbm>>) dst(%arg6 : memref<128x128xf32, #tpu.memory_space<vmem>>)
      %add3A_49 = arith.addi %multiple_of3A, %multiple_of3A_45 : i32
      "tpu.region"() ({
        %run_scoped3A = tpu.sem_alloc : memref<!tpu.dma_semaphore, #tpu.memory_space<semaphore_mem>>
        %dma_start3A_75 = arith.constant 0 : i32
        %dma_start3A_76 = tpu.memref_slice %arg4[%add3A_49, %dma_start3A_75] : memref<327680x128xf32, #tpu.memory_space<hbm>> -> memref<128x128xf32, #tpu.memory_space<hbm>>
        %dma_start3A_77 = arith.constant 0 : i32
        %dma_start3A_78 = tpu.memref_slice %arg4[%add3A_49, %dma_start3A_77] : memref<327680x128xf32, #tpu.memory_space<hbm>> -> memref<128x128xf32, #tpu.memory_space<hbm>>
        tpu.enqueue_dma source(%arg6 : memref<128x128xf32, #tpu.memory_space<vmem>>) target(%dma_start3A_78 : memref<128x128xf32, #tpu.memory_space<hbm>>) target_semaphore(%run_scoped3A : memref<!tpu.dma_semaphore, #tpu.memory_space<semaphore_mem>>)
        %dma_wait3A_79 = arith.constant 0 : i32
        %dma_wait3A_80 = tpu.memref_slice %arg4[%add3A_49, %dma_wait3A_79] : memref<327680x128xf32, #tpu.memory_space<hbm>> -> memref<128x128xf32, #tpu.memory_space<hbm>>
        %dma_wait3A_81 = arith.constant 0 : i32
        %dma_wait3A_82 = tpu.memref_slice %arg4[%add3A_49, %dma_wait3A_81] : memref<327680x128xf32, #tpu.memory_space<hbm>> -> memref<128x128xf32, #tpu.memory_space<hbm>>
        tpu.wait_dma2 semaphore(%run_scoped3A : memref<!tpu.dma_semaphore, #tpu.memory_space<semaphore_mem>>) src(%arg6 : memref<128x128xf32, #tpu.memory_space<vmem>>) dst(%dma_wait3A_82 : memref<128x128xf32, #tpu.memory_space<hbm>>)
        tpu.yield
      }) : () -> ()
      %add3A_50 = arith.constant 128 : i32
      %add3A_51 = arith.addi %multiple_of3A_15, %add3A_50 : i32
      %multiple_of3A_52 = tpu.assume_multiple %add3A_51, 128 : i32
      %dma_wait3A_53 = tpu.memref_slice %arg5[%multiple_of3A_52] : memref<10240xi32, #tpu.memory_space<vmem>> -> memref<128xi32, #tpu.memory_space<vmem>>
      %dma_wait3A_54 = arith.constant 0 : i32
      %dma_wait3A_55 = arith.constant 0 : i32
      %dma_wait3A_56 = tpu.memref_slice %arg2[%dma_wait3A_54, %dma_wait3A_55] : memref<16384x128xf32, #tpu.memory_space<hbm>> -> memref<16384x128xf32, #tpu.memory_space<hbm>>
      tpu.wait_indirect_dma semaphore(%arg11 : memref<!tpu.dma_semaphore, #tpu.memory_space<semaphore_mem>>) src(%dma_wait3A_56 : memref<16384x128xf32, #tpu.memory_space<hbm>>) dst(%arg7 : memref<128x128xf32, #tpu.memory_space<vmem>>)
      %add3A_57 = arith.addi %multiple_of3A, %multiple_of3A_52 : i32
      "tpu.region"() ({
        %run_scoped3A = tpu.sem_alloc : memref<!tpu.dma_semaphore, #tpu.memory_space<semaphore_mem>>
        %dma_start3A_75 = arith.constant 0 : i32
        %dma_start3A_76 = tpu.memref_slice %arg4[%add3A_57, %dma_start3A_75] : memref<327680x128xf32, #tpu.memory_space<hbm>> -> memref<128x128xf32, #tpu.memory_space<hbm>>
        %dma_start3A_77 = arith.constant 0 : i32
        %dma_start3A_78 = tpu.memref_slice %arg4[%add3A_57, %dma_start3A_77] : memref<327680x128xf32, #tpu.memory_space<hbm>> -> memref<128x128xf32, #tpu.memory_space<hbm>>
        tpu.enqueue_dma source(%arg7 : memref<128x128xf32, #tpu.memory_space<vmem>>) target(%dma_start3A_78 : memref<128x128xf32, #tpu.memory_space<hbm>>) target_semaphore(%run_scoped3A : memref<!tpu.dma_semaphore, #tpu.memory_space<semaphore_mem>>)
        %dma_wait3A_79 = arith.constant 0 : i32
        %dma_wait3A_80 = tpu.memref_slice %arg4[%add3A_57, %dma_wait3A_79] : memref<327680x128xf32, #tpu.memory_space<hbm>> -> memref<128x128xf32, #tpu.memory_space<hbm>>
        %dma_wait3A_81 = arith.constant 0 : i32
        %dma_wait3A_82 = tpu.memref_slice %arg4[%add3A_57, %dma_wait3A_81] : memref<327680x128xf32, #tpu.memory_space<hbm>> -> memref<128x128xf32, #tpu.memory_space<hbm>>
        tpu.wait_dma2 semaphore(%run_scoped3A : memref<!tpu.dma_semaphore, #tpu.memory_space<semaphore_mem>>) src(%arg7 : memref<128x128xf32, #tpu.memory_space<vmem>>) dst(%dma_wait3A_82 : memref<128x128xf32, #tpu.memory_space<hbm>>)
        tpu.yield
      }) : () -> ()
      %add3A_58 = arith.constant 256 : i32
      %add3A_59 = arith.addi %multiple_of3A_15, %add3A_58 : i32
      %multiple_of3A_60 = tpu.assume_multiple %add3A_59, 128 : i32
      %dma_wait3A_61 = tpu.memref_slice %arg5[%multiple_of3A_60] : memref<10240xi32, #tpu.memory_space<vmem>> -> memref<128xi32, #tpu.memory_space<vmem>>
      %dma_wait3A_62 = arith.constant 0 : i32
      %dma_wait3A_63 = arith.constant 0 : i32
      %dma_wait3A_64 = tpu.memref_slice %arg2[%dma_wait3A_62, %dma_wait3A_63] : memref<16384x128xf32, #tpu.memory_space<hbm>> -> memref<16384x128xf32, #tpu.memory_space<hbm>>
      tpu.wait_indirect_dma semaphore(%arg12 : memref<!tpu.dma_semaphore, #tpu.memory_space<semaphore_mem>>) src(%dma_wait3A_64 : memref<16384x128xf32, #tpu.memory_space<hbm>>) dst(%arg8 : memref<128x128xf32, #tpu.memory_space<vmem>>)
      %add3A_65 = arith.addi %multiple_of3A, %multiple_of3A_60 : i32
      "tpu.region"() ({
        %run_scoped3A = tpu.sem_alloc : memref<!tpu.dma_semaphore, #tpu.memory_space<semaphore_mem>>
        %dma_start3A_75 = arith.constant 0 : i32
        %dma_start3A_76 = tpu.memref_slice %arg4[%add3A_65, %dma_start3A_75] : memref<327680x128xf32, #tpu.memory_space<hbm>> -> memref<128x128xf32, #tpu.memory_space<hbm>>
        %dma_start3A_77 = arith.constant 0 : i32
        %dma_start3A_78 = tpu.memref_slice %arg4[%add3A_65, %dma_start3A_77] : memref<327680x128xf32, #tpu.memory_space<hbm>> -> memref<128x128xf32, #tpu.memory_space<hbm>>
        tpu.enqueue_dma source(%arg8 : memref<128x128xf32, #tpu.memory_space<vmem>>) target(%dma_start3A_78 : memref<128x128xf32, #tpu.memory_space<hbm>>) target_semaphore(%run_scoped3A : memref<!tpu.dma_semaphore, #tpu.memory_space<semaphore_mem>>)
        %dma_wait3A_79 = arith.constant 0 : i32
        %dma_wait3A_80 = tpu.memref_slice %arg4[%add3A_65, %dma_wait3A_79] : memref<327680x128xf32, #tpu.memory_space<hbm>> -> memref<128x128xf32, #tpu.memory_space<hbm>>
        %dma_wait3A_81 = arith.constant 0 : i32
        %dma_wait3A_82 = tpu.memref_slice %arg4[%add3A_65, %dma_wait3A_81] : memref<327680x128xf32, #tpu.memory_space<hbm>> -> memref<128x128xf32, #tpu.memory_space<hbm>>
        tpu.wait_dma2 semaphore(%run_scoped3A : memref<!tpu.dma_semaphore, #tpu.memory_space<semaphore_mem>>) src(%arg8 : memref<128x128xf32, #tpu.memory_space<vmem>>) dst(%dma_wait3A_82 : memref<128x128xf32, #tpu.memory_space<hbm>>)
        tpu.yield
      }) : () -> ()
      %add3A_66 = arith.constant 384 : i32
      %add3A_67 = arith.addi %multiple_of3A_15, %add3A_66 : i32
      %multiple_of3A_68 = tpu.assume_multiple %add3A_67, 128 : i32
      %dma_wait3A_69 = tpu.memref_slice %arg5[%multiple_of3A_68] : memref<10240xi32, #tpu.memory_space<vmem>> -> memref<128xi32, #tpu.memory_space<vmem>>
      %dma_wait3A_70 = arith.constant 0 : i32
      %dma_wait3A_71 = arith.constant 0 : i32
      %dma_wait3A_72 = tpu.memref_slice %arg2[%dma_wait3A_70, %dma_wait3A_71] : memref<16384x128xf32, #tpu.memory_space<hbm>> -> memref<16384x128xf32, #tpu.memory_space<hbm>>
      tpu.wait_indirect_dma semaphore(%arg13 : memref<!tpu.dma_semaphore, #tpu.memory_space<semaphore_mem>>) src(%dma_wait3A_72 : memref<16384x128xf32, #tpu.memory_space<hbm>>) dst(%arg9 : memref<128x128xf32, #tpu.memory_space<vmem>>)
      %add3A_73 = arith.addi %multiple_of3A, %multiple_of3A_68 : i32
      "tpu.region"() ({
        %run_scoped3A = tpu.sem_alloc : memref<!tpu.dma_semaphore, #tpu.memory_space<semaphore_mem>>
        %dma_start3A_75 = arith.constant 0 : i32
        %dma_start3A_76 = tpu.memref_slice %arg4[%add3A_73, %dma_start3A_75] : memref<327680x128xf32, #tpu.memory_space<hbm>> -> memref<128x128xf32, #tpu.memory_space<hbm>>
        %dma_start3A_77 = arith.constant 0 : i32
        %dma_start3A_78 = tpu.memref_slice %arg4[%add3A_73, %dma_start3A_77] : memref<327680x128xf32, #tpu.memory_space<hbm>> -> memref<128x128xf32, #tpu.memory_space<hbm>>
        tpu.enqueue_dma source(%arg9 : memref<128x128xf32, #tpu.memory_space<vmem>>) target(%dma_start3A_78 : memref<128x128xf32, #tpu.memory_space<hbm>>) target_semaphore(%run_scoped3A : memref<!tpu.dma_semaphore, #tpu.memory_space<semaphore_mem>>)
        %dma_wait3A_79 = arith.constant 0 : i32
        %dma_wait3A_80 = tpu.memref_slice %arg4[%add3A_73, %dma_wait3A_79] : memref<327680x128xf32, #tpu.memory_space<hbm>> -> memref<128x128xf32, #tpu.memory_space<hbm>>
        %dma_wait3A_81 = arith.constant 0 : i32
        %dma_wait3A_82 = tpu.memref_slice %arg4[%add3A_73, %dma_wait3A_81] : memref<327680x128xf32, #tpu.memory_space<hbm>> -> memref<128x128xf32, #tpu.memory_space<hbm>>
        tpu.wait_dma2 semaphore(%run_scoped3A : memref<!tpu.dma_semaphore, #tpu.memory_space<semaphore_mem>>) src(%arg9 : memref<128x128xf32, #tpu.memory_space<vmem>>) dst(%dma_wait3A_82 : memref<128x128xf32, #tpu.memory_space<hbm>>)
        tpu.yield
      }) : () -> ()
      %scan3A_74 = arith.constant 0 : i32
      scf.yield %scan3A_74 : i32
    }
    %scan3A_8 = arith.constant 20 : i32
    return
  }
}

module attributes {stable_mosaic.version = 14 : i64} {
  func.func @body(%arg0: i32, %arg1: i32, %arg2: memref<1x2048x8xf32, #tpu.memory_space<vmem>>, %arg3: memref<8x8xf32, #tpu.memory_space<vmem>>, %arg4: memref<256x20xi32, #tpu.memory_space<vmem>>, %arg5: memref<1x256x128xf32, #tpu.memory_space<vmem>>) attributes {dimension_semantics = [#tpu.dimension_semantics<arbitrary>, #tpu.dimension_semantics<arbitrary>], iteration_bounds = array<i64: 8, 8>, scalar_prefetch = 0 : i64, scratch_operands = 0 : i64, tpu.core_type = #tpu.core_type<tc>, window_params = [{transform_indices = @transform_0, window_bounds = array<i64: 1, 2048, 8>}, {pipeline_mode = #tpu.pipeline_mode<synchronous>, transform_indices = @transform_1, window_bounds = array<i64: 8, 8>}, {transform_indices = @transform_2, window_bounds = array<i64: 256, 20>}, {transform_indices = @transform_3, window_bounds = array<i64: 1, 256, 128>}]} {
    %get3A = arith.constant 0 : index
    %get3A_0 = arith.constant 0 : index
    %get3A_1 = arith.constant 0 : index
    %get3A_2 = vector.load %arg2[%get3A, %get3A_0, %get3A_1] : memref<1x2048x8xf32, #tpu.memory_space<vmem>>, vector<1x2048x8xf32>
    %get3A_3 = vector.shape_cast %get3A_2 : vector<1x2048x8xf32> to vector<2048x8xf32>
    %mul3A = arith.constant 256 : i32
    %mul3A_4 = arith.muli %arg1, %mul3A : i32
    %get3A_5 = arith.constant 0 : index
    %get3A_6 = arith.index_cast %mul3A_4 : i32 to index
    %get3A_7 = arith.constant 0 : index
    %get3A_8 = vector.load %arg2[%get3A_5, %get3A_6, %get3A_7] : memref<1x2048x8xf32, #tpu.memory_space<vmem>>, vector<1x256x8xf32>
    %get3A_9 = vector.shape_cast %get3A_8 : vector<1x256x8xf32> to vector<256x8xf32>
    %dot_general3A = arith.constant dense<0.000000e+00> : vector<256x2048xf32>
    %dot_general3A_10 = tpu.matmul %get3A_9, %get3A_3, %dot_general3A {dimension_numbers = #tpu.dot_dimension_numbers<[1], [1], [0], [0], [0, 0, 1, 0], [], []>, transpose_lhs_hint = false} : vector<256x8xf32>, vector<2048x8xf32>, vector<256x2048xf32> -> vector<256x2048xf32>
    %mul3A_11 = arith.mulf %get3A_3, %get3A_3 : vector<2048x8xf32>
    %reduce_sum3A = arith.constant dense<0.000000e+00> : vector<2048xf32>
    %reduce_sum3A_12 = vector.multi_reduction <add>, %mul3A_11, %reduce_sum3A [1] : vector<2048x8xf32> to vector<2048xf32>
    %mul3A_13 = arith.mulf %get3A_9, %get3A_9 : vector<256x8xf32>
    %reduce_sum3A_14 = arith.constant dense<0.000000e+00> : vector<256xf32>
    %reduce_sum3A_15 = vector.multi_reduction <add>, %mul3A_13, %reduce_sum3A_14 [1] : vector<256x8xf32> to vector<256xf32>
    %mul3A_16 = arith.constant 2.000000e+00 : f32
    %mul3A_17 = vector.broadcast %mul3A_16 : f32 to vector<256x2048xf32>
    %mul3A_18 = arith.mulf %mul3A_17, %dot_general3A_10 : vector<256x2048xf32>
    %broadcast_in_dim3A = vector.shape_cast %reduce_sum3A_15 : vector<256xf32> to vector<256x1xf32>
    %sub3A = vector.broadcast %broadcast_in_dim3A : vector<256x1xf32> to vector<256x2048xf32>
    %sub3A_19 = arith.subf %mul3A_18, %sub3A : vector<256x2048xf32>
    %broadcast_in_dim3A_20 = vector.shape_cast %reduce_sum3A_12 : vector<2048xf32> to vector<1x2048xf32>
    %sub3A_21 = vector.broadcast %broadcast_in_dim3A_20 : vector<1x2048xf32> to vector<256x2048xf32>
    %sub3A_22 = arith.subf %sub3A_19, %sub3A_21 : vector<256x2048xf32>
    %mul3A_23 = arith.constant 2048 : i32
    %mul3A_24 = arith.muli %arg0, %mul3A_23 : i32
    %iota3A = tpu.iota {dimensions = array<i32: 1>} : vector<256x2048xi32>
    %convert_element_type3A = arith.sitofp %iota3A : vector<256x2048xi32> to vector<256x2048xf32>
    %iota3A_25 = tpu.iota {dimensions = array<i32: 1>} : vector<256x32xi32>
    %convert_element_type3A_26 = arith.sitofp %iota3A_25 : vector<256x32xi32> to vector<256x32xf32>
    %broadcast_in_dim3A_27 = arith.constant 0.000000e+00 : f32
    %broadcast_in_dim3A_28 = vector.broadcast %broadcast_in_dim3A_27 : f32 to vector<256x32xf32>
    %reduce_max3A = arith.constant dense<0xFF800000> : vector<256xf32>
    %reduce_max3A_29 = vector.multi_reduction <maximumf>, %sub3A_22, %reduce_max3A [1] : vector<256x2048xf32> to vector<256xf32>
    %broadcast_in_dim3A_30 = vector.shape_cast %reduce_max3A_29 : vector<256xf32> to vector<256x1xf32>
    %ge3A = vector.broadcast %broadcast_in_dim3A_30 : vector<256x1xf32> to vector<256x2048xf32>
    %ge3A_31 = arith.cmpf oge, %sub3A_22, %ge3A : vector<256x2048xf32>
    %jit3A = arith.constant 2.048000e+03 : f32
    %broadcast_in_dim3A_32 = vector.broadcast %jit3A : f32 to vector<256x2048xf32>
    %select_n3A = arith.select %ge3A_31, %convert_element_type3A, %broadcast_in_dim3A_32 : vector<256x2048xi1>, vector<256x2048xf32>
    %reduce_min3A = arith.constant dense<0x7F800000> : vector<256xf32>
    %reduce_min3A_33 = vector.multi_reduction <minimumf>, %select_n3A, %reduce_min3A [1] : vector<256x2048xf32> to vector<256xf32>
    %eq3A = arith.constant 0.000000e+00 : f32
    %eq3A_34 = vector.broadcast %eq3A : f32 to vector<256x32xf32>
    %eq3A_35 = arith.cmpf oeq, %convert_element_type3A_26, %eq3A_34 : vector<256x32xf32>
    %broadcast_in_dim3A_36 = vector.shape_cast %reduce_min3A_33 : vector<256xf32> to vector<256x1xf32>
    %broadcast_in_dim3A_37 = vector.shape_cast %broadcast_in_dim3A_36 : vector<256x1xf32> to vector<256x1xf32>
    %broadcast_in_dim3A_38 = vector.broadcast %broadcast_in_dim3A_37 : vector<256x1xf32> to vector<256x32xf32>
    %select_n3A_39 = arith.select %eq3A_35, %broadcast_in_dim3A_38, %broadcast_in_dim3A_28 : vector<256x32xi1>, vector<256x32xf32>
    %broadcast_in_dim3A_40 = vector.shape_cast %reduce_min3A_33 : vector<256xf32> to vector<256x1xf32>
    %eq3A_41 = vector.broadcast %broadcast_in_dim3A_40 : vector<256x1xf32> to vector<256x2048xf32>
    %eq3A_42 = arith.cmpf oeq, %convert_element_type3A, %eq3A_41 : vector<256x2048xf32>
    %jit3A_43 = arith.constant -3.000000e+38 : f32
    %broadcast_in_dim3A_44 = vector.broadcast %jit3A_43 : f32 to vector<256x2048xf32>
    %select_n3A_45 = arith.select %eq3A_42, %broadcast_in_dim3A_44, %sub3A_22 : vector<256x2048xi1>, vector<256x2048xf32>
    %reduce_max3A_46 = arith.constant dense<0xFF800000> : vector<256xf32>
    %reduce_max3A_47 = vector.multi_reduction <maximumf>, %select_n3A_45, %reduce_max3A_46 [1] : vector<256x2048xf32> to vector<256xf32>
    %broadcast_in_dim3A_48 = vector.shape_cast %reduce_max3A_47 : vector<256xf32> to vector<256x1xf32>
    %ge3A_49 = vector.broadcast %broadcast_in_dim3A_48 : vector<256x1xf32> to vector<256x2048xf32>
    %ge3A_50 = arith.cmpf oge, %select_n3A_45, %ge3A_49 : vector<256x2048xf32>
    %jit3A_51 = arith.constant 2.048000e+03 : f32
    %broadcast_in_dim3A_52 = vector.broadcast %jit3A_51 : f32 to vector<256x2048xf32>
    %select_n3A_53 = arith.select %ge3A_50, %convert_element_type3A, %broadcast_in_dim3A_52 : vector<256x2048xi1>, vector<256x2048xf32>
    %reduce_min3A_54 = arith.constant dense<0x7F800000> : vector<256xf32>
    %reduce_min3A_55 = vector.multi_reduction <minimumf>, %select_n3A_53, %reduce_min3A_54 [1] : vector<256x2048xf32> to vector<256xf32>
    %eq3A_56 = arith.constant 1.000000e+00 : f32
    %eq3A_57 = vector.broadcast %eq3A_56 : f32 to vector<256x32xf32>
    %eq3A_58 = arith.cmpf oeq, %convert_element_type3A_26, %eq3A_57 : vector<256x32xf32>
    %broadcast_in_dim3A_59 = vector.shape_cast %reduce_min3A_55 : vector<256xf32> to vector<256x1xf32>
    %broadcast_in_dim3A_60 = vector.shape_cast %broadcast_in_dim3A_59 : vector<256x1xf32> to vector<256x1xf32>
    %broadcast_in_dim3A_61 = vector.broadcast %broadcast_in_dim3A_60 : vector<256x1xf32> to vector<256x32xf32>
    %select_n3A_62 = arith.select %eq3A_58, %broadcast_in_dim3A_61, %select_n3A_39 : vector<256x32xi1>, vector<256x32xf32>
    %broadcast_in_dim3A_63 = vector.shape_cast %reduce_min3A_55 : vector<256xf32> to vector<256x1xf32>
    %eq3A_64 = vector.broadcast %broadcast_in_dim3A_63 : vector<256x1xf32> to vector<256x2048xf32>
    %eq3A_65 = arith.cmpf oeq, %convert_element_type3A, %eq3A_64 : vector<256x2048xf32>
    %jit3A_66 = arith.constant -3.000000e+38 : f32
    %broadcast_in_dim3A_67 = vector.broadcast %jit3A_66 : f32 to vector<256x2048xf32>
    %select_n3A_68 = arith.select %eq3A_65, %broadcast_in_dim3A_67, %select_n3A_45 : vector<256x2048xi1>, vector<256x2048xf32>
    %reduce_max3A_69 = arith.constant dense<0xFF800000> : vector<256xf32>
    %reduce_max3A_70 = vector.multi_reduction <maximumf>, %select_n3A_68, %reduce_max3A_69 [1] : vector<256x2048xf32> to vector<256xf32>
    %broadcast_in_dim3A_71 = vector.shape_cast %reduce_max3A_70 : vector<256xf32> to vector<256x1xf32>
    %ge3A_72 = vector.broadcast %broadcast_in_dim3A_71 : vector<256x1xf32> to vector<256x2048xf32>
    %ge3A_73 = arith.cmpf oge, %select_n3A_68, %ge3A_72 : vector<256x2048xf32>
    %jit3A_74 = arith.constant 2.048000e+03 : f32
    %broadcast_in_dim3A_75 = vector.broadcast %jit3A_74 : f32 to vector<256x2048xf32>
    %select_n3A_76 = arith.select %ge3A_73, %convert_element_type3A, %broadcast_in_dim3A_75 : vector<256x2048xi1>, vector<256x2048xf32>
    %reduce_min3A_77 = arith.constant dense<0x7F800000> : vector<256xf32>
    %reduce_min3A_78 = vector.multi_reduction <minimumf>, %select_n3A_76, %reduce_min3A_77 [1] : vector<256x2048xf32> to vector<256xf32>
    %eq3A_79 = arith.constant 2.000000e+00 : f32
    %eq3A_80 = vector.broadcast %eq3A_79 : f32 to vector<256x32xf32>
    %eq3A_81 = arith.cmpf oeq, %convert_element_type3A_26, %eq3A_80 : vector<256x32xf32>
    %broadcast_in_dim3A_82 = vector.shape_cast %reduce_min3A_78 : vector<256xf32> to vector<256x1xf32>
    %broadcast_in_dim3A_83 = vector.shape_cast %broadcast_in_dim3A_82 : vector<256x1xf32> to vector<256x1xf32>
    %broadcast_in_dim3A_84 = vector.broadcast %broadcast_in_dim3A_83 : vector<256x1xf32> to vector<256x32xf32>
    %select_n3A_85 = arith.select %eq3A_81, %broadcast_in_dim3A_84, %select_n3A_62 : vector<256x32xi1>, vector<256x32xf32>
    %broadcast_in_dim3A_86 = vector.shape_cast %reduce_min3A_78 : vector<256xf32> to vector<256x1xf32>
    %eq3A_87 = vector.broadcast %broadcast_in_dim3A_86 : vector<256x1xf32> to vector<256x2048xf32>
    %eq3A_88 = arith.cmpf oeq, %convert_element_type3A, %eq3A_87 : vector<256x2048xf32>
    %jit3A_89 = arith.constant -3.000000e+38 : f32
    %broadcast_in_dim3A_90 = vector.broadcast %jit3A_89 : f32 to vector<256x2048xf32>
    %select_n3A_91 = arith.select %eq3A_88, %broadcast_in_dim3A_90, %select_n3A_68 : vector<256x2048xi1>, vector<256x2048xf32>
    %reduce_max3A_92 = arith.constant dense<0xFF800000> : vector<256xf32>
    %reduce_max3A_93 = vector.multi_reduction <maximumf>, %select_n3A_91, %reduce_max3A_92 [1] : vector<256x2048xf32> to vector<256xf32>
    %broadcast_in_dim3A_94 = vector.shape_cast %reduce_max3A_93 : vector<256xf32> to vector<256x1xf32>
    %ge3A_95 = vector.broadcast %broadcast_in_dim3A_94 : vector<256x1xf32> to vector<256x2048xf32>
    %ge3A_96 = arith.cmpf oge, %select_n3A_91, %ge3A_95 : vector<256x2048xf32>
    %jit3A_97 = arith.constant 2.048000e+03 : f32
    %broadcast_in_dim3A_98 = vector.broadcast %jit3A_97 : f32 to vector<256x2048xf32>
    %select_n3A_99 = arith.select %ge3A_96, %convert_element_type3A, %broadcast_in_dim3A_98 : vector<256x2048xi1>, vector<256x2048xf32>
    %reduce_min3A_100 = arith.constant dense<0x7F800000> : vector<256xf32>
    %reduce_min3A_101 = vector.multi_reduction <minimumf>, %select_n3A_99, %reduce_min3A_100 [1] : vector<256x2048xf32> to vector<256xf32>
    %eq3A_102 = arith.constant 3.000000e+00 : f32
    %eq3A_103 = vector.broadcast %eq3A_102 : f32 to vector<256x32xf32>
    %eq3A_104 = arith.cmpf oeq, %convert_element_type3A_26, %eq3A_103 : vector<256x32xf32>
    %broadcast_in_dim3A_105 = vector.shape_cast %reduce_min3A_101 : vector<256xf32> to vector<256x1xf32>
    %broadcast_in_dim3A_106 = vector.shape_cast %broadcast_in_dim3A_105 : vector<256x1xf32> to vector<256x1xf32>
    %broadcast_in_dim3A_107 = vector.broadcast %broadcast_in_dim3A_106 : vector<256x1xf32> to vector<256x32xf32>
    %select_n3A_108 = arith.select %eq3A_104, %broadcast_in_dim3A_107, %select_n3A_85 : vector<256x32xi1>, vector<256x32xf32>
    %broadcast_in_dim3A_109 = vector.shape_cast %reduce_min3A_101 : vector<256xf32> to vector<256x1xf32>
    %eq3A_110 = vector.broadcast %broadcast_in_dim3A_109 : vector<256x1xf32> to vector<256x2048xf32>
    %eq3A_111 = arith.cmpf oeq, %convert_element_type3A, %eq3A_110 : vector<256x2048xf32>
    %jit3A_112 = arith.constant -3.000000e+38 : f32
    %broadcast_in_dim3A_113 = vector.broadcast %jit3A_112 : f32 to vector<256x2048xf32>
    %select_n3A_114 = arith.select %eq3A_111, %broadcast_in_dim3A_113, %select_n3A_91 : vector<256x2048xi1>, vector<256x2048xf32>
    %reduce_max3A_115 = arith.constant dense<0xFF800000> : vector<256xf32>
    %reduce_max3A_116 = vector.multi_reduction <maximumf>, %select_n3A_114, %reduce_max3A_115 [1] : vector<256x2048xf32> to vector<256xf32>
    %broadcast_in_dim3A_117 = vector.shape_cast %reduce_max3A_116 : vector<256xf32> to vector<256x1xf32>
    %ge3A_118 = vector.broadcast %broadcast_in_dim3A_117 : vector<256x1xf32> to vector<256x2048xf32>
    %ge3A_119 = arith.cmpf oge, %select_n3A_114, %ge3A_118 : vector<256x2048xf32>
    %jit3A_120 = arith.constant 2.048000e+03 : f32
    %broadcast_in_dim3A_121 = vector.broadcast %jit3A_120 : f32 to vector<256x2048xf32>
    %select_n3A_122 = arith.select %ge3A_119, %convert_element_type3A, %broadcast_in_dim3A_121 : vector<256x2048xi1>, vector<256x2048xf32>
    %reduce_min3A_123 = arith.constant dense<0x7F800000> : vector<256xf32>
    %reduce_min3A_124 = vector.multi_reduction <minimumf>, %select_n3A_122, %reduce_min3A_123 [1] : vector<256x2048xf32> to vector<256xf32>
    %eq3A_125 = arith.constant 4.000000e+00 : f32
    %eq3A_126 = vector.broadcast %eq3A_125 : f32 to vector<256x32xf32>
    %eq3A_127 = arith.cmpf oeq, %convert_element_type3A_26, %eq3A_126 : vector<256x32xf32>
    %broadcast_in_dim3A_128 = vector.shape_cast %reduce_min3A_124 : vector<256xf32> to vector<256x1xf32>
    %broadcast_in_dim3A_129 = vector.shape_cast %broadcast_in_dim3A_128 : vector<256x1xf32> to vector<256x1xf32>
    %broadcast_in_dim3A_130 = vector.broadcast %broadcast_in_dim3A_129 : vector<256x1xf32> to vector<256x32xf32>
    %select_n3A_131 = arith.select %eq3A_127, %broadcast_in_dim3A_130, %select_n3A_108 : vector<256x32xi1>, vector<256x32xf32>
    %broadcast_in_dim3A_132 = vector.shape_cast %reduce_min3A_124 : vector<256xf32> to vector<256x1xf32>
    %eq3A_133 = vector.broadcast %broadcast_in_dim3A_132 : vector<256x1xf32> to vector<256x2048xf32>
    %eq3A_134 = arith.cmpf oeq, %convert_element_type3A, %eq3A_133 : vector<256x2048xf32>
    %jit3A_135 = arith.constant -3.000000e+38 : f32
    %broadcast_in_dim3A_136 = vector.broadcast %jit3A_135 : f32 to vector<256x2048xf32>
    %select_n3A_137 = arith.select %eq3A_134, %broadcast_in_dim3A_136, %select_n3A_114 : vector<256x2048xi1>, vector<256x2048xf32>
    %reduce_max3A_138 = arith.constant dense<0xFF800000> : vector<256xf32>
    %reduce_max3A_139 = vector.multi_reduction <maximumf>, %select_n3A_137, %reduce_max3A_138 [1] : vector<256x2048xf32> to vector<256xf32>
    %broadcast_in_dim3A_140 = vector.shape_cast %reduce_max3A_139 : vector<256xf32> to vector<256x1xf32>
    %ge3A_141 = vector.broadcast %broadcast_in_dim3A_140 : vector<256x1xf32> to vector<256x2048xf32>
    %ge3A_142 = arith.cmpf oge, %select_n3A_137, %ge3A_141 : vector<256x2048xf32>
    %jit3A_143 = arith.constant 2.048000e+03 : f32
    %broadcast_in_dim3A_144 = vector.broadcast %jit3A_143 : f32 to vector<256x2048xf32>
    %select_n3A_145 = arith.select %ge3A_142, %convert_element_type3A, %broadcast_in_dim3A_144 : vector<256x2048xi1>, vector<256x2048xf32>
    %reduce_min3A_146 = arith.constant dense<0x7F800000> : vector<256xf32>
    %reduce_min3A_147 = vector.multi_reduction <minimumf>, %select_n3A_145, %reduce_min3A_146 [1] : vector<256x2048xf32> to vector<256xf32>
    %eq3A_148 = arith.constant 5.000000e+00 : f32
    %eq3A_149 = vector.broadcast %eq3A_148 : f32 to vector<256x32xf32>
    %eq3A_150 = arith.cmpf oeq, %convert_element_type3A_26, %eq3A_149 : vector<256x32xf32>
    %broadcast_in_dim3A_151 = vector.shape_cast %reduce_min3A_147 : vector<256xf32> to vector<256x1xf32>
    %broadcast_in_dim3A_152 = vector.shape_cast %broadcast_in_dim3A_151 : vector<256x1xf32> to vector<256x1xf32>
    %broadcast_in_dim3A_153 = vector.broadcast %broadcast_in_dim3A_152 : vector<256x1xf32> to vector<256x32xf32>
    %select_n3A_154 = arith.select %eq3A_150, %broadcast_in_dim3A_153, %select_n3A_131 : vector<256x32xi1>, vector<256x32xf32>
    %broadcast_in_dim3A_155 = vector.shape_cast %reduce_min3A_147 : vector<256xf32> to vector<256x1xf32>
    %eq3A_156 = vector.broadcast %broadcast_in_dim3A_155 : vector<256x1xf32> to vector<256x2048xf32>
    %eq3A_157 = arith.cmpf oeq, %convert_element_type3A, %eq3A_156 : vector<256x2048xf32>
    %jit3A_158 = arith.constant -3.000000e+38 : f32
    %broadcast_in_dim3A_159 = vector.broadcast %jit3A_158 : f32 to vector<256x2048xf32>
    %select_n3A_160 = arith.select %eq3A_157, %broadcast_in_dim3A_159, %select_n3A_137 : vector<256x2048xi1>, vector<256x2048xf32>
    %reduce_max3A_161 = arith.constant dense<0xFF800000> : vector<256xf32>
    %reduce_max3A_162 = vector.multi_reduction <maximumf>, %select_n3A_160, %reduce_max3A_161 [1] : vector<256x2048xf32> to vector<256xf32>
    %broadcast_in_dim3A_163 = vector.shape_cast %reduce_max3A_162 : vector<256xf32> to vector<256x1xf32>
    %ge3A_164 = vector.broadcast %broadcast_in_dim3A_163 : vector<256x1xf32> to vector<256x2048xf32>
    %ge3A_165 = arith.cmpf oge, %select_n3A_160, %ge3A_164 : vector<256x2048xf32>
    %jit3A_166 = arith.constant 2.048000e+03 : f32
    %broadcast_in_dim3A_167 = vector.broadcast %jit3A_166 : f32 to vector<256x2048xf32>
    %select_n3A_168 = arith.select %ge3A_165, %convert_element_type3A, %broadcast_in_dim3A_167 : vector<256x2048xi1>, vector<256x2048xf32>
    %reduce_min3A_169 = arith.constant dense<0x7F800000> : vector<256xf32>
    %reduce_min3A_170 = vector.multi_reduction <minimumf>, %select_n3A_168, %reduce_min3A_169 [1] : vector<256x2048xf32> to vector<256xf32>
    %eq3A_171 = arith.constant 6.000000e+00 : f32
    %eq3A_172 = vector.broadcast %eq3A_171 : f32 to vector<256x32xf32>
    %eq3A_173 = arith.cmpf oeq, %convert_element_type3A_26, %eq3A_172 : vector<256x32xf32>
    %broadcast_in_dim3A_174 = vector.shape_cast %reduce_min3A_170 : vector<256xf32> to vector<256x1xf32>
    %broadcast_in_dim3A_175 = vector.shape_cast %broadcast_in_dim3A_174 : vector<256x1xf32> to vector<256x1xf32>
    %broadcast_in_dim3A_176 = vector.broadcast %broadcast_in_dim3A_175 : vector<256x1xf32> to vector<256x32xf32>
    %select_n3A_177 = arith.select %eq3A_173, %broadcast_in_dim3A_176, %select_n3A_154 : vector<256x32xi1>, vector<256x32xf32>
    %broadcast_in_dim3A_178 = vector.shape_cast %reduce_min3A_170 : vector<256xf32> to vector<256x1xf32>
    %eq3A_179 = vector.broadcast %broadcast_in_dim3A_178 : vector<256x1xf32> to vector<256x2048xf32>
    %eq3A_180 = arith.cmpf oeq, %convert_element_type3A, %eq3A_179 : vector<256x2048xf32>
    %jit3A_181 = arith.constant -3.000000e+38 : f32
    %broadcast_in_dim3A_182 = vector.broadcast %jit3A_181 : f32 to vector<256x2048xf32>
    %select_n3A_183 = arith.select %eq3A_180, %broadcast_in_dim3A_182, %select_n3A_160 : vector<256x2048xi1>, vector<256x2048xf32>
    %reduce_max3A_184 = arith.constant dense<0xFF800000> : vector<256xf32>
    %reduce_max3A_185 = vector.multi_reduction <maximumf>, %select_n3A_183, %reduce_max3A_184 [1] : vector<256x2048xf32> to vector<256xf32>
    %broadcast_in_dim3A_186 = vector.shape_cast %reduce_max3A_185 : vector<256xf32> to vector<256x1xf32>
    %ge3A_187 = vector.broadcast %broadcast_in_dim3A_186 : vector<256x1xf32> to vector<256x2048xf32>
    %ge3A_188 = arith.cmpf oge, %select_n3A_183, %ge3A_187 : vector<256x2048xf32>
    %jit3A_189 = arith.constant 2.048000e+03 : f32
    %broadcast_in_dim3A_190 = vector.broadcast %jit3A_189 : f32 to vector<256x2048xf32>
    %select_n3A_191 = arith.select %ge3A_188, %convert_element_type3A, %broadcast_in_dim3A_190 : vector<256x2048xi1>, vector<256x2048xf32>
    %reduce_min3A_192 = arith.constant dense<0x7F800000> : vector<256xf32>
    %reduce_min3A_193 = vector.multi_reduction <minimumf>, %select_n3A_191, %reduce_min3A_192 [1] : vector<256x2048xf32> to vector<256xf32>
    %eq3A_194 = arith.constant 7.000000e+00 : f32
    %eq3A_195 = vector.broadcast %eq3A_194 : f32 to vector<256x32xf32>
    %eq3A_196 = arith.cmpf oeq, %convert_element_type3A_26, %eq3A_195 : vector<256x32xf32>
    %broadcast_in_dim3A_197 = vector.shape_cast %reduce_min3A_193 : vector<256xf32> to vector<256x1xf32>
    %broadcast_in_dim3A_198 = vector.shape_cast %broadcast_in_dim3A_197 : vector<256x1xf32> to vector<256x1xf32>
    %broadcast_in_dim3A_199 = vector.broadcast %broadcast_in_dim3A_198 : vector<256x1xf32> to vector<256x32xf32>
    %select_n3A_200 = arith.select %eq3A_196, %broadcast_in_dim3A_199, %select_n3A_177 : vector<256x32xi1>, vector<256x32xf32>
    %broadcast_in_dim3A_201 = vector.shape_cast %reduce_min3A_193 : vector<256xf32> to vector<256x1xf32>
    %eq3A_202 = vector.broadcast %broadcast_in_dim3A_201 : vector<256x1xf32> to vector<256x2048xf32>
    %eq3A_203 = arith.cmpf oeq, %convert_element_type3A, %eq3A_202 : vector<256x2048xf32>
    %jit3A_204 = arith.constant -3.000000e+38 : f32
    %broadcast_in_dim3A_205 = vector.broadcast %jit3A_204 : f32 to vector<256x2048xf32>
    %select_n3A_206 = arith.select %eq3A_203, %broadcast_in_dim3A_205, %select_n3A_183 : vector<256x2048xi1>, vector<256x2048xf32>
    %reduce_max3A_207 = arith.constant dense<0xFF800000> : vector<256xf32>
    %reduce_max3A_208 = vector.multi_reduction <maximumf>, %select_n3A_206, %reduce_max3A_207 [1] : vector<256x2048xf32> to vector<256xf32>
    %broadcast_in_dim3A_209 = vector.shape_cast %reduce_max3A_208 : vector<256xf32> to vector<256x1xf32>
    %ge3A_210 = vector.broadcast %broadcast_in_dim3A_209 : vector<256x1xf32> to vector<256x2048xf32>
    %ge3A_211 = arith.cmpf oge, %select_n3A_206, %ge3A_210 : vector<256x2048xf32>
    %jit3A_212 = arith.constant 2.048000e+03 : f32
    %broadcast_in_dim3A_213 = vector.broadcast %jit3A_212 : f32 to vector<256x2048xf32>
    %select_n3A_214 = arith.select %ge3A_211, %convert_element_type3A, %broadcast_in_dim3A_213 : vector<256x2048xi1>, vector<256x2048xf32>
    %reduce_min3A_215 = arith.constant dense<0x7F800000> : vector<256xf32>
    %reduce_min3A_216 = vector.multi_reduction <minimumf>, %select_n3A_214, %reduce_min3A_215 [1] : vector<256x2048xf32> to vector<256xf32>
    %eq3A_217 = arith.constant 8.000000e+00 : f32
    %eq3A_218 = vector.broadcast %eq3A_217 : f32 to vector<256x32xf32>
    %eq3A_219 = arith.cmpf oeq, %convert_element_type3A_26, %eq3A_218 : vector<256x32xf32>
    %broadcast_in_dim3A_220 = vector.shape_cast %reduce_min3A_216 : vector<256xf32> to vector<256x1xf32>
    %broadcast_in_dim3A_221 = vector.shape_cast %broadcast_in_dim3A_220 : vector<256x1xf32> to vector<256x1xf32>
    %broadcast_in_dim3A_222 = vector.broadcast %broadcast_in_dim3A_221 : vector<256x1xf32> to vector<256x32xf32>
    %select_n3A_223 = arith.select %eq3A_219, %broadcast_in_dim3A_222, %select_n3A_200 : vector<256x32xi1>, vector<256x32xf32>
    %broadcast_in_dim3A_224 = vector.shape_cast %reduce_min3A_216 : vector<256xf32> to vector<256x1xf32>
    %eq3A_225 = vector.broadcast %broadcast_in_dim3A_224 : vector<256x1xf32> to vector<256x2048xf32>
    %eq3A_226 = arith.cmpf oeq, %convert_element_type3A, %eq3A_225 : vector<256x2048xf32>
    %jit3A_227 = arith.constant -3.000000e+38 : f32
    %broadcast_in_dim3A_228 = vector.broadcast %jit3A_227 : f32 to vector<256x2048xf32>
    %select_n3A_229 = arith.select %eq3A_226, %broadcast_in_dim3A_228, %select_n3A_206 : vector<256x2048xi1>, vector<256x2048xf32>
    %reduce_max3A_230 = arith.constant dense<0xFF800000> : vector<256xf32>
    %reduce_max3A_231 = vector.multi_reduction <maximumf>, %select_n3A_229, %reduce_max3A_230 [1] : vector<256x2048xf32> to vector<256xf32>
    %broadcast_in_dim3A_232 = vector.shape_cast %reduce_max3A_231 : vector<256xf32> to vector<256x1xf32>
    %ge3A_233 = vector.broadcast %broadcast_in_dim3A_232 : vector<256x1xf32> to vector<256x2048xf32>
    %ge3A_234 = arith.cmpf oge, %select_n3A_229, %ge3A_233 : vector<256x2048xf32>
    %jit3A_235 = arith.constant 2.048000e+03 : f32
    %broadcast_in_dim3A_236 = vector.broadcast %jit3A_235 : f32 to vector<256x2048xf32>
    %select_n3A_237 = arith.select %ge3A_234, %convert_element_type3A, %broadcast_in_dim3A_236 : vector<256x2048xi1>, vector<256x2048xf32>
    %reduce_min3A_238 = arith.constant dense<0x7F800000> : vector<256xf32>
    %reduce_min3A_239 = vector.multi_reduction <minimumf>, %select_n3A_237, %reduce_min3A_238 [1] : vector<256x2048xf32> to vector<256xf32>
    %eq3A_240 = arith.constant 9.000000e+00 : f32
    %eq3A_241 = vector.broadcast %eq3A_240 : f32 to vector<256x32xf32>
    %eq3A_242 = arith.cmpf oeq, %convert_element_type3A_26, %eq3A_241 : vector<256x32xf32>
    %broadcast_in_dim3A_243 = vector.shape_cast %reduce_min3A_239 : vector<256xf32> to vector<256x1xf32>
    %broadcast_in_dim3A_244 = vector.shape_cast %broadcast_in_dim3A_243 : vector<256x1xf32> to vector<256x1xf32>
    %broadcast_in_dim3A_245 = vector.broadcast %broadcast_in_dim3A_244 : vector<256x1xf32> to vector<256x32xf32>
    %select_n3A_246 = arith.select %eq3A_242, %broadcast_in_dim3A_245, %select_n3A_223 : vector<256x32xi1>, vector<256x32xf32>
    %broadcast_in_dim3A_247 = vector.shape_cast %reduce_min3A_239 : vector<256xf32> to vector<256x1xf32>
    %eq3A_248 = vector.broadcast %broadcast_in_dim3A_247 : vector<256x1xf32> to vector<256x2048xf32>
    %eq3A_249 = arith.cmpf oeq, %convert_element_type3A, %eq3A_248 : vector<256x2048xf32>
    %jit3A_250 = arith.constant -3.000000e+38 : f32
    %broadcast_in_dim3A_251 = vector.broadcast %jit3A_250 : f32 to vector<256x2048xf32>
    %select_n3A_252 = arith.select %eq3A_249, %broadcast_in_dim3A_251, %select_n3A_229 : vector<256x2048xi1>, vector<256x2048xf32>
    %reduce_max3A_253 = arith.constant dense<0xFF800000> : vector<256xf32>
    %reduce_max3A_254 = vector.multi_reduction <maximumf>, %select_n3A_252, %reduce_max3A_253 [1] : vector<256x2048xf32> to vector<256xf32>
    %broadcast_in_dim3A_255 = vector.shape_cast %reduce_max3A_254 : vector<256xf32> to vector<256x1xf32>
    %ge3A_256 = vector.broadcast %broadcast_in_dim3A_255 : vector<256x1xf32> to vector<256x2048xf32>
    %ge3A_257 = arith.cmpf oge, %select_n3A_252, %ge3A_256 : vector<256x2048xf32>
    %jit3A_258 = arith.constant 2.048000e+03 : f32
    %broadcast_in_dim3A_259 = vector.broadcast %jit3A_258 : f32 to vector<256x2048xf32>
    %select_n3A_260 = arith.select %ge3A_257, %convert_element_type3A, %broadcast_in_dim3A_259 : vector<256x2048xi1>, vector<256x2048xf32>
    %reduce_min3A_261 = arith.constant dense<0x7F800000> : vector<256xf32>
    %reduce_min3A_262 = vector.multi_reduction <minimumf>, %select_n3A_260, %reduce_min3A_261 [1] : vector<256x2048xf32> to vector<256xf32>
    %eq3A_263 = arith.constant 1.000000e+01 : f32
    %eq3A_264 = vector.broadcast %eq3A_263 : f32 to vector<256x32xf32>
    %eq3A_265 = arith.cmpf oeq, %convert_element_type3A_26, %eq3A_264 : vector<256x32xf32>
    %broadcast_in_dim3A_266 = vector.shape_cast %reduce_min3A_262 : vector<256xf32> to vector<256x1xf32>
    %broadcast_in_dim3A_267 = vector.shape_cast %broadcast_in_dim3A_266 : vector<256x1xf32> to vector<256x1xf32>
    %broadcast_in_dim3A_268 = vector.broadcast %broadcast_in_dim3A_267 : vector<256x1xf32> to vector<256x32xf32>
    %select_n3A_269 = arith.select %eq3A_265, %broadcast_in_dim3A_268, %select_n3A_246 : vector<256x32xi1>, vector<256x32xf32>
    %broadcast_in_dim3A_270 = vector.shape_cast %reduce_min3A_262 : vector<256xf32> to vector<256x1xf32>
    %eq3A_271 = vector.broadcast %broadcast_in_dim3A_270 : vector<256x1xf32> to vector<256x2048xf32>
    %eq3A_272 = arith.cmpf oeq, %convert_element_type3A, %eq3A_271 : vector<256x2048xf32>
    %jit3A_273 = arith.constant -3.000000e+38 : f32
    %broadcast_in_dim3A_274 = vector.broadcast %jit3A_273 : f32 to vector<256x2048xf32>
    %select_n3A_275 = arith.select %eq3A_272, %broadcast_in_dim3A_274, %select_n3A_252 : vector<256x2048xi1>, vector<256x2048xf32>
    %reduce_max3A_276 = arith.constant dense<0xFF800000> : vector<256xf32>
    %reduce_max3A_277 = vector.multi_reduction <maximumf>, %select_n3A_275, %reduce_max3A_276 [1] : vector<256x2048xf32> to vector<256xf32>
    %broadcast_in_dim3A_278 = vector.shape_cast %reduce_max3A_277 : vector<256xf32> to vector<256x1xf32>
    %ge3A_279 = vector.broadcast %broadcast_in_dim3A_278 : vector<256x1xf32> to vector<256x2048xf32>
    %ge3A_280 = arith.cmpf oge, %select_n3A_275, %ge3A_279 : vector<256x2048xf32>
    %jit3A_281 = arith.constant 2.048000e+03 : f32
    %broadcast_in_dim3A_282 = vector.broadcast %jit3A_281 : f32 to vector<256x2048xf32>
    %select_n3A_283 = arith.select %ge3A_280, %convert_element_type3A, %broadcast_in_dim3A_282 : vector<256x2048xi1>, vector<256x2048xf32>
    %reduce_min3A_284 = arith.constant dense<0x7F800000> : vector<256xf32>
    %reduce_min3A_285 = vector.multi_reduction <minimumf>, %select_n3A_283, %reduce_min3A_284 [1] : vector<256x2048xf32> to vector<256xf32>
    %eq3A_286 = arith.constant 1.100000e+01 : f32
    %eq3A_287 = vector.broadcast %eq3A_286 : f32 to vector<256x32xf32>
    %eq3A_288 = arith.cmpf oeq, %convert_element_type3A_26, %eq3A_287 : vector<256x32xf32>
    %broadcast_in_dim3A_289 = vector.shape_cast %reduce_min3A_285 : vector<256xf32> to vector<256x1xf32>
    %broadcast_in_dim3A_290 = vector.shape_cast %broadcast_in_dim3A_289 : vector<256x1xf32> to vector<256x1xf32>
    %broadcast_in_dim3A_291 = vector.broadcast %broadcast_in_dim3A_290 : vector<256x1xf32> to vector<256x32xf32>
    %select_n3A_292 = arith.select %eq3A_288, %broadcast_in_dim3A_291, %select_n3A_269 : vector<256x32xi1>, vector<256x32xf32>
    %broadcast_in_dim3A_293 = vector.shape_cast %reduce_min3A_285 : vector<256xf32> to vector<256x1xf32>
    %eq3A_294 = vector.broadcast %broadcast_in_dim3A_293 : vector<256x1xf32> to vector<256x2048xf32>
    %eq3A_295 = arith.cmpf oeq, %convert_element_type3A, %eq3A_294 : vector<256x2048xf32>
    %jit3A_296 = arith.constant -3.000000e+38 : f32
    %broadcast_in_dim3A_297 = vector.broadcast %jit3A_296 : f32 to vector<256x2048xf32>
    %select_n3A_298 = arith.select %eq3A_295, %broadcast_in_dim3A_297, %select_n3A_275 : vector<256x2048xi1>, vector<256x2048xf32>
    %reduce_max3A_299 = arith.constant dense<0xFF800000> : vector<256xf32>
    %reduce_max3A_300 = vector.multi_reduction <maximumf>, %select_n3A_298, %reduce_max3A_299 [1] : vector<256x2048xf32> to vector<256xf32>
    %broadcast_in_dim3A_301 = vector.shape_cast %reduce_max3A_300 : vector<256xf32> to vector<256x1xf32>
    %ge3A_302 = vector.broadcast %broadcast_in_dim3A_301 : vector<256x1xf32> to vector<256x2048xf32>
    %ge3A_303 = arith.cmpf oge, %select_n3A_298, %ge3A_302 : vector<256x2048xf32>
    %jit3A_304 = arith.constant 2.048000e+03 : f32
    %broadcast_in_dim3A_305 = vector.broadcast %jit3A_304 : f32 to vector<256x2048xf32>
    %select_n3A_306 = arith.select %ge3A_303, %convert_element_type3A, %broadcast_in_dim3A_305 : vector<256x2048xi1>, vector<256x2048xf32>
    %reduce_min3A_307 = arith.constant dense<0x7F800000> : vector<256xf32>
    %reduce_min3A_308 = vector.multi_reduction <minimumf>, %select_n3A_306, %reduce_min3A_307 [1] : vector<256x2048xf32> to vector<256xf32>
    %eq3A_309 = arith.constant 1.200000e+01 : f32
    %eq3A_310 = vector.broadcast %eq3A_309 : f32 to vector<256x32xf32>
    %eq3A_311 = arith.cmpf oeq, %convert_element_type3A_26, %eq3A_310 : vector<256x32xf32>
    %broadcast_in_dim3A_312 = vector.shape_cast %reduce_min3A_308 : vector<256xf32> to vector<256x1xf32>
    %broadcast_in_dim3A_313 = vector.shape_cast %broadcast_in_dim3A_312 : vector<256x1xf32> to vector<256x1xf32>
    %broadcast_in_dim3A_314 = vector.broadcast %broadcast_in_dim3A_313 : vector<256x1xf32> to vector<256x32xf32>
    %select_n3A_315 = arith.select %eq3A_311, %broadcast_in_dim3A_314, %select_n3A_292 : vector<256x32xi1>, vector<256x32xf32>
    %broadcast_in_dim3A_316 = vector.shape_cast %reduce_min3A_308 : vector<256xf32> to vector<256x1xf32>
    %eq3A_317 = vector.broadcast %broadcast_in_dim3A_316 : vector<256x1xf32> to vector<256x2048xf32>
    %eq3A_318 = arith.cmpf oeq, %convert_element_type3A, %eq3A_317 : vector<256x2048xf32>
    %jit3A_319 = arith.constant -3.000000e+38 : f32
    %broadcast_in_dim3A_320 = vector.broadcast %jit3A_319 : f32 to vector<256x2048xf32>
    %select_n3A_321 = arith.select %eq3A_318, %broadcast_in_dim3A_320, %select_n3A_298 : vector<256x2048xi1>, vector<256x2048xf32>
    %reduce_max3A_322 = arith.constant dense<0xFF800000> : vector<256xf32>
    %reduce_max3A_323 = vector.multi_reduction <maximumf>, %select_n3A_321, %reduce_max3A_322 [1] : vector<256x2048xf32> to vector<256xf32>
    %broadcast_in_dim3A_324 = vector.shape_cast %reduce_max3A_323 : vector<256xf32> to vector<256x1xf32>
    %ge3A_325 = vector.broadcast %broadcast_in_dim3A_324 : vector<256x1xf32> to vector<256x2048xf32>
    %ge3A_326 = arith.cmpf oge, %select_n3A_321, %ge3A_325 : vector<256x2048xf32>
    %jit3A_327 = arith.constant 2.048000e+03 : f32
    %broadcast_in_dim3A_328 = vector.broadcast %jit3A_327 : f32 to vector<256x2048xf32>
    %select_n3A_329 = arith.select %ge3A_326, %convert_element_type3A, %broadcast_in_dim3A_328 : vector<256x2048xi1>, vector<256x2048xf32>
    %reduce_min3A_330 = arith.constant dense<0x7F800000> : vector<256xf32>
    %reduce_min3A_331 = vector.multi_reduction <minimumf>, %select_n3A_329, %reduce_min3A_330 [1] : vector<256x2048xf32> to vector<256xf32>
    %eq3A_332 = arith.constant 1.300000e+01 : f32
    %eq3A_333 = vector.broadcast %eq3A_332 : f32 to vector<256x32xf32>
    %eq3A_334 = arith.cmpf oeq, %convert_element_type3A_26, %eq3A_333 : vector<256x32xf32>
    %broadcast_in_dim3A_335 = vector.shape_cast %reduce_min3A_331 : vector<256xf32> to vector<256x1xf32>
    %broadcast_in_dim3A_336 = vector.shape_cast %broadcast_in_dim3A_335 : vector<256x1xf32> to vector<256x1xf32>
    %broadcast_in_dim3A_337 = vector.broadcast %broadcast_in_dim3A_336 : vector<256x1xf32> to vector<256x32xf32>
    %select_n3A_338 = arith.select %eq3A_334, %broadcast_in_dim3A_337, %select_n3A_315 : vector<256x32xi1>, vector<256x32xf32>
    %broadcast_in_dim3A_339 = vector.shape_cast %reduce_min3A_331 : vector<256xf32> to vector<256x1xf32>
    %eq3A_340 = vector.broadcast %broadcast_in_dim3A_339 : vector<256x1xf32> to vector<256x2048xf32>
    %eq3A_341 = arith.cmpf oeq, %convert_element_type3A, %eq3A_340 : vector<256x2048xf32>
    %jit3A_342 = arith.constant -3.000000e+38 : f32
    %broadcast_in_dim3A_343 = vector.broadcast %jit3A_342 : f32 to vector<256x2048xf32>
    %select_n3A_344 = arith.select %eq3A_341, %broadcast_in_dim3A_343, %select_n3A_321 : vector<256x2048xi1>, vector<256x2048xf32>
    %reduce_max3A_345 = arith.constant dense<0xFF800000> : vector<256xf32>
    %reduce_max3A_346 = vector.multi_reduction <maximumf>, %select_n3A_344, %reduce_max3A_345 [1] : vector<256x2048xf32> to vector<256xf32>
    %broadcast_in_dim3A_347 = vector.shape_cast %reduce_max3A_346 : vector<256xf32> to vector<256x1xf32>
    %ge3A_348 = vector.broadcast %broadcast_in_dim3A_347 : vector<256x1xf32> to vector<256x2048xf32>
    %ge3A_349 = arith.cmpf oge, %select_n3A_344, %ge3A_348 : vector<256x2048xf32>
    %jit3A_350 = arith.constant 2.048000e+03 : f32
    %broadcast_in_dim3A_351 = vector.broadcast %jit3A_350 : f32 to vector<256x2048xf32>
    %select_n3A_352 = arith.select %ge3A_349, %convert_element_type3A, %broadcast_in_dim3A_351 : vector<256x2048xi1>, vector<256x2048xf32>
    %reduce_min3A_353 = arith.constant dense<0x7F800000> : vector<256xf32>
    %reduce_min3A_354 = vector.multi_reduction <minimumf>, %select_n3A_352, %reduce_min3A_353 [1] : vector<256x2048xf32> to vector<256xf32>
    %eq3A_355 = arith.constant 1.400000e+01 : f32
    %eq3A_356 = vector.broadcast %eq3A_355 : f32 to vector<256x32xf32>
    %eq3A_357 = arith.cmpf oeq, %convert_element_type3A_26, %eq3A_356 : vector<256x32xf32>
    %broadcast_in_dim3A_358 = vector.shape_cast %reduce_min3A_354 : vector<256xf32> to vector<256x1xf32>
    %broadcast_in_dim3A_359 = vector.shape_cast %broadcast_in_dim3A_358 : vector<256x1xf32> to vector<256x1xf32>
    %broadcast_in_dim3A_360 = vector.broadcast %broadcast_in_dim3A_359 : vector<256x1xf32> to vector<256x32xf32>
    %select_n3A_361 = arith.select %eq3A_357, %broadcast_in_dim3A_360, %select_n3A_338 : vector<256x32xi1>, vector<256x32xf32>
    %broadcast_in_dim3A_362 = vector.shape_cast %reduce_min3A_354 : vector<256xf32> to vector<256x1xf32>
    %eq3A_363 = vector.broadcast %broadcast_in_dim3A_362 : vector<256x1xf32> to vector<256x2048xf32>
    %eq3A_364 = arith.cmpf oeq, %convert_element_type3A, %eq3A_363 : vector<256x2048xf32>
    %jit3A_365 = arith.constant -3.000000e+38 : f32
    %broadcast_in_dim3A_366 = vector.broadcast %jit3A_365 : f32 to vector<256x2048xf32>
    %select_n3A_367 = arith.select %eq3A_364, %broadcast_in_dim3A_366, %select_n3A_344 : vector<256x2048xi1>, vector<256x2048xf32>
    %reduce_max3A_368 = arith.constant dense<0xFF800000> : vector<256xf32>
    %reduce_max3A_369 = vector.multi_reduction <maximumf>, %select_n3A_367, %reduce_max3A_368 [1] : vector<256x2048xf32> to vector<256xf32>
    %broadcast_in_dim3A_370 = vector.shape_cast %reduce_max3A_369 : vector<256xf32> to vector<256x1xf32>
    %ge3A_371 = vector.broadcast %broadcast_in_dim3A_370 : vector<256x1xf32> to vector<256x2048xf32>
    %ge3A_372 = arith.cmpf oge, %select_n3A_367, %ge3A_371 : vector<256x2048xf32>
    %jit3A_373 = arith.constant 2.048000e+03 : f32
    %broadcast_in_dim3A_374 = vector.broadcast %jit3A_373 : f32 to vector<256x2048xf32>
    %select_n3A_375 = arith.select %ge3A_372, %convert_element_type3A, %broadcast_in_dim3A_374 : vector<256x2048xi1>, vector<256x2048xf32>
    %reduce_min3A_376 = arith.constant dense<0x7F800000> : vector<256xf32>
    %reduce_min3A_377 = vector.multi_reduction <minimumf>, %select_n3A_375, %reduce_min3A_376 [1] : vector<256x2048xf32> to vector<256xf32>
    %eq3A_378 = arith.constant 1.500000e+01 : f32
    %eq3A_379 = vector.broadcast %eq3A_378 : f32 to vector<256x32xf32>
    %eq3A_380 = arith.cmpf oeq, %convert_element_type3A_26, %eq3A_379 : vector<256x32xf32>
    %broadcast_in_dim3A_381 = vector.shape_cast %reduce_min3A_377 : vector<256xf32> to vector<256x1xf32>
    %broadcast_in_dim3A_382 = vector.shape_cast %broadcast_in_dim3A_381 : vector<256x1xf32> to vector<256x1xf32>
    %broadcast_in_dim3A_383 = vector.broadcast %broadcast_in_dim3A_382 : vector<256x1xf32> to vector<256x32xf32>
    %select_n3A_384 = arith.select %eq3A_380, %broadcast_in_dim3A_383, %select_n3A_361 : vector<256x32xi1>, vector<256x32xf32>
    %broadcast_in_dim3A_385 = vector.shape_cast %reduce_min3A_377 : vector<256xf32> to vector<256x1xf32>
    %eq3A_386 = vector.broadcast %broadcast_in_dim3A_385 : vector<256x1xf32> to vector<256x2048xf32>
    %eq3A_387 = arith.cmpf oeq, %convert_element_type3A, %eq3A_386 : vector<256x2048xf32>
    %jit3A_388 = arith.constant -3.000000e+38 : f32
    %broadcast_in_dim3A_389 = vector.broadcast %jit3A_388 : f32 to vector<256x2048xf32>
    %select_n3A_390 = arith.select %eq3A_387, %broadcast_in_dim3A_389, %select_n3A_367 : vector<256x2048xi1>, vector<256x2048xf32>
    %reduce_max3A_391 = arith.constant dense<0xFF800000> : vector<256xf32>
    %reduce_max3A_392 = vector.multi_reduction <maximumf>, %select_n3A_390, %reduce_max3A_391 [1] : vector<256x2048xf32> to vector<256xf32>
    %broadcast_in_dim3A_393 = vector.shape_cast %reduce_max3A_392 : vector<256xf32> to vector<256x1xf32>
    %ge3A_394 = vector.broadcast %broadcast_in_dim3A_393 : vector<256x1xf32> to vector<256x2048xf32>
    %ge3A_395 = arith.cmpf oge, %select_n3A_390, %ge3A_394 : vector<256x2048xf32>
    %jit3A_396 = arith.constant 2.048000e+03 : f32
    %broadcast_in_dim3A_397 = vector.broadcast %jit3A_396 : f32 to vector<256x2048xf32>
    %select_n3A_398 = arith.select %ge3A_395, %convert_element_type3A, %broadcast_in_dim3A_397 : vector<256x2048xi1>, vector<256x2048xf32>
    %reduce_min3A_399 = arith.constant dense<0x7F800000> : vector<256xf32>
    %reduce_min3A_400 = vector.multi_reduction <minimumf>, %select_n3A_398, %reduce_min3A_399 [1] : vector<256x2048xf32> to vector<256xf32>
    %eq3A_401 = arith.constant 1.600000e+01 : f32
    %eq3A_402 = vector.broadcast %eq3A_401 : f32 to vector<256x32xf32>
    %eq3A_403 = arith.cmpf oeq, %convert_element_type3A_26, %eq3A_402 : vector<256x32xf32>
    %broadcast_in_dim3A_404 = vector.shape_cast %reduce_min3A_400 : vector<256xf32> to vector<256x1xf32>
    %broadcast_in_dim3A_405 = vector.shape_cast %broadcast_in_dim3A_404 : vector<256x1xf32> to vector<256x1xf32>
    %broadcast_in_dim3A_406 = vector.broadcast %broadcast_in_dim3A_405 : vector<256x1xf32> to vector<256x32xf32>
    %select_n3A_407 = arith.select %eq3A_403, %broadcast_in_dim3A_406, %select_n3A_384 : vector<256x32xi1>, vector<256x32xf32>
    %broadcast_in_dim3A_408 = vector.shape_cast %reduce_min3A_400 : vector<256xf32> to vector<256x1xf32>
    %eq3A_409 = vector.broadcast %broadcast_in_dim3A_408 : vector<256x1xf32> to vector<256x2048xf32>
    %eq3A_410 = arith.cmpf oeq, %convert_element_type3A, %eq3A_409 : vector<256x2048xf32>
    %jit3A_411 = arith.constant -3.000000e+38 : f32
    %broadcast_in_dim3A_412 = vector.broadcast %jit3A_411 : f32 to vector<256x2048xf32>
    %select_n3A_413 = arith.select %eq3A_410, %broadcast_in_dim3A_412, %select_n3A_390 : vector<256x2048xi1>, vector<256x2048xf32>
    %reduce_max3A_414 = arith.constant dense<0xFF800000> : vector<256xf32>
    %reduce_max3A_415 = vector.multi_reduction <maximumf>, %select_n3A_413, %reduce_max3A_414 [1] : vector<256x2048xf32> to vector<256xf32>
    %broadcast_in_dim3A_416 = vector.shape_cast %reduce_max3A_415 : vector<256xf32> to vector<256x1xf32>
    %ge3A_417 = vector.broadcast %broadcast_in_dim3A_416 : vector<256x1xf32> to vector<256x2048xf32>
    %ge3A_418 = arith.cmpf oge, %select_n3A_413, %ge3A_417 : vector<256x2048xf32>
    %jit3A_419 = arith.constant 2.048000e+03 : f32
    %broadcast_in_dim3A_420 = vector.broadcast %jit3A_419 : f32 to vector<256x2048xf32>
    %select_n3A_421 = arith.select %ge3A_418, %convert_element_type3A, %broadcast_in_dim3A_420 : vector<256x2048xi1>, vector<256x2048xf32>
    %reduce_min3A_422 = arith.constant dense<0x7F800000> : vector<256xf32>
    %reduce_min3A_423 = vector.multi_reduction <minimumf>, %select_n3A_421, %reduce_min3A_422 [1] : vector<256x2048xf32> to vector<256xf32>
    %eq3A_424 = arith.constant 1.700000e+01 : f32
    %eq3A_425 = vector.broadcast %eq3A_424 : f32 to vector<256x32xf32>
    %eq3A_426 = arith.cmpf oeq, %convert_element_type3A_26, %eq3A_425 : vector<256x32xf32>
    %broadcast_in_dim3A_427 = vector.shape_cast %reduce_min3A_423 : vector<256xf32> to vector<256x1xf32>
    %broadcast_in_dim3A_428 = vector.shape_cast %broadcast_in_dim3A_427 : vector<256x1xf32> to vector<256x1xf32>
    %broadcast_in_dim3A_429 = vector.broadcast %broadcast_in_dim3A_428 : vector<256x1xf32> to vector<256x32xf32>
    %select_n3A_430 = arith.select %eq3A_426, %broadcast_in_dim3A_429, %select_n3A_407 : vector<256x32xi1>, vector<256x32xf32>
    %broadcast_in_dim3A_431 = vector.shape_cast %reduce_min3A_423 : vector<256xf32> to vector<256x1xf32>
    %eq3A_432 = vector.broadcast %broadcast_in_dim3A_431 : vector<256x1xf32> to vector<256x2048xf32>
    %eq3A_433 = arith.cmpf oeq, %convert_element_type3A, %eq3A_432 : vector<256x2048xf32>
    %jit3A_434 = arith.constant -3.000000e+38 : f32
    %broadcast_in_dim3A_435 = vector.broadcast %jit3A_434 : f32 to vector<256x2048xf32>
    %select_n3A_436 = arith.select %eq3A_433, %broadcast_in_dim3A_435, %select_n3A_413 : vector<256x2048xi1>, vector<256x2048xf32>
    %reduce_max3A_437 = arith.constant dense<0xFF800000> : vector<256xf32>
    %reduce_max3A_438 = vector.multi_reduction <maximumf>, %select_n3A_436, %reduce_max3A_437 [1] : vector<256x2048xf32> to vector<256xf32>
    %broadcast_in_dim3A_439 = vector.shape_cast %reduce_max3A_438 : vector<256xf32> to vector<256x1xf32>
    %ge3A_440 = vector.broadcast %broadcast_in_dim3A_439 : vector<256x1xf32> to vector<256x2048xf32>
    %ge3A_441 = arith.cmpf oge, %select_n3A_436, %ge3A_440 : vector<256x2048xf32>
    %jit3A_442 = arith.constant 2.048000e+03 : f32
    %broadcast_in_dim3A_443 = vector.broadcast %jit3A_442 : f32 to vector<256x2048xf32>
    %select_n3A_444 = arith.select %ge3A_441, %convert_element_type3A, %broadcast_in_dim3A_443 : vector<256x2048xi1>, vector<256x2048xf32>
    %reduce_min3A_445 = arith.constant dense<0x7F800000> : vector<256xf32>
    %reduce_min3A_446 = vector.multi_reduction <minimumf>, %select_n3A_444, %reduce_min3A_445 [1] : vector<256x2048xf32> to vector<256xf32>
    %eq3A_447 = arith.constant 1.800000e+01 : f32
    %eq3A_448 = vector.broadcast %eq3A_447 : f32 to vector<256x32xf32>
    %eq3A_449 = arith.cmpf oeq, %convert_element_type3A_26, %eq3A_448 : vector<256x32xf32>
    %broadcast_in_dim3A_450 = vector.shape_cast %reduce_min3A_446 : vector<256xf32> to vector<256x1xf32>
    %broadcast_in_dim3A_451 = vector.shape_cast %broadcast_in_dim3A_450 : vector<256x1xf32> to vector<256x1xf32>
    %broadcast_in_dim3A_452 = vector.broadcast %broadcast_in_dim3A_451 : vector<256x1xf32> to vector<256x32xf32>
    %select_n3A_453 = arith.select %eq3A_449, %broadcast_in_dim3A_452, %select_n3A_430 : vector<256x32xi1>, vector<256x32xf32>
    %broadcast_in_dim3A_454 = vector.shape_cast %reduce_min3A_446 : vector<256xf32> to vector<256x1xf32>
    %eq3A_455 = vector.broadcast %broadcast_in_dim3A_454 : vector<256x1xf32> to vector<256x2048xf32>
    %eq3A_456 = arith.cmpf oeq, %convert_element_type3A, %eq3A_455 : vector<256x2048xf32>
    %jit3A_457 = arith.constant -3.000000e+38 : f32
    %broadcast_in_dim3A_458 = vector.broadcast %jit3A_457 : f32 to vector<256x2048xf32>
    %select_n3A_459 = arith.select %eq3A_456, %broadcast_in_dim3A_458, %select_n3A_436 : vector<256x2048xi1>, vector<256x2048xf32>
    %reduce_max3A_460 = arith.constant dense<0xFF800000> : vector<256xf32>
    %reduce_max3A_461 = vector.multi_reduction <maximumf>, %select_n3A_459, %reduce_max3A_460 [1] : vector<256x2048xf32> to vector<256xf32>
    %broadcast_in_dim3A_462 = vector.shape_cast %reduce_max3A_461 : vector<256xf32> to vector<256x1xf32>
    %ge3A_463 = vector.broadcast %broadcast_in_dim3A_462 : vector<256x1xf32> to vector<256x2048xf32>
    %ge3A_464 = arith.cmpf oge, %select_n3A_459, %ge3A_463 : vector<256x2048xf32>
    %jit3A_465 = arith.constant 2.048000e+03 : f32
    %broadcast_in_dim3A_466 = vector.broadcast %jit3A_465 : f32 to vector<256x2048xf32>
    %select_n3A_467 = arith.select %ge3A_464, %convert_element_type3A, %broadcast_in_dim3A_466 : vector<256x2048xi1>, vector<256x2048xf32>
    %reduce_min3A_468 = arith.constant dense<0x7F800000> : vector<256xf32>
    %reduce_min3A_469 = vector.multi_reduction <minimumf>, %select_n3A_467, %reduce_min3A_468 [1] : vector<256x2048xf32> to vector<256xf32>
    %eq3A_470 = arith.constant 1.900000e+01 : f32
    %eq3A_471 = vector.broadcast %eq3A_470 : f32 to vector<256x32xf32>
    %eq3A_472 = arith.cmpf oeq, %convert_element_type3A_26, %eq3A_471 : vector<256x32xf32>
    %broadcast_in_dim3A_473 = vector.shape_cast %reduce_min3A_469 : vector<256xf32> to vector<256x1xf32>
    %broadcast_in_dim3A_474 = vector.shape_cast %broadcast_in_dim3A_473 : vector<256x1xf32> to vector<256x1xf32>
    %broadcast_in_dim3A_475 = vector.broadcast %broadcast_in_dim3A_474 : vector<256x1xf32> to vector<256x32xf32>
    %select_n3A_476 = arith.select %eq3A_472, %broadcast_in_dim3A_475, %select_n3A_453 : vector<256x32xi1>, vector<256x32xf32>
    %slice3A = vector.extract_strided_slice %select_n3A_476 {offsets = [0, 0], sizes = [256, 20], strides = [1, 1]} : vector<256x32xf32> to vector<256x20xf32>
    %convert_element_type3A_477 = arith.fptosi %slice3A : vector<256x20xf32> to vector<256x20xi32>
    %add3A = vector.broadcast %mul3A_24 : i32 to vector<256x20xi32>
    %add3A_478 = arith.addi %convert_element_type3A_477, %add3A : vector<256x20xi32>
    %swap3A = arith.constant 0 : index
    %swap3A_479 = arith.constant 0 : index
    %swap3A_480 = vector.load %arg4[%swap3A, %swap3A_479] : memref<256x20xi32, #tpu.memory_space<vmem>>, vector<256x20xi32>
    tpu.vector_store %arg4[%swap3A, %swap3A_479], %add3A_478 {strides = array<i32>} : memref<256x20xi32, #tpu.memory_space<vmem>>, vector<256x20xi32>,
    %jit3A_481 = arith.constant 0 : i32
    %convert_element_type3A_482 = arith.sitofp %jit3A_481 : i32 to f32
    %pad3A = vector.broadcast %convert_element_type3A_482 : f32 to vector<256x120xf32>
    %pad3A_483 = tpu.concatenate %get3A_9, %pad3A in 1 : vector<256x8xf32>, vector<256x120xf32> -> vector<256x128xf32>
    %swap3A_484 = arith.constant 0 : index
    %swap3A_485 = arith.constant 0 : index
    %swap3A_486 = arith.constant 0 : index
    %swap3A_487 = vector.load %arg5[%swap3A_484, %swap3A_485, %swap3A_486] : memref<1x256x128xf32, #tpu.memory_space<vmem>>, vector<1x256x128xf32>
    %swap3A_488 = vector.shape_cast %swap3A_487 : vector<1x256x128xf32> to vector<256x128xf32>
    %swap3A_489 = vector.shape_cast %pad3A_483 : vector<256x128xf32> to vector<1x256x128xf32>
    tpu.vector_store %arg5[%swap3A_484, %swap3A_485, %swap3A_486], %swap3A_489 {strides = array<i32>} : memref<1x256x128xf32, #tpu.memory_space<vmem>>, vector<1x256x128xf32>,
    return
  }
  func.func @transform_0(%arg0: i32, %arg1: i32) -> (i32, i32, i32) {
    %c0_i32 = arith.constant 0 : i32
    %c0_i32_0 = arith.constant 0 : i32
    %c0_i32_1 = arith.constant 0 : i32
    return %arg0, %c0_i32, %c0_i32_0 : i32, i32, i32
  }
  func.func @transform_1(%arg0: i32, %arg1: i32) -> (i32, i32) {
    %c0_i32 = arith.constant 0 : i32
    %c0_i32_0 = arith.constant 0 : i32
    %c0_i32_1 = arith.constant 0 : i32
    return %c0_i32, %c0_i32_0 : i32, i32
  }
  func.func @transform_2(%arg0: i32, %arg1: i32) -> (i32, i32) {
    %mul3A = arith.constant 8 : i32
    %mul3A_0 = arith.muli %arg0, %mul3A : i32
    %add3A = arith.addi %mul3A_0, %arg1 : i32
    %c0_i32 = arith.constant 0 : i32
    %c0_i32_1 = arith.constant 0 : i32
    return %add3A, %c0_i32 : i32, i32
  }
  func.func @transform_3(%arg0: i32, %arg1: i32) -> (i32, i32, i32) {
    %c0_i32 = arith.constant 0 : i32
    %c0_i32_0 = arith.constant 0 : i32
    return %arg0, %arg1, %c0_i32 : i32, i32, i32
  }
}

module attributes {stable_mosaic.version = 14 : i64} {
  func.func @body(%arg0: i32, %arg1: memref<2048x20xi32, #tpu.memory_space<vmem>>, %arg2: memref<20x2048xi32, #tpu.memory_space<vmem>>) attributes {dimension_semantics = [#tpu.dimension_semantics<arbitrary>], iteration_bounds = array<i64: 8>, scalar_prefetch = 0 : i64, scratch_operands = 0 : i64, tpu.core_type = #tpu.core_type<tc>, window_params = [{transform_indices = @transform_0, window_bounds = array<i64: 2048, 20>}, {transform_indices = @transform_1, window_bounds = array<i64: 20, 2048>}]} {
    %get3A = arith.constant 0 : index
    %get3A_0 = arith.constant 0 : index
    %get3A_1 = vector.load %arg1[%get3A, %get3A_0] : memref<2048x20xi32, #tpu.memory_space<vmem>>, vector<2048x20xi32>
    %transpose3A = tpu.transpose %get3A_1, [1, 0] : vector<2048x20xi32> -> vector<20x2048xi32>
    %swap3A = arith.constant 0 : index
    %swap3A_2 = arith.constant 0 : index
    %swap3A_3 = vector.load %arg2[%swap3A, %swap3A_2] : memref<20x2048xi32, #tpu.memory_space<vmem>>, vector<20x2048xi32>
    tpu.vector_store %arg2[%swap3A, %swap3A_2], %transpose3A {strides = array<i32>} : memref<20x2048xi32, #tpu.memory_space<vmem>>, vector<20x2048xi32>,
    return
  }
  func.func @transform_0(%arg0: i32) -> (i32, i32) {
    %c0_i32 = arith.constant 0 : i32
    %c0_i32_0 = arith.constant 0 : i32
    return %arg0, %c0_i32 : i32, i32
  }
  func.func @transform_1(%arg0: i32) -> (i32, i32) {
    %c0_i32 = arith.constant 0 : i32
    %c0_i32_0 = arith.constant 0 : i32
    return %c0_i32, %arg0 : i32, i32
  }
}

module attributes {stable_mosaic.version = 14 : i64} {
  func.func @body(%arg0: i32, %arg1: memref<20x512x128xf32, #tpu.memory_space<vmem>>, %arg2: memref<512x128xf32, #tpu.memory_space<vmem>>, %arg3: memref<128x64xf32, #tpu.memory_space<vmem>>, %arg4: memref<8x64xf32, #tpu.memory_space<vmem>>) attributes {dimension_semantics = [#tpu.dimension_semantics<arbitrary>], iteration_bounds = array<i64: 32>, scalar_prefetch = 0 : i64, scratch_operands = 0 : i64, tpu.core_type = #tpu.core_type<tc>, window_params = [{transform_indices = @transform_0, window_bounds = array<i64: 20, 512, 128>}, {transform_indices = @transform_1, window_bounds = array<i64: 512, 128>}, {pipeline_mode = #tpu.pipeline_mode<synchronous>, transform_indices = @transform_2, window_bounds = array<i64: 128, 64>}, {pipeline_mode = #tpu.pipeline_mode<synchronous>, transform_indices = @transform_3, window_bounds = array<i64: 8, 64>}]} {
    %get3A = arith.constant 0 : index
    %get3A_0 = arith.constant 0 : index
    %get3A_1 = arith.constant 0 : index
    %get3A_2 = vector.load %arg1[%get3A, %get3A_0, %get3A_1] : memref<20x512x128xf32, #tpu.memory_space<vmem>>, vector<20x512x64xf32>
    %get3A_3 = arith.constant 0 : index
    %get3A_4 = arith.constant 0 : index
    %get3A_5 = vector.load %arg2[%get3A_3, %get3A_4] : memref<512x128xf32, #tpu.memory_space<vmem>>, vector<512x64xf32>
    %broadcast_in_dim3A = vector.shape_cast %get3A_5 : vector<512x64xf32> to vector<1x512x64xf32>
    %sub3A = vector.broadcast %broadcast_in_dim3A : vector<1x512x64xf32> to vector<20x512x64xf32>
    %sub3A_6 = arith.subf %get3A_2, %sub3A : vector<20x512x64xf32>
    %broadcast_in_dim3A_7 = vector.shape_cast %broadcast_in_dim3A : vector<1x512x64xf32> to vector<1x512x64xf32>
    %broadcast_in_dim3A_8 = vector.broadcast %broadcast_in_dim3A_7 : vector<1x512x64xf32> to vector<20x512x64xf32>
    %concatenate3A = tpu.concatenate %sub3A_6, %broadcast_in_dim3A_8 in 2 : vector<20x512x64xf32>, vector<20x512x64xf32> -> vector<20x512x128xf32>
    %reshape3A = vector.shape_cast %concatenate3A : vector<20x512x128xf32> to vector<10240x128xf32>
    %get3A_9 = arith.constant 0 : index
    %get3A_10 = arith.constant 0 : index
    %get3A_11 = vector.load %arg3[%get3A_9, %get3A_10] : memref<128x64xf32, #tpu.memory_space<vmem>>, vector<128x64xf32>
    %dot_general3A = arith.constant dense<0.000000e+00> : vector<10240x64xf32>
    %dot_general3A_12 = tpu.matmul %reshape3A, %get3A_11, %dot_general3A {dimension_numbers = #tpu.dot_dimension_numbers<[1], [0], [0], [1], [0, 0, 1, 1], [], []>, transpose_lhs_hint = false} : vector<10240x128xf32>, vector<128x64xf32>, vector<10240x64xf32> -> vector<10240x64xf32>
    %reduce_sum3A = arith.constant dense<0.000000e+00> : vector<64xf32>
    %reduce_sum3A_13 = vector.multi_reduction <add>, %dot_general3A_12, %reduce_sum3A [0] : vector<10240x64xf32> to vector<64xf32>
    %mul3A = arith.mulf %dot_general3A_12, %dot_general3A_12 : vector<10240x64xf32>
    %reduce_sum3A_14 = arith.constant dense<0.000000e+00> : vector<64xf32>
    %reduce_sum3A_15 = vector.multi_reduction <add>, %mul3A, %reduce_sum3A_14 [0] : vector<10240x64xf32> to vector<64xf32>
    %broadcast_in_dim3A_16 = vector.shape_cast %reduce_sum3A_13 : vector<64xf32> to vector<1x64xf32>
    %broadcast_in_dim3A_17 = vector.shape_cast %reduce_sum3A_15 : vector<64xf32> to vector<1x64xf32>
    %broadcast_in_dim3A_18 = arith.constant 0.000000e+00 : f32
    %broadcast_in_dim3A_19 = vector.broadcast %broadcast_in_dim3A_18 : f32 to vector<6x64xf32>
    %concatenate3A_20 = tpu.concatenate %broadcast_in_dim3A_16, %broadcast_in_dim3A_17, %broadcast_in_dim3A_19 in 0 : vector<1x64xf32>, vector<1x64xf32>, vector<6x64xf32> -> vector<8x64xf32>
    %eq3A = arith.constant 0 : i32
    %eq3A_21 = arith.cmpi eq, %arg0, %eq3A : i32
    %convert_element_type3A = arith.extui %eq3A_21 : i1 to i32
    %cond3A = arith.constant 0 : i32
    %cond3A_22 = arith.cmpi ne, %convert_element_type3A, %cond3A : i32
    scf.if %cond3A_22 {
      %broadcast_in_dim3A_28 = arith.constant 0.000000e+00 : f32
      %broadcast_in_dim3A_29 = vector.broadcast %broadcast_in_dim3A_28 : f32 to vector<8x64xf32>
      %swap3A_30 = arith.constant 0 : index
      %swap3A_31 = arith.constant 0 : index
      %swap3A_32 = vector.load %arg4[%swap3A_30, %swap3A_31] : memref<8x64xf32, #tpu.memory_space<vmem>>, vector<8x64xf32>
      tpu.vector_store %arg4[%swap3A_30, %swap3A_31], %broadcast_in_dim3A_29 {strides = array<i32>} : memref<8x64xf32, #tpu.memory_space<vmem>>, vector<8x64xf32>,
    } else {
    }
    %get3A_23 = arith.constant 0 : index
    %get3A_24 = arith.constant 0 : index
    %get3A_25 = vector.load %arg4[%get3A_23, %get3A_24] : memref<8x64xf32, #tpu.memory_space<vmem>>, vector<8x64xf32>
    %add3A = arith.addf %get3A_25, %concatenate3A_20 : vector<8x64xf32>
    %swap3A = arith.constant 0 : index
    %swap3A_26 = arith.constant 0 : index
    %swap3A_27 = vector.load %arg4[%swap3A, %swap3A_26] : memref<8x64xf32, #tpu.memory_space<vmem>>, vector<8x64xf32>
    tpu.vector_store %arg4[%swap3A, %swap3A_26], %add3A {strides = array<i32>} : memref<8x64xf32, #tpu.memory_space<vmem>>, vector<8x64xf32>,
    return
  }
  func.func @transform_0(%arg0: i32) -> (i32, i32, i32) {
    %c0_i32 = arith.constant 0 : i32
    %c0_i32_0 = arith.constant 0 : i32
    %c0_i32_1 = arith.constant 0 : i32
    return %c0_i32, %arg0, %c0_i32_0 : i32, i32, i32
  }
  func.func @transform_1(%arg0: i32) -> (i32, i32) {
    %c0_i32 = arith.constant 0 : i32
    %c0_i32_0 = arith.constant 0 : i32
    return %arg0, %c0_i32 : i32, i32
  }
  func.func @transform_2(%arg0: i32) -> (i32, i32) {
    %c0_i32 = arith.constant 0 : i32
    %c0_i32_0 = arith.constant 0 : i32
    %c0_i32_1 = arith.constant 0 : i32
    return %c0_i32, %c0_i32_0 : i32, i32
  }
  func.func @transform_3(%arg0: i32) -> (i32, i32) {
    %c0_i32 = arith.constant 0 : i32
    %c0_i32_0 = arith.constant 0 : i32
    %c0_i32_1 = arith.constant 0 : i32
    return %c0_i32, %c0_i32_0 : i32, i32
  }
}

module attributes {stable_mosaic.version = 14 : i64} {
  func.func @body(%arg0: i32, %arg1: memref<20x512x128xf32, #tpu.memory_space<vmem>>, %arg2: memref<512x128xf32, #tpu.memory_space<vmem>>, %arg3: memref<128x64xf32, #tpu.memory_space<vmem>>, %arg4: memref<8x64xf32, #tpu.memory_space<vmem>>, %arg5: memref<64x64xf32, #tpu.memory_space<vmem>>, %arg6: memref<512x64xf32, #tpu.memory_space<vmem>>, %arg7: memref<8x64xf32, #tpu.memory_space<vmem>>) attributes {dimension_semantics = [#tpu.dimension_semantics<arbitrary>], iteration_bounds = array<i64: 32>, scalar_prefetch = 0 : i64, scratch_operands = 0 : i64, tpu.core_type = #tpu.core_type<tc>, window_params = [{transform_indices = @transform_0, window_bounds = array<i64: 20, 512, 128>}, {transform_indices = @transform_1, window_bounds = array<i64: 512, 128>}, {pipeline_mode = #tpu.pipeline_mode<synchronous>, transform_indices = @transform_2, window_bounds = array<i64: 128, 64>}, {pipeline_mode = #tpu.pipeline_mode<synchronous>, transform_indices = @transform_3, window_bounds = array<i64: 8, 64>}, {pipeline_mode = #tpu.pipeline_mode<synchronous>, transform_indices = @transform_4, window_bounds = array<i64: 64, 64>}, {transform_indices = @transform_5, window_bounds = array<i64: 512, 64>}, {pipeline_mode = #tpu.pipeline_mode<synchronous>, transform_indices = @transform_6, window_bounds = array<i64: 8, 64>}]} {
    %get3A = arith.constant 0 : index
    %get3A_0 = arith.constant 0 : index
    %get3A_1 = arith.constant 0 : index
    %get3A_2 = vector.load %arg1[%get3A, %get3A_0, %get3A_1] : memref<20x512x128xf32, #tpu.memory_space<vmem>>, vector<20x512x64xf32>
    %get3A_3 = arith.constant 0 : index
    %get3A_4 = arith.constant 0 : index
    %get3A_5 = vector.load %arg2[%get3A_3, %get3A_4] : memref<512x128xf32, #tpu.memory_space<vmem>>, vector<512x64xf32>
    %broadcast_in_dim3A = vector.shape_cast %get3A_5 : vector<512x64xf32> to vector<1x512x64xf32>
    %sub3A = vector.broadcast %broadcast_in_dim3A : vector<1x512x64xf32> to vector<20x512x64xf32>
    %sub3A_6 = arith.subf %get3A_2, %sub3A : vector<20x512x64xf32>
    %broadcast_in_dim3A_7 = vector.shape_cast %broadcast_in_dim3A : vector<1x512x64xf32> to vector<1x512x64xf32>
    %broadcast_in_dim3A_8 = vector.broadcast %broadcast_in_dim3A_7 : vector<1x512x64xf32> to vector<20x512x64xf32>
    %concatenate3A = tpu.concatenate %sub3A_6, %broadcast_in_dim3A_8 in 2 : vector<20x512x64xf32>, vector<20x512x64xf32> -> vector<20x512x128xf32>
    %reshape3A = vector.shape_cast %concatenate3A : vector<20x512x128xf32> to vector<10240x128xf32>
    %get3A_9 = arith.constant 0 : index
    %get3A_10 = arith.constant 0 : index
    %get3A_11 = vector.load %arg3[%get3A_9, %get3A_10] : memref<128x64xf32, #tpu.memory_space<vmem>>, vector<128x64xf32>
    %dot_general3A = arith.constant dense<0.000000e+00> : vector<10240x64xf32>
    %dot_general3A_12 = tpu.matmul %reshape3A, %get3A_11, %dot_general3A {dimension_numbers = #tpu.dot_dimension_numbers<[1], [0], [0], [1], [0, 0, 1, 1], [], []>, transpose_lhs_hint = false} : vector<10240x128xf32>, vector<128x64xf32>, vector<10240x64xf32> -> vector<10240x64xf32>
    %get3A_13 = arith.constant 0 : index
    %get3A_14 = arith.constant 0 : index
    %get3A_15 = vector.load %arg4[%get3A_13, %get3A_14] : memref<8x64xf32, #tpu.memory_space<vmem>>, vector<1x64xf32>
    %get3A_16 = vector.shape_cast %get3A_15 : vector<1x64xf32> to vector<64xf32>
    %broadcast_in_dim3A_17 = vector.shape_cast %get3A_16 : vector<64xf32> to vector<1x64xf32>
    %mul3A = vector.broadcast %broadcast_in_dim3A_17 : vector<1x64xf32> to vector<10240x64xf32>
    %mul3A_18 = arith.mulf %dot_general3A_12, %mul3A : vector<10240x64xf32>
    %get3A_19 = arith.constant 1 : index
    %get3A_20 = arith.constant 0 : index
    %get3A_21 = vector.load %arg4[%get3A_19, %get3A_20] : memref<8x64xf32, #tpu.memory_space<vmem>>, vector<1x64xf32>
    %get3A_22 = vector.shape_cast %get3A_21 : vector<1x64xf32> to vector<64xf32>
    %broadcast_in_dim3A_23 = vector.shape_cast %get3A_22 : vector<64xf32> to vector<1x64xf32>
    %add3A = vector.broadcast %broadcast_in_dim3A_23 : vector<1x64xf32> to vector<10240x64xf32>
    %add3A_24 = arith.addf %mul3A_18, %add3A : vector<10240x64xf32>
    %gt3A = arith.constant 0.000000e+00 : f32
    %gt3A_25 = vector.broadcast %gt3A : f32 to vector<10240x64xf32>
    %gt3A_26 = arith.cmpf ogt, %add3A_24, %gt3A_25 : vector<10240x64xf32>
    %mul3A_27 = arith.constant 1.000000e-01 : f32
    %mul3A_28 = vector.broadcast %mul3A_27 : f32 to vector<10240x64xf32>
    %mul3A_29 = arith.mulf %mul3A_28, %add3A_24 : vector<10240x64xf32>
    %select_n3A = arith.select %gt3A_26, %add3A_24, %mul3A_29 : vector<10240x64xi1>, vector<10240x64xf32>
    %get3A_30 = arith.constant 0 : index
    %get3A_31 = arith.constant 0 : index
    %get3A_32 = vector.load %arg5[%get3A_30, %get3A_31] : memref<64x64xf32, #tpu.memory_space<vmem>>, vector<64x64xf32>
    %dot_general3A_33 = arith.constant dense<0.000000e+00> : vector<10240x64xf32>
    %dot_general3A_34 = tpu.matmul %select_n3A, %get3A_32, %dot_general3A_33 {dimension_numbers = #tpu.dot_dimension_numbers<[1], [0], [0], [1], [0, 0, 1, 1], [], []>, transpose_lhs_hint = false} : vector<10240x64xf32>, vector<64x64xf32>, vector<10240x64xf32> -> vector<10240x64xf32>
    %reduce_sum3A = arith.constant dense<0.000000e+00> : vector<64xf32>
    %reduce_sum3A_35 = vector.multi_reduction <add>, %dot_general3A_34, %reduce_sum3A [0] : vector<10240x64xf32> to vector<64xf32>
    %mul3A_36 = arith.mulf %dot_general3A_34, %dot_general3A_34 : vector<10240x64xf32>
    %reduce_sum3A_37 = arith.constant dense<0.000000e+00> : vector<64xf32>
    %reduce_sum3A_38 = vector.multi_reduction <add>, %mul3A_36, %reduce_sum3A_37 [0] : vector<10240x64xf32> to vector<64xf32>
    %reshape3A_39 = vector.shape_cast %dot_general3A_34 : vector<10240x64xf32> to vector<20x512x64xf32>
    %reduce_max3A = arith.constant dense<0xFF800000> : vector<512x64xf32>
    %reduce_max3A_40 = vector.multi_reduction <maximumf>, %reshape3A_39, %reduce_max3A [0] : vector<20x512x64xf32> to vector<512x64xf32>
    %swap3A = arith.constant 0 : index
    %swap3A_41 = arith.constant 0 : index
    %swap3A_42 = vector.load %arg6[%swap3A, %swap3A_41] : memref<512x64xf32, #tpu.memory_space<vmem>>, vector<512x64xf32>
    tpu.vector_store %arg6[%swap3A, %swap3A_41], %reduce_max3A_40 {strides = array<i32>} : memref<512x64xf32, #tpu.memory_space<vmem>>, vector<512x64xf32>,
    %broadcast_in_dim3A_43 = vector.shape_cast %reduce_sum3A_35 : vector<64xf32> to vector<1x64xf32>
    %broadcast_in_dim3A_44 = vector.shape_cast %reduce_sum3A_38 : vector<64xf32> to vector<1x64xf32>
    %broadcast_in_dim3A_45 = arith.constant 0.000000e+00 : f32
    %broadcast_in_dim3A_46 = vector.broadcast %broadcast_in_dim3A_45 : f32 to vector<6x64xf32>
    %concatenate3A_47 = tpu.concatenate %broadcast_in_dim3A_43, %broadcast_in_dim3A_44, %broadcast_in_dim3A_46 in 0 : vector<1x64xf32>, vector<1x64xf32>, vector<6x64xf32> -> vector<8x64xf32>
    %eq3A = arith.constant 0 : i32
    %eq3A_48 = arith.cmpi eq, %arg0, %eq3A : i32
    %convert_element_type3A = arith.extui %eq3A_48 : i1 to i32
    %cond3A = arith.constant 0 : i32
    %cond3A_49 = arith.cmpi ne, %convert_element_type3A, %cond3A : i32
    scf.if %cond3A_49 {
      %broadcast_in_dim3A_57 = arith.constant 0.000000e+00 : f32
      %broadcast_in_dim3A_58 = vector.broadcast %broadcast_in_dim3A_57 : f32 to vector<8x64xf32>
      %swap3A_59 = arith.constant 0 : index
      %swap3A_60 = arith.constant 0 : index
      %swap3A_61 = vector.load %arg7[%swap3A_59, %swap3A_60] : memref<8x64xf32, #tpu.memory_space<vmem>>, vector<8x64xf32>
      tpu.vector_store %arg7[%swap3A_59, %swap3A_60], %broadcast_in_dim3A_58 {strides = array<i32>} : memref<8x64xf32, #tpu.memory_space<vmem>>, vector<8x64xf32>,
    } else {
    }
    %get3A_50 = arith.constant 0 : index
    %get3A_51 = arith.constant 0 : index
    %get3A_52 = vector.load %arg7[%get3A_50, %get3A_51] : memref<8x64xf32, #tpu.memory_space<vmem>>, vector<8x64xf32>
    %add3A_53 = arith.addf %get3A_52, %concatenate3A_47 : vector<8x64xf32>
    %swap3A_54 = arith.constant 0 : index
    %swap3A_55 = arith.constant 0 : index
    %swap3A_56 = vector.load %arg7[%swap3A_54, %swap3A_55] : memref<8x64xf32, #tpu.memory_space<vmem>>, vector<8x64xf32>
    tpu.vector_store %arg7[%swap3A_54, %swap3A_55], %add3A_53 {strides = array<i32>} : memref<8x64xf32, #tpu.memory_space<vmem>>, vector<8x64xf32>,
    return
  }
  func.func @transform_0(%arg0: i32) -> (i32, i32, i32) {
    %c0_i32 = arith.constant 0 : i32
    %c0_i32_0 = arith.constant 0 : i32
    %c0_i32_1 = arith.constant 0 : i32
    return %c0_i32, %arg0, %c0_i32_0 : i32, i32, i32
  }
  func.func @transform_1(%arg0: i32) -> (i32, i32) {
    %c0_i32 = arith.constant 0 : i32
    %c0_i32_0 = arith.constant 0 : i32
    return %arg0, %c0_i32 : i32, i32
  }
  func.func @transform_2(%arg0: i32) -> (i32, i32) {
    %c0_i32 = arith.constant 0 : i32
    %c0_i32_0 = arith.constant 0 : i32
    %c0_i32_1 = arith.constant 0 : i32
    return %c0_i32, %c0_i32_0 : i32, i32
  }
  func.func @transform_3(%arg0: i32) -> (i32, i32) {
    %c0_i32 = arith.constant 0 : i32
    %c0_i32_0 = arith.constant 0 : i32
    %c0_i32_1 = arith.constant 0 : i32
    return %c0_i32, %c0_i32_0 : i32, i32
  }
  func.func @transform_4(%arg0: i32) -> (i32, i32) {
    %c0_i32 = arith.constant 0 : i32
    %c0_i32_0 = arith.constant 0 : i32
    %c0_i32_1 = arith.constant 0 : i32
    return %c0_i32, %c0_i32_0 : i32, i32
  }
  func.func @transform_5(%arg0: i32) -> (i32, i32) {
    %c0_i32 = arith.constant 0 : i32
    %c0_i32_0 = arith.constant 0 : i32
    return %arg0, %c0_i32 : i32, i32
  }
  func.func @transform_6(%arg0: i32) -> (i32, i32) {
    %c0_i32 = arith.constant 0 : i32
    %c0_i32_0 = arith.constant 0 : i32
    %c0_i32_1 = arith.constant 0 : i32
    return %c0_i32, %c0_i32_0 : i32, i32
  }
}

module attributes {stable_mosaic.version = 14 : i64} {
  func.func @body(%arg0: i32, %arg1: i32, %arg2: memref<1x2048x64xf32, #tpu.memory_space<vmem>>, %arg3: memref<8x64xf32, #tpu.memory_space<vmem>>, %arg4: memref<256x20xi32, #tpu.memory_space<vmem>>, %arg5: memref<1x256x128xf32, #tpu.memory_space<vmem>>) attributes {dimension_semantics = [#tpu.dimension_semantics<arbitrary>, #tpu.dimension_semantics<arbitrary>], iteration_bounds = array<i64: 8, 8>, scalar_prefetch = 0 : i64, scratch_operands = 0 : i64, tpu.core_type = #tpu.core_type<tc>, window_params = [{transform_indices = @transform_0, window_bounds = array<i64: 1, 2048, 64>}, {pipeline_mode = #tpu.pipeline_mode<synchronous>, transform_indices = @transform_1, window_bounds = array<i64: 8, 64>}, {transform_indices = @transform_2, window_bounds = array<i64: 256, 20>}, {transform_indices = @transform_3, window_bounds = array<i64: 1, 256, 128>}]} {
    %get3A = arith.constant 0 : index
    %get3A_0 = arith.constant 0 : index
    %get3A_1 = arith.constant 0 : index
    %get3A_2 = vector.load %arg2[%get3A, %get3A_0, %get3A_1] : memref<1x2048x64xf32, #tpu.memory_space<vmem>>, vector<1x2048x64xf32>
    %get3A_3 = vector.shape_cast %get3A_2 : vector<1x2048x64xf32> to vector<2048x64xf32>
    %mul3A = arith.constant 256 : i32
    %mul3A_4 = arith.muli %arg1, %mul3A : i32
    %get3A_5 = arith.constant 0 : index
    %get3A_6 = arith.index_cast %mul3A_4 : i32 to index
    %get3A_7 = arith.constant 0 : index
    %get3A_8 = vector.load %arg2[%get3A_5, %get3A_6, %get3A_7] : memref<1x2048x64xf32, #tpu.memory_space<vmem>>, vector<1x256x64xf32>
    %get3A_9 = vector.shape_cast %get3A_8 : vector<1x256x64xf32> to vector<256x64xf32>
    %get3A_10 = arith.constant 0 : index
    %get3A_11 = arith.constant 0 : index
    %get3A_12 = vector.load %arg3[%get3A_10, %get3A_11] : memref<8x64xf32, #tpu.memory_space<vmem>>, vector<1x64xf32>
    %get3A_13 = vector.shape_cast %get3A_12 : vector<1x64xf32> to vector<64xf32>
    %broadcast_in_dim3A = vector.shape_cast %get3A_13 : vector<64xf32> to vector<1x64xf32>
    %mul3A_14 = vector.broadcast %broadcast_in_dim3A : vector<1x64xf32> to vector<2048x64xf32>
    %mul3A_15 = arith.mulf %get3A_3, %mul3A_14 : vector<2048x64xf32>
    %get3A_16 = arith.constant 1 : index
    %get3A_17 = arith.constant 0 : index
    %get3A_18 = vector.load %arg3[%get3A_16, %get3A_17] : memref<8x64xf32, #tpu.memory_space<vmem>>, vector<1x64xf32>
    %get3A_19 = vector.shape_cast %get3A_18 : vector<1x64xf32> to vector<64xf32>
    %broadcast_in_dim3A_20 = vector.shape_cast %get3A_19 : vector<64xf32> to vector<1x64xf32>
    %add3A = vector.broadcast %broadcast_in_dim3A_20 : vector<1x64xf32> to vector<2048x64xf32>
    %add3A_21 = arith.addf %mul3A_15, %add3A : vector<2048x64xf32>
    %gt3A = arith.constant 0.000000e+00 : f32
    %gt3A_22 = vector.broadcast %gt3A : f32 to vector<2048x64xf32>
    %gt3A_23 = arith.cmpf ogt, %add3A_21, %gt3A_22 : vector<2048x64xf32>
    %mul3A_24 = arith.constant 1.000000e-01 : f32
    %mul3A_25 = vector.broadcast %mul3A_24 : f32 to vector<2048x64xf32>
    %mul3A_26 = arith.mulf %mul3A_25, %add3A_21 : vector<2048x64xf32>
    %select_n3A = arith.select %gt3A_23, %add3A_21, %mul3A_26 : vector<2048x64xi1>, vector<2048x64xf32>
    %get3A_27 = arith.constant 0 : index
    %get3A_28 = arith.constant 0 : index
    %get3A_29 = vector.load %arg3[%get3A_27, %get3A_28] : memref<8x64xf32, #tpu.memory_space<vmem>>, vector<1x64xf32>
    %get3A_30 = vector.shape_cast %get3A_29 : vector<1x64xf32> to vector<64xf32>
    %broadcast_in_dim3A_31 = vector.shape_cast %get3A_30 : vector<64xf32> to vector<1x64xf32>
    %mul3A_32 = vector.broadcast %broadcast_in_dim3A_31 : vector<1x64xf32> to vector<256x64xf32>
    %mul3A_33 = arith.mulf %get3A_9, %mul3A_32 : vector<256x64xf32>
    %get3A_34 = arith.constant 1 : index
    %get3A_35 = arith.constant 0 : index
    %get3A_36 = vector.load %arg3[%get3A_34, %get3A_35] : memref<8x64xf32, #tpu.memory_space<vmem>>, vector<1x64xf32>
    %get3A_37 = vector.shape_cast %get3A_36 : vector<1x64xf32> to vector<64xf32>
    %broadcast_in_dim3A_38 = vector.shape_cast %get3A_37 : vector<64xf32> to vector<1x64xf32>
    %add3A_39 = vector.broadcast %broadcast_in_dim3A_38 : vector<1x64xf32> to vector<256x64xf32>
    %add3A_40 = arith.addf %mul3A_33, %add3A_39 : vector<256x64xf32>
    %gt3A_41 = arith.constant 0.000000e+00 : f32
    %gt3A_42 = vector.broadcast %gt3A_41 : f32 to vector<256x64xf32>
    %gt3A_43 = arith.cmpf ogt, %add3A_40, %gt3A_42 : vector<256x64xf32>
    %mul3A_44 = arith.constant 1.000000e-01 : f32
    %mul3A_45 = vector.broadcast %mul3A_44 : f32 to vector<256x64xf32>
    %mul3A_46 = arith.mulf %mul3A_45, %add3A_40 : vector<256x64xf32>
    %select_n3A_47 = arith.select %gt3A_43, %add3A_40, %mul3A_46 : vector<256x64xi1>, vector<256x64xf32>
    %dot_general3A = arith.constant dense<0.000000e+00> : vector<256x2048xf32>
    %dot_general3A_48 = tpu.matmul %select_n3A_47, %select_n3A, %dot_general3A {dimension_numbers = #tpu.dot_dimension_numbers<[1], [1], [0], [0], [0, 0, 1, 0], [], []>, transpose_lhs_hint = false} : vector<256x64xf32>, vector<2048x64xf32>, vector<256x2048xf32> -> vector<256x2048xf32>
    %mul3A_49 = arith.mulf %select_n3A, %select_n3A : vector<2048x64xf32>
    %reduce_sum3A = arith.constant dense<0.000000e+00> : vector<2048xf32>
    %reduce_sum3A_50 = vector.multi_reduction <add>, %mul3A_49, %reduce_sum3A [1] : vector<2048x64xf32> to vector<2048xf32>
    %mul3A_51 = arith.mulf %select_n3A_47, %select_n3A_47 : vector<256x64xf32>
    %reduce_sum3A_52 = arith.constant dense<0.000000e+00> : vector<256xf32>
    %reduce_sum3A_53 = vector.multi_reduction <add>, %mul3A_51, %reduce_sum3A_52 [1] : vector<256x64xf32> to vector<256xf32>
    %mul3A_54 = arith.constant 2.000000e+00 : f32
    %mul3A_55 = vector.broadcast %mul3A_54 : f32 to vector<256x2048xf32>
    %mul3A_56 = arith.mulf %mul3A_55, %dot_general3A_48 : vector<256x2048xf32>
    %broadcast_in_dim3A_57 = vector.shape_cast %reduce_sum3A_53 : vector<256xf32> to vector<256x1xf32>
    %sub3A = vector.broadcast %broadcast_in_dim3A_57 : vector<256x1xf32> to vector<256x2048xf32>
    %sub3A_58 = arith.subf %mul3A_56, %sub3A : vector<256x2048xf32>
    %broadcast_in_dim3A_59 = vector.shape_cast %reduce_sum3A_50 : vector<2048xf32> to vector<1x2048xf32>
    %sub3A_60 = vector.broadcast %broadcast_in_dim3A_59 : vector<1x2048xf32> to vector<256x2048xf32>
    %sub3A_61 = arith.subf %sub3A_58, %sub3A_60 : vector<256x2048xf32>
    %mul3A_62 = arith.constant 2048 : i32
    %mul3A_63 = arith.muli %arg0, %mul3A_62 : i32
    %iota3A = tpu.iota {dimensions = array<i32: 1>} : vector<256x2048xi32>
    %convert_element_type3A = arith.sitofp %iota3A : vector<256x2048xi32> to vector<256x2048xf32>
    %iota3A_64 = tpu.iota {dimensions = array<i32: 1>} : vector<256x32xi32>
    %convert_element_type3A_65 = arith.sitofp %iota3A_64 : vector<256x32xi32> to vector<256x32xf32>
    %broadcast_in_dim3A_66 = arith.constant 0.000000e+00 : f32
    %broadcast_in_dim3A_67 = vector.broadcast %broadcast_in_dim3A_66 : f32 to vector<256x32xf32>
    %reduce_max3A = arith.constant dense<0xFF800000> : vector<256xf32>
    %reduce_max3A_68 = vector.multi_reduction <maximumf>, %sub3A_61, %reduce_max3A [1] : vector<256x2048xf32> to vector<256xf32>
    %broadcast_in_dim3A_69 = vector.shape_cast %reduce_max3A_68 : vector<256xf32> to vector<256x1xf32>
    %ge3A = vector.broadcast %broadcast_in_dim3A_69 : vector<256x1xf32> to vector<256x2048xf32>
    %ge3A_70 = arith.cmpf oge, %sub3A_61, %ge3A : vector<256x2048xf32>
    %jit3A = arith.constant 2.048000e+03 : f32
    %broadcast_in_dim3A_71 = vector.broadcast %jit3A : f32 to vector<256x2048xf32>
    %select_n3A_72 = arith.select %ge3A_70, %convert_element_type3A, %broadcast_in_dim3A_71 : vector<256x2048xi1>, vector<256x2048xf32>
    %reduce_min3A = arith.constant dense<0x7F800000> : vector<256xf32>
    %reduce_min3A_73 = vector.multi_reduction <minimumf>, %select_n3A_72, %reduce_min3A [1] : vector<256x2048xf32> to vector<256xf32>
    %eq3A = arith.constant 0.000000e+00 : f32
    %eq3A_74 = vector.broadcast %eq3A : f32 to vector<256x32xf32>
    %eq3A_75 = arith.cmpf oeq, %convert_element_type3A_65, %eq3A_74 : vector<256x32xf32>
    %broadcast_in_dim3A_76 = vector.shape_cast %reduce_min3A_73 : vector<256xf32> to vector<256x1xf32>
    %broadcast_in_dim3A_77 = vector.shape_cast %broadcast_in_dim3A_76 : vector<256x1xf32> to vector<256x1xf32>
    %broadcast_in_dim3A_78 = vector.broadcast %broadcast_in_dim3A_77 : vector<256x1xf32> to vector<256x32xf32>
    %select_n3A_79 = arith.select %eq3A_75, %broadcast_in_dim3A_78, %broadcast_in_dim3A_67 : vector<256x32xi1>, vector<256x32xf32>
    %broadcast_in_dim3A_80 = vector.shape_cast %reduce_min3A_73 : vector<256xf32> to vector<256x1xf32>
    %eq3A_81 = vector.broadcast %broadcast_in_dim3A_80 : vector<256x1xf32> to vector<256x2048xf32>
    %eq3A_82 = arith.cmpf oeq, %convert_element_type3A, %eq3A_81 : vector<256x2048xf32>
    %jit3A_83 = arith.constant -3.000000e+38 : f32
    %broadcast_in_dim3A_84 = vector.broadcast %jit3A_83 : f32 to vector<256x2048xf32>
    %select_n3A_85 = arith.select %eq3A_82, %broadcast_in_dim3A_84, %sub3A_61 : vector<256x2048xi1>, vector<256x2048xf32>
    %reduce_max3A_86 = arith.constant dense<0xFF800000> : vector<256xf32>
    %reduce_max3A_87 = vector.multi_reduction <maximumf>, %select_n3A_85, %reduce_max3A_86 [1] : vector<256x2048xf32> to vector<256xf32>
    %broadcast_in_dim3A_88 = vector.shape_cast %reduce_max3A_87 : vector<256xf32> to vector<256x1xf32>
    %ge3A_89 = vector.broadcast %broadcast_in_dim3A_88 : vector<256x1xf32> to vector<256x2048xf32>
    %ge3A_90 = arith.cmpf oge, %select_n3A_85, %ge3A_89 : vector<256x2048xf32>
    %jit3A_91 = arith.constant 2.048000e+03 : f32
    %broadcast_in_dim3A_92 = vector.broadcast %jit3A_91 : f32 to vector<256x2048xf32>
    %select_n3A_93 = arith.select %ge3A_90, %convert_element_type3A, %broadcast_in_dim3A_92 : vector<256x2048xi1>, vector<256x2048xf32>
    %reduce_min3A_94 = arith.constant dense<0x7F800000> : vector<256xf32>
    %reduce_min3A_95 = vector.multi_reduction <minimumf>, %select_n3A_93, %reduce_min3A_94 [1] : vector<256x2048xf32> to vector<256xf32>
    %eq3A_96 = arith.constant 1.000000e+00 : f32
    %eq3A_97 = vector.broadcast %eq3A_96 : f32 to vector<256x32xf32>
    %eq3A_98 = arith.cmpf oeq, %convert_element_type3A_65, %eq3A_97 : vector<256x32xf32>
    %broadcast_in_dim3A_99 = vector.shape_cast %reduce_min3A_95 : vector<256xf32> to vector<256x1xf32>
    %broadcast_in_dim3A_100 = vector.shape_cast %broadcast_in_dim3A_99 : vector<256x1xf32> to vector<256x1xf32>
    %broadcast_in_dim3A_101 = vector.broadcast %broadcast_in_dim3A_100 : vector<256x1xf32> to vector<256x32xf32>
    %select_n3A_102 = arith.select %eq3A_98, %broadcast_in_dim3A_101, %select_n3A_79 : vector<256x32xi1>, vector<256x32xf32>
    %broadcast_in_dim3A_103 = vector.shape_cast %reduce_min3A_95 : vector<256xf32> to vector<256x1xf32>
    %eq3A_104 = vector.broadcast %broadcast_in_dim3A_103 : vector<256x1xf32> to vector<256x2048xf32>
    %eq3A_105 = arith.cmpf oeq, %convert_element_type3A, %eq3A_104 : vector<256x2048xf32>
    %jit3A_106 = arith.constant -3.000000e+38 : f32
    %broadcast_in_dim3A_107 = vector.broadcast %jit3A_106 : f32 to vector<256x2048xf32>
    %select_n3A_108 = arith.select %eq3A_105, %broadcast_in_dim3A_107, %select_n3A_85 : vector<256x2048xi1>, vector<256x2048xf32>
    %reduce_max3A_109 = arith.constant dense<0xFF800000> : vector<256xf32>
    %reduce_max3A_110 = vector.multi_reduction <maximumf>, %select_n3A_108, %reduce_max3A_109 [1] : vector<256x2048xf32> to vector<256xf32>
    %broadcast_in_dim3A_111 = vector.shape_cast %reduce_max3A_110 : vector<256xf32> to vector<256x1xf32>
    %ge3A_112 = vector.broadcast %broadcast_in_dim3A_111 : vector<256x1xf32> to vector<256x2048xf32>
    %ge3A_113 = arith.cmpf oge, %select_n3A_108, %ge3A_112 : vector<256x2048xf32>
    %jit3A_114 = arith.constant 2.048000e+03 : f32
    %broadcast_in_dim3A_115 = vector.broadcast %jit3A_114 : f32 to vector<256x2048xf32>
    %select_n3A_116 = arith.select %ge3A_113, %convert_element_type3A, %broadcast_in_dim3A_115 : vector<256x2048xi1>, vector<256x2048xf32>
    %reduce_min3A_117 = arith.constant dense<0x7F800000> : vector<256xf32>
    %reduce_min3A_118 = vector.multi_reduction <minimumf>, %select_n3A_116, %reduce_min3A_117 [1] : vector<256x2048xf32> to vector<256xf32>
    %eq3A_119 = arith.constant 2.000000e+00 : f32
    %eq3A_120 = vector.broadcast %eq3A_119 : f32 to vector<256x32xf32>
    %eq3A_121 = arith.cmpf oeq, %convert_element_type3A_65, %eq3A_120 : vector<256x32xf32>
    %broadcast_in_dim3A_122 = vector.shape_cast %reduce_min3A_118 : vector<256xf32> to vector<256x1xf32>
    %broadcast_in_dim3A_123 = vector.shape_cast %broadcast_in_dim3A_122 : vector<256x1xf32> to vector<256x1xf32>
    %broadcast_in_dim3A_124 = vector.broadcast %broadcast_in_dim3A_123 : vector<256x1xf32> to vector<256x32xf32>
    %select_n3A_125 = arith.select %eq3A_121, %broadcast_in_dim3A_124, %select_n3A_102 : vector<256x32xi1>, vector<256x32xf32>
    %broadcast_in_dim3A_126 = vector.shape_cast %reduce_min3A_118 : vector<256xf32> to vector<256x1xf32>
    %eq3A_127 = vector.broadcast %broadcast_in_dim3A_126 : vector<256x1xf32> to vector<256x2048xf32>
    %eq3A_128 = arith.cmpf oeq, %convert_element_type3A, %eq3A_127 : vector<256x2048xf32>
    %jit3A_129 = arith.constant -3.000000e+38 : f32
    %broadcast_in_dim3A_130 = vector.broadcast %jit3A_129 : f32 to vector<256x2048xf32>
    %select_n3A_131 = arith.select %eq3A_128, %broadcast_in_dim3A_130, %select_n3A_108 : vector<256x2048xi1>, vector<256x2048xf32>
    %reduce_max3A_132 = arith.constant dense<0xFF800000> : vector<256xf32>
    %reduce_max3A_133 = vector.multi_reduction <maximumf>, %select_n3A_131, %reduce_max3A_132 [1] : vector<256x2048xf32> to vector<256xf32>
    %broadcast_in_dim3A_134 = vector.shape_cast %reduce_max3A_133 : vector<256xf32> to vector<256x1xf32>
    %ge3A_135 = vector.broadcast %broadcast_in_dim3A_134 : vector<256x1xf32> to vector<256x2048xf32>
    %ge3A_136 = arith.cmpf oge, %select_n3A_131, %ge3A_135 : vector<256x2048xf32>
    %jit3A_137 = arith.constant 2.048000e+03 : f32
    %broadcast_in_dim3A_138 = vector.broadcast %jit3A_137 : f32 to vector<256x2048xf32>
    %select_n3A_139 = arith.select %ge3A_136, %convert_element_type3A, %broadcast_in_dim3A_138 : vector<256x2048xi1>, vector<256x2048xf32>
    %reduce_min3A_140 = arith.constant dense<0x7F800000> : vector<256xf32>
    %reduce_min3A_141 = vector.multi_reduction <minimumf>, %select_n3A_139, %reduce_min3A_140 [1] : vector<256x2048xf32> to vector<256xf32>
    %eq3A_142 = arith.constant 3.000000e+00 : f32
    %eq3A_143 = vector.broadcast %eq3A_142 : f32 to vector<256x32xf32>
    %eq3A_144 = arith.cmpf oeq, %convert_element_type3A_65, %eq3A_143 : vector<256x32xf32>
    %broadcast_in_dim3A_145 = vector.shape_cast %reduce_min3A_141 : vector<256xf32> to vector<256x1xf32>
    %broadcast_in_dim3A_146 = vector.shape_cast %broadcast_in_dim3A_145 : vector<256x1xf32> to vector<256x1xf32>
    %broadcast_in_dim3A_147 = vector.broadcast %broadcast_in_dim3A_146 : vector<256x1xf32> to vector<256x32xf32>
    %select_n3A_148 = arith.select %eq3A_144, %broadcast_in_dim3A_147, %select_n3A_125 : vector<256x32xi1>, vector<256x32xf32>
    %broadcast_in_dim3A_149 = vector.shape_cast %reduce_min3A_141 : vector<256xf32> to vector<256x1xf32>
    %eq3A_150 = vector.broadcast %broadcast_in_dim3A_149 : vector<256x1xf32> to vector<256x2048xf32>
    %eq3A_151 = arith.cmpf oeq, %convert_element_type3A, %eq3A_150 : vector<256x2048xf32>
    %jit3A_152 = arith.constant -3.000000e+38 : f32
    %broadcast_in_dim3A_153 = vector.broadcast %jit3A_152 : f32 to vector<256x2048xf32>
    %select_n3A_154 = arith.select %eq3A_151, %broadcast_in_dim3A_153, %select_n3A_131 : vector<256x2048xi1>, vector<256x2048xf32>
    %reduce_max3A_155 = arith.constant dense<0xFF800000> : vector<256xf32>
    %reduce_max3A_156 = vector.multi_reduction <maximumf>, %select_n3A_154, %reduce_max3A_155 [1] : vector<256x2048xf32> to vector<256xf32>
    %broadcast_in_dim3A_157 = vector.shape_cast %reduce_max3A_156 : vector<256xf32> to vector<256x1xf32>
    %ge3A_158 = vector.broadcast %broadcast_in_dim3A_157 : vector<256x1xf32> to vector<256x2048xf32>
    %ge3A_159 = arith.cmpf oge, %select_n3A_154, %ge3A_158 : vector<256x2048xf32>
    %jit3A_160 = arith.constant 2.048000e+03 : f32
    %broadcast_in_dim3A_161 = vector.broadcast %jit3A_160 : f32 to vector<256x2048xf32>
    %select_n3A_162 = arith.select %ge3A_159, %convert_element_type3A, %broadcast_in_dim3A_161 : vector<256x2048xi1>, vector<256x2048xf32>
    %reduce_min3A_163 = arith.constant dense<0x7F800000> : vector<256xf32>
    %reduce_min3A_164 = vector.multi_reduction <minimumf>, %select_n3A_162, %reduce_min3A_163 [1] : vector<256x2048xf32> to vector<256xf32>
    %eq3A_165 = arith.constant 4.000000e+00 : f32
    %eq3A_166 = vector.broadcast %eq3A_165 : f32 to vector<256x32xf32>
    %eq3A_167 = arith.cmpf oeq, %convert_element_type3A_65, %eq3A_166 : vector<256x32xf32>
    %broadcast_in_dim3A_168 = vector.shape_cast %reduce_min3A_164 : vector<256xf32> to vector<256x1xf32>
    %broadcast_in_dim3A_169 = vector.shape_cast %broadcast_in_dim3A_168 : vector<256x1xf32> to vector<256x1xf32>
    %broadcast_in_dim3A_170 = vector.broadcast %broadcast_in_dim3A_169 : vector<256x1xf32> to vector<256x32xf32>
    %select_n3A_171 = arith.select %eq3A_167, %broadcast_in_dim3A_170, %select_n3A_148 : vector<256x32xi1>, vector<256x32xf32>
    %broadcast_in_dim3A_172 = vector.shape_cast %reduce_min3A_164 : vector<256xf32> to vector<256x1xf32>
    %eq3A_173 = vector.broadcast %broadcast_in_dim3A_172 : vector<256x1xf32> to vector<256x2048xf32>
    %eq3A_174 = arith.cmpf oeq, %convert_element_type3A, %eq3A_173 : vector<256x2048xf32>
    %jit3A_175 = arith.constant -3.000000e+38 : f32
    %broadcast_in_dim3A_176 = vector.broadcast %jit3A_175 : f32 to vector<256x2048xf32>
    %select_n3A_177 = arith.select %eq3A_174, %broadcast_in_dim3A_176, %select_n3A_154 : vector<256x2048xi1>, vector<256x2048xf32>
    %reduce_max3A_178 = arith.constant dense<0xFF800000> : vector<256xf32>
    %reduce_max3A_179 = vector.multi_reduction <maximumf>, %select_n3A_177, %reduce_max3A_178 [1] : vector<256x2048xf32> to vector<256xf32>
    %broadcast_in_dim3A_180 = vector.shape_cast %reduce_max3A_179 : vector<256xf32> to vector<256x1xf32>
    %ge3A_181 = vector.broadcast %broadcast_in_dim3A_180 : vector<256x1xf32> to vector<256x2048xf32>
    %ge3A_182 = arith.cmpf oge, %select_n3A_177, %ge3A_181 : vector<256x2048xf32>
    %jit3A_183 = arith.constant 2.048000e+03 : f32
    %broadcast_in_dim3A_184 = vector.broadcast %jit3A_183 : f32 to vector<256x2048xf32>
    %select_n3A_185 = arith.select %ge3A_182, %convert_element_type3A, %broadcast_in_dim3A_184 : vector<256x2048xi1>, vector<256x2048xf32>
    %reduce_min3A_186 = arith.constant dense<0x7F800000> : vector<256xf32>
    %reduce_min3A_187 = vector.multi_reduction <minimumf>, %select_n3A_185, %reduce_min3A_186 [1] : vector<256x2048xf32> to vector<256xf32>
    %eq3A_188 = arith.constant 5.000000e+00 : f32
    %eq3A_189 = vector.broadcast %eq3A_188 : f32 to vector<256x32xf32>
    %eq3A_190 = arith.cmpf oeq, %convert_element_type3A_65, %eq3A_189 : vector<256x32xf32>
    %broadcast_in_dim3A_191 = vector.shape_cast %reduce_min3A_187 : vector<256xf32> to vector<256x1xf32>
    %broadcast_in_dim3A_192 = vector.shape_cast %broadcast_in_dim3A_191 : vector<256x1xf32> to vector<256x1xf32>
    %broadcast_in_dim3A_193 = vector.broadcast %broadcast_in_dim3A_192 : vector<256x1xf32> to vector<256x32xf32>
    %select_n3A_194 = arith.select %eq3A_190, %broadcast_in_dim3A_193, %select_n3A_171 : vector<256x32xi1>, vector<256x32xf32>
    %broadcast_in_dim3A_195 = vector.shape_cast %reduce_min3A_187 : vector<256xf32> to vector<256x1xf32>
    %eq3A_196 = vector.broadcast %broadcast_in_dim3A_195 : vector<256x1xf32> to vector<256x2048xf32>
    %eq3A_197 = arith.cmpf oeq, %convert_element_type3A, %eq3A_196 : vector<256x2048xf32>
    %jit3A_198 = arith.constant -3.000000e+38 : f32
    %broadcast_in_dim3A_199 = vector.broadcast %jit3A_198 : f32 to vector<256x2048xf32>
    %select_n3A_200 = arith.select %eq3A_197, %broadcast_in_dim3A_199, %select_n3A_177 : vector<256x2048xi1>, vector<256x2048xf32>
    %reduce_max3A_201 = arith.constant dense<0xFF800000> : vector<256xf32>
    %reduce_max3A_202 = vector.multi_reduction <maximumf>, %select_n3A_200, %reduce_max3A_201 [1] : vector<256x2048xf32> to vector<256xf32>
    %broadcast_in_dim3A_203 = vector.shape_cast %reduce_max3A_202 : vector<256xf32> to vector<256x1xf32>
    %ge3A_204 = vector.broadcast %broadcast_in_dim3A_203 : vector<256x1xf32> to vector<256x2048xf32>
    %ge3A_205 = arith.cmpf oge, %select_n3A_200, %ge3A_204 : vector<256x2048xf32>
    %jit3A_206 = arith.constant 2.048000e+03 : f32
    %broadcast_in_dim3A_207 = vector.broadcast %jit3A_206 : f32 to vector<256x2048xf32>
    %select_n3A_208 = arith.select %ge3A_205, %convert_element_type3A, %broadcast_in_dim3A_207 : vector<256x2048xi1>, vector<256x2048xf32>
    %reduce_min3A_209 = arith.constant dense<0x7F800000> : vector<256xf32>
    %reduce_min3A_210 = vector.multi_reduction <minimumf>, %select_n3A_208, %reduce_min3A_209 [1] : vector<256x2048xf32> to vector<256xf32>
    %eq3A_211 = arith.constant 6.000000e+00 : f32
    %eq3A_212 = vector.broadcast %eq3A_211 : f32 to vector<256x32xf32>
    %eq3A_213 = arith.cmpf oeq, %convert_element_type3A_65, %eq3A_212 : vector<256x32xf32>
    %broadcast_in_dim3A_214 = vector.shape_cast %reduce_min3A_210 : vector<256xf32> to vector<256x1xf32>
    %broadcast_in_dim3A_215 = vector.shape_cast %broadcast_in_dim3A_214 : vector<256x1xf32> to vector<256x1xf32>
    %broadcast_in_dim3A_216 = vector.broadcast %broadcast_in_dim3A_215 : vector<256x1xf32> to vector<256x32xf32>
    %select_n3A_217 = arith.select %eq3A_213, %broadcast_in_dim3A_216, %select_n3A_194 : vector<256x32xi1>, vector<256x32xf32>
    %broadcast_in_dim3A_218 = vector.shape_cast %reduce_min3A_210 : vector<256xf32> to vector<256x1xf32>
    %eq3A_219 = vector.broadcast %broadcast_in_dim3A_218 : vector<256x1xf32> to vector<256x2048xf32>
    %eq3A_220 = arith.cmpf oeq, %convert_element_type3A, %eq3A_219 : vector<256x2048xf32>
    %jit3A_221 = arith.constant -3.000000e+38 : f32
    %broadcast_in_dim3A_222 = vector.broadcast %jit3A_221 : f32 to vector<256x2048xf32>
    %select_n3A_223 = arith.select %eq3A_220, %broadcast_in_dim3A_222, %select_n3A_200 : vector<256x2048xi1>, vector<256x2048xf32>
    %reduce_max3A_224 = arith.constant dense<0xFF800000> : vector<256xf32>
    %reduce_max3A_225 = vector.multi_reduction <maximumf>, %select_n3A_223, %reduce_max3A_224 [1] : vector<256x2048xf32> to vector<256xf32>
    %broadcast_in_dim3A_226 = vector.shape_cast %reduce_max3A_225 : vector<256xf32> to vector<256x1xf32>
    %ge3A_227 = vector.broadcast %broadcast_in_dim3A_226 : vector<256x1xf32> to vector<256x2048xf32>
    %ge3A_228 = arith.cmpf oge, %select_n3A_223, %ge3A_227 : vector<256x2048xf32>
    %jit3A_229 = arith.constant 2.048000e+03 : f32
    %broadcast_in_dim3A_230 = vector.broadcast %jit3A_229 : f32 to vector<256x2048xf32>
    %select_n3A_231 = arith.select %ge3A_228, %convert_element_type3A, %broadcast_in_dim3A_230 : vector<256x2048xi1>, vector<256x2048xf32>
    %reduce_min3A_232 = arith.constant dense<0x7F800000> : vector<256xf32>
    %reduce_min3A_233 = vector.multi_reduction <minimumf>, %select_n3A_231, %reduce_min3A_232 [1] : vector<256x2048xf32> to vector<256xf32>
    %eq3A_234 = arith.constant 7.000000e+00 : f32
    %eq3A_235 = vector.broadcast %eq3A_234 : f32 to vector<256x32xf32>
    %eq3A_236 = arith.cmpf oeq, %convert_element_type3A_65, %eq3A_235 : vector<256x32xf32>
    %broadcast_in_dim3A_237 = vector.shape_cast %reduce_min3A_233 : vector<256xf32> to vector<256x1xf32>
    %broadcast_in_dim3A_238 = vector.shape_cast %broadcast_in_dim3A_237 : vector<256x1xf32> to vector<256x1xf32>
    %broadcast_in_dim3A_239 = vector.broadcast %broadcast_in_dim3A_238 : vector<256x1xf32> to vector<256x32xf32>
    %select_n3A_240 = arith.select %eq3A_236, %broadcast_in_dim3A_239, %select_n3A_217 : vector<256x32xi1>, vector<256x32xf32>
    %broadcast_in_dim3A_241 = vector.shape_cast %reduce_min3A_233 : vector<256xf32> to vector<256x1xf32>
    %eq3A_242 = vector.broadcast %broadcast_in_dim3A_241 : vector<256x1xf32> to vector<256x2048xf32>
    %eq3A_243 = arith.cmpf oeq, %convert_element_type3A, %eq3A_242 : vector<256x2048xf32>
    %jit3A_244 = arith.constant -3.000000e+38 : f32
    %broadcast_in_dim3A_245 = vector.broadcast %jit3A_244 : f32 to vector<256x2048xf32>
    %select_n3A_246 = arith.select %eq3A_243, %broadcast_in_dim3A_245, %select_n3A_223 : vector<256x2048xi1>, vector<256x2048xf32>
    %reduce_max3A_247 = arith.constant dense<0xFF800000> : vector<256xf32>
    %reduce_max3A_248 = vector.multi_reduction <maximumf>, %select_n3A_246, %reduce_max3A_247 [1] : vector<256x2048xf32> to vector<256xf32>
    %broadcast_in_dim3A_249 = vector.shape_cast %reduce_max3A_248 : vector<256xf32> to vector<256x1xf32>
    %ge3A_250 = vector.broadcast %broadcast_in_dim3A_249 : vector<256x1xf32> to vector<256x2048xf32>
    %ge3A_251 = arith.cmpf oge, %select_n3A_246, %ge3A_250 : vector<256x2048xf32>
    %jit3A_252 = arith.constant 2.048000e+03 : f32
    %broadcast_in_dim3A_253 = vector.broadcast %jit3A_252 : f32 to vector<256x2048xf32>
    %select_n3A_254 = arith.select %ge3A_251, %convert_element_type3A, %broadcast_in_dim3A_253 : vector<256x2048xi1>, vector<256x2048xf32>
    %reduce_min3A_255 = arith.constant dense<0x7F800000> : vector<256xf32>
    %reduce_min3A_256 = vector.multi_reduction <minimumf>, %select_n3A_254, %reduce_min3A_255 [1] : vector<256x2048xf32> to vector<256xf32>
    %eq3A_257 = arith.constant 8.000000e+00 : f32
    %eq3A_258 = vector.broadcast %eq3A_257 : f32 to vector<256x32xf32>
    %eq3A_259 = arith.cmpf oeq, %convert_element_type3A_65, %eq3A_258 : vector<256x32xf32>
    %broadcast_in_dim3A_260 = vector.shape_cast %reduce_min3A_256 : vector<256xf32> to vector<256x1xf32>
    %broadcast_in_dim3A_261 = vector.shape_cast %broadcast_in_dim3A_260 : vector<256x1xf32> to vector<256x1xf32>
    %broadcast_in_dim3A_262 = vector.broadcast %broadcast_in_dim3A_261 : vector<256x1xf32> to vector<256x32xf32>
    %select_n3A_263 = arith.select %eq3A_259, %broadcast_in_dim3A_262, %select_n3A_240 : vector<256x32xi1>, vector<256x32xf32>
    %broadcast_in_dim3A_264 = vector.shape_cast %reduce_min3A_256 : vector<256xf32> to vector<256x1xf32>
    %eq3A_265 = vector.broadcast %broadcast_in_dim3A_264 : vector<256x1xf32> to vector<256x2048xf32>
    %eq3A_266 = arith.cmpf oeq, %convert_element_type3A, %eq3A_265 : vector<256x2048xf32>
    %jit3A_267 = arith.constant -3.000000e+38 : f32
    %broadcast_in_dim3A_268 = vector.broadcast %jit3A_267 : f32 to vector<256x2048xf32>
    %select_n3A_269 = arith.select %eq3A_266, %broadcast_in_dim3A_268, %select_n3A_246 : vector<256x2048xi1>, vector<256x2048xf32>
    %reduce_max3A_270 = arith.constant dense<0xFF800000> : vector<256xf32>
    %reduce_max3A_271 = vector.multi_reduction <maximumf>, %select_n3A_269, %reduce_max3A_270 [1] : vector<256x2048xf32> to vector<256xf32>
    %broadcast_in_dim3A_272 = vector.shape_cast %reduce_max3A_271 : vector<256xf32> to vector<256x1xf32>
    %ge3A_273 = vector.broadcast %broadcast_in_dim3A_272 : vector<256x1xf32> to vector<256x2048xf32>
    %ge3A_274 = arith.cmpf oge, %select_n3A_269, %ge3A_273 : vector<256x2048xf32>
    %jit3A_275 = arith.constant 2.048000e+03 : f32
    %broadcast_in_dim3A_276 = vector.broadcast %jit3A_275 : f32 to vector<256x2048xf32>
    %select_n3A_277 = arith.select %ge3A_274, %convert_element_type3A, %broadcast_in_dim3A_276 : vector<256x2048xi1>, vector<256x2048xf32>
    %reduce_min3A_278 = arith.constant dense<0x7F800000> : vector<256xf32>
    %reduce_min3A_279 = vector.multi_reduction <minimumf>, %select_n3A_277, %reduce_min3A_278 [1] : vector<256x2048xf32> to vector<256xf32>
    %eq3A_280 = arith.constant 9.000000e+00 : f32
    %eq3A_281 = vector.broadcast %eq3A_280 : f32 to vector<256x32xf32>
    %eq3A_282 = arith.cmpf oeq, %convert_element_type3A_65, %eq3A_281 : vector<256x32xf32>
    %broadcast_in_dim3A_283 = vector.shape_cast %reduce_min3A_279 : vector<256xf32> to vector<256x1xf32>
    %broadcast_in_dim3A_284 = vector.shape_cast %broadcast_in_dim3A_283 : vector<256x1xf32> to vector<256x1xf32>
    %broadcast_in_dim3A_285 = vector.broadcast %broadcast_in_dim3A_284 : vector<256x1xf32> to vector<256x32xf32>
    %select_n3A_286 = arith.select %eq3A_282, %broadcast_in_dim3A_285, %select_n3A_263 : vector<256x32xi1>, vector<256x32xf32>
    %broadcast_in_dim3A_287 = vector.shape_cast %reduce_min3A_279 : vector<256xf32> to vector<256x1xf32>
    %eq3A_288 = vector.broadcast %broadcast_in_dim3A_287 : vector<256x1xf32> to vector<256x2048xf32>
    %eq3A_289 = arith.cmpf oeq, %convert_element_type3A, %eq3A_288 : vector<256x2048xf32>
    %jit3A_290 = arith.constant -3.000000e+38 : f32
    %broadcast_in_dim3A_291 = vector.broadcast %jit3A_290 : f32 to vector<256x2048xf32>
    %select_n3A_292 = arith.select %eq3A_289, %broadcast_in_dim3A_291, %select_n3A_269 : vector<256x2048xi1>, vector<256x2048xf32>
    %reduce_max3A_293 = arith.constant dense<0xFF800000> : vector<256xf32>
    %reduce_max3A_294 = vector.multi_reduction <maximumf>, %select_n3A_292, %reduce_max3A_293 [1] : vector<256x2048xf32> to vector<256xf32>
    %broadcast_in_dim3A_295 = vector.shape_cast %reduce_max3A_294 : vector<256xf32> to vector<256x1xf32>
    %ge3A_296 = vector.broadcast %broadcast_in_dim3A_295 : vector<256x1xf32> to vector<256x2048xf32>
    %ge3A_297 = arith.cmpf oge, %select_n3A_292, %ge3A_296 : vector<256x2048xf32>
    %jit3A_298 = arith.constant 2.048000e+03 : f32
    %broadcast_in_dim3A_299 = vector.broadcast %jit3A_298 : f32 to vector<256x2048xf32>
    %select_n3A_300 = arith.select %ge3A_297, %convert_element_type3A, %broadcast_in_dim3A_299 : vector<256x2048xi1>, vector<256x2048xf32>
    %reduce_min3A_301 = arith.constant dense<0x7F800000> : vector<256xf32>
    %reduce_min3A_302 = vector.multi_reduction <minimumf>, %select_n3A_300, %reduce_min3A_301 [1] : vector<256x2048xf32> to vector<256xf32>
    %eq3A_303 = arith.constant 1.000000e+01 : f32
    %eq3A_304 = vector.broadcast %eq3A_303 : f32 to vector<256x32xf32>
    %eq3A_305 = arith.cmpf oeq, %convert_element_type3A_65, %eq3A_304 : vector<256x32xf32>
    %broadcast_in_dim3A_306 = vector.shape_cast %reduce_min3A_302 : vector<256xf32> to vector<256x1xf32>
    %broadcast_in_dim3A_307 = vector.shape_cast %broadcast_in_dim3A_306 : vector<256x1xf32> to vector<256x1xf32>
    %broadcast_in_dim3A_308 = vector.broadcast %broadcast_in_dim3A_307 : vector<256x1xf32> to vector<256x32xf32>
    %select_n3A_309 = arith.select %eq3A_305, %broadcast_in_dim3A_308, %select_n3A_286 : vector<256x32xi1>, vector<256x32xf32>
    %broadcast_in_dim3A_310 = vector.shape_cast %reduce_min3A_302 : vector<256xf32> to vector<256x1xf32>
    %eq3A_311 = vector.broadcast %broadcast_in_dim3A_310 : vector<256x1xf32> to vector<256x2048xf32>
    %eq3A_312 = arith.cmpf oeq, %convert_element_type3A, %eq3A_311 : vector<256x2048xf32>
    %jit3A_313 = arith.constant -3.000000e+38 : f32
    %broadcast_in_dim3A_314 = vector.broadcast %jit3A_313 : f32 to vector<256x2048xf32>
    %select_n3A_315 = arith.select %eq3A_312, %broadcast_in_dim3A_314, %select_n3A_292 : vector<256x2048xi1>, vector<256x2048xf32>
    %reduce_max3A_316 = arith.constant dense<0xFF800000> : vector<256xf32>
    %reduce_max3A_317 = vector.multi_reduction <maximumf>, %select_n3A_315, %reduce_max3A_316 [1] : vector<256x2048xf32> to vector<256xf32>
    %broadcast_in_dim3A_318 = vector.shape_cast %reduce_max3A_317 : vector<256xf32> to vector<256x1xf32>
    %ge3A_319 = vector.broadcast %broadcast_in_dim3A_318 : vector<256x1xf32> to vector<256x2048xf32>
    %ge3A_320 = arith.cmpf oge, %select_n3A_315, %ge3A_319 : vector<256x2048xf32>
    %jit3A_321 = arith.constant 2.048000e+03 : f32
    %broadcast_in_dim3A_322 = vector.broadcast %jit3A_321 : f32 to vector<256x2048xf32>
    %select_n3A_323 = arith.select %ge3A_320, %convert_element_type3A, %broadcast_in_dim3A_322 : vector<256x2048xi1>, vector<256x2048xf32>
    %reduce_min3A_324 = arith.constant dense<0x7F800000> : vector<256xf32>
    %reduce_min3A_325 = vector.multi_reduction <minimumf>, %select_n3A_323, %reduce_min3A_324 [1] : vector<256x2048xf32> to vector<256xf32>
    %eq3A_326 = arith.constant 1.100000e+01 : f32
    %eq3A_327 = vector.broadcast %eq3A_326 : f32 to vector<256x32xf32>
    %eq3A_328 = arith.cmpf oeq, %convert_element_type3A_65, %eq3A_327 : vector<256x32xf32>
    %broadcast_in_dim3A_329 = vector.shape_cast %reduce_min3A_325 : vector<256xf32> to vector<256x1xf32>
    %broadcast_in_dim3A_330 = vector.shape_cast %broadcast_in_dim3A_329 : vector<256x1xf32> to vector<256x1xf32>
    %broadcast_in_dim3A_331 = vector.broadcast %broadcast_in_dim3A_330 : vector<256x1xf32> to vector<256x32xf32>
    %select_n3A_332 = arith.select %eq3A_328, %broadcast_in_dim3A_331, %select_n3A_309 : vector<256x32xi1>, vector<256x32xf32>
    %broadcast_in_dim3A_333 = vector.shape_cast %reduce_min3A_325 : vector<256xf32> to vector<256x1xf32>
    %eq3A_334 = vector.broadcast %broadcast_in_dim3A_333 : vector<256x1xf32> to vector<256x2048xf32>
    %eq3A_335 = arith.cmpf oeq, %convert_element_type3A, %eq3A_334 : vector<256x2048xf32>
    %jit3A_336 = arith.constant -3.000000e+38 : f32
    %broadcast_in_dim3A_337 = vector.broadcast %jit3A_336 : f32 to vector<256x2048xf32>
    %select_n3A_338 = arith.select %eq3A_335, %broadcast_in_dim3A_337, %select_n3A_315 : vector<256x2048xi1>, vector<256x2048xf32>
    %reduce_max3A_339 = arith.constant dense<0xFF800000> : vector<256xf32>
    %reduce_max3A_340 = vector.multi_reduction <maximumf>, %select_n3A_338, %reduce_max3A_339 [1] : vector<256x2048xf32> to vector<256xf32>
    %broadcast_in_dim3A_341 = vector.shape_cast %reduce_max3A_340 : vector<256xf32> to vector<256x1xf32>
    %ge3A_342 = vector.broadcast %broadcast_in_dim3A_341 : vector<256x1xf32> to vector<256x2048xf32>
    %ge3A_343 = arith.cmpf oge, %select_n3A_338, %ge3A_342 : vector<256x2048xf32>
    %jit3A_344 = arith.constant 2.048000e+03 : f32
    %broadcast_in_dim3A_345 = vector.broadcast %jit3A_344 : f32 to vector<256x2048xf32>
    %select_n3A_346 = arith.select %ge3A_343, %convert_element_type3A, %broadcast_in_dim3A_345 : vector<256x2048xi1>, vector<256x2048xf32>
    %reduce_min3A_347 = arith.constant dense<0x7F800000> : vector<256xf32>
    %reduce_min3A_348 = vector.multi_reduction <minimumf>, %select_n3A_346, %reduce_min3A_347 [1] : vector<256x2048xf32> to vector<256xf32>
    %eq3A_349 = arith.constant 1.200000e+01 : f32
    %eq3A_350 = vector.broadcast %eq3A_349 : f32 to vector<256x32xf32>
    %eq3A_351 = arith.cmpf oeq, %convert_element_type3A_65, %eq3A_350 : vector<256x32xf32>
    %broadcast_in_dim3A_352 = vector.shape_cast %reduce_min3A_348 : vector<256xf32> to vector<256x1xf32>
    %broadcast_in_dim3A_353 = vector.shape_cast %broadcast_in_dim3A_352 : vector<256x1xf32> to vector<256x1xf32>
    %broadcast_in_dim3A_354 = vector.broadcast %broadcast_in_dim3A_353 : vector<256x1xf32> to vector<256x32xf32>
    %select_n3A_355 = arith.select %eq3A_351, %broadcast_in_dim3A_354, %select_n3A_332 : vector<256x32xi1>, vector<256x32xf32>
    %broadcast_in_dim3A_356 = vector.shape_cast %reduce_min3A_348 : vector<256xf32> to vector<256x1xf32>
    %eq3A_357 = vector.broadcast %broadcast_in_dim3A_356 : vector<256x1xf32> to vector<256x2048xf32>
    %eq3A_358 = arith.cmpf oeq, %convert_element_type3A, %eq3A_357 : vector<256x2048xf32>
    %jit3A_359 = arith.constant -3.000000e+38 : f32
    %broadcast_in_dim3A_360 = vector.broadcast %jit3A_359 : f32 to vector<256x2048xf32>
    %select_n3A_361 = arith.select %eq3A_358, %broadcast_in_dim3A_360, %select_n3A_338 : vector<256x2048xi1>, vector<256x2048xf32>
    %reduce_max3A_362 = arith.constant dense<0xFF800000> : vector<256xf32>
    %reduce_max3A_363 = vector.multi_reduction <maximumf>, %select_n3A_361, %reduce_max3A_362 [1] : vector<256x2048xf32> to vector<256xf32>
    %broadcast_in_dim3A_364 = vector.shape_cast %reduce_max3A_363 : vector<256xf32> to vector<256x1xf32>
    %ge3A_365 = vector.broadcast %broadcast_in_dim3A_364 : vector<256x1xf32> to vector<256x2048xf32>
    %ge3A_366 = arith.cmpf oge, %select_n3A_361, %ge3A_365 : vector<256x2048xf32>
    %jit3A_367 = arith.constant 2.048000e+03 : f32
    %broadcast_in_dim3A_368 = vector.broadcast %jit3A_367 : f32 to vector<256x2048xf32>
    %select_n3A_369 = arith.select %ge3A_366, %convert_element_type3A, %broadcast_in_dim3A_368 : vector<256x2048xi1>, vector<256x2048xf32>
    %reduce_min3A_370 = arith.constant dense<0x7F800000> : vector<256xf32>
    %reduce_min3A_371 = vector.multi_reduction <minimumf>, %select_n3A_369, %reduce_min3A_370 [1] : vector<256x2048xf32> to vector<256xf32>
    %eq3A_372 = arith.constant 1.300000e+01 : f32
    %eq3A_373 = vector.broadcast %eq3A_372 : f32 to vector<256x32xf32>
    %eq3A_374 = arith.cmpf oeq, %convert_element_type3A_65, %eq3A_373 : vector<256x32xf32>
    %broadcast_in_dim3A_375 = vector.shape_cast %reduce_min3A_371 : vector<256xf32> to vector<256x1xf32>
    %broadcast_in_dim3A_376 = vector.shape_cast %broadcast_in_dim3A_375 : vector<256x1xf32> to vector<256x1xf32>
    %broadcast_in_dim3A_377 = vector.broadcast %broadcast_in_dim3A_376 : vector<256x1xf32> to vector<256x32xf32>
    %select_n3A_378 = arith.select %eq3A_374, %broadcast_in_dim3A_377, %select_n3A_355 : vector<256x32xi1>, vector<256x32xf32>
    %broadcast_in_dim3A_379 = vector.shape_cast %reduce_min3A_371 : vector<256xf32> to vector<256x1xf32>
    %eq3A_380 = vector.broadcast %broadcast_in_dim3A_379 : vector<256x1xf32> to vector<256x2048xf32>
    %eq3A_381 = arith.cmpf oeq, %convert_element_type3A, %eq3A_380 : vector<256x2048xf32>
    %jit3A_382 = arith.constant -3.000000e+38 : f32
    %broadcast_in_dim3A_383 = vector.broadcast %jit3A_382 : f32 to vector<256x2048xf32>
    %select_n3A_384 = arith.select %eq3A_381, %broadcast_in_dim3A_383, %select_n3A_361 : vector<256x2048xi1>, vector<256x2048xf32>
    %reduce_max3A_385 = arith.constant dense<0xFF800000> : vector<256xf32>
    %reduce_max3A_386 = vector.multi_reduction <maximumf>, %select_n3A_384, %reduce_max3A_385 [1] : vector<256x2048xf32> to vector<256xf32>
    %broadcast_in_dim3A_387 = vector.shape_cast %reduce_max3A_386 : vector<256xf32> to vector<256x1xf32>
    %ge3A_388 = vector.broadcast %broadcast_in_dim3A_387 : vector<256x1xf32> to vector<256x2048xf32>
    %ge3A_389 = arith.cmpf oge, %select_n3A_384, %ge3A_388 : vector<256x2048xf32>
    %jit3A_390 = arith.constant 2.048000e+03 : f32
    %broadcast_in_dim3A_391 = vector.broadcast %jit3A_390 : f32 to vector<256x2048xf32>
    %select_n3A_392 = arith.select %ge3A_389, %convert_element_type3A, %broadcast_in_dim3A_391 : vector<256x2048xi1>, vector<256x2048xf32>
    %reduce_min3A_393 = arith.constant dense<0x7F800000> : vector<256xf32>
    %reduce_min3A_394 = vector.multi_reduction <minimumf>, %select_n3A_392, %reduce_min3A_393 [1] : vector<256x2048xf32> to vector<256xf32>
    %eq3A_395 = arith.constant 1.400000e+01 : f32
    %eq3A_396 = vector.broadcast %eq3A_395 : f32 to vector<256x32xf32>
    %eq3A_397 = arith.cmpf oeq, %convert_element_type3A_65, %eq3A_396 : vector<256x32xf32>
    %broadcast_in_dim3A_398 = vector.shape_cast %reduce_min3A_394 : vector<256xf32> to vector<256x1xf32>
    %broadcast_in_dim3A_399 = vector.shape_cast %broadcast_in_dim3A_398 : vector<256x1xf32> to vector<256x1xf32>
    %broadcast_in_dim3A_400 = vector.broadcast %broadcast_in_dim3A_399 : vector<256x1xf32> to vector<256x32xf32>
    %select_n3A_401 = arith.select %eq3A_397, %broadcast_in_dim3A_400, %select_n3A_378 : vector<256x32xi1>, vector<256x32xf32>
    %broadcast_in_dim3A_402 = vector.shape_cast %reduce_min3A_394 : vector<256xf32> to vector<256x1xf32>
    %eq3A_403 = vector.broadcast %broadcast_in_dim3A_402 : vector<256x1xf32> to vector<256x2048xf32>
    %eq3A_404 = arith.cmpf oeq, %convert_element_type3A, %eq3A_403 : vector<256x2048xf32>
    %jit3A_405 = arith.constant -3.000000e+38 : f32
    %broadcast_in_dim3A_406 = vector.broadcast %jit3A_405 : f32 to vector<256x2048xf32>
    %select_n3A_407 = arith.select %eq3A_404, %broadcast_in_dim3A_406, %select_n3A_384 : vector<256x2048xi1>, vector<256x2048xf32>
    %reduce_max3A_408 = arith.constant dense<0xFF800000> : vector<256xf32>
    %reduce_max3A_409 = vector.multi_reduction <maximumf>, %select_n3A_407, %reduce_max3A_408 [1] : vector<256x2048xf32> to vector<256xf32>
    %broadcast_in_dim3A_410 = vector.shape_cast %reduce_max3A_409 : vector<256xf32> to vector<256x1xf32>
    %ge3A_411 = vector.broadcast %broadcast_in_dim3A_410 : vector<256x1xf32> to vector<256x2048xf32>
    %ge3A_412 = arith.cmpf oge, %select_n3A_407, %ge3A_411 : vector<256x2048xf32>
    %jit3A_413 = arith.constant 2.048000e+03 : f32
    %broadcast_in_dim3A_414 = vector.broadcast %jit3A_413 : f32 to vector<256x2048xf32>
    %select_n3A_415 = arith.select %ge3A_412, %convert_element_type3A, %broadcast_in_dim3A_414 : vector<256x2048xi1>, vector<256x2048xf32>
    %reduce_min3A_416 = arith.constant dense<0x7F800000> : vector<256xf32>
    %reduce_min3A_417 = vector.multi_reduction <minimumf>, %select_n3A_415, %reduce_min3A_416 [1] : vector<256x2048xf32> to vector<256xf32>
    %eq3A_418 = arith.constant 1.500000e+01 : f32
    %eq3A_419 = vector.broadcast %eq3A_418 : f32 to vector<256x32xf32>
    %eq3A_420 = arith.cmpf oeq, %convert_element_type3A_65, %eq3A_419 : vector<256x32xf32>
    %broadcast_in_dim3A_421 = vector.shape_cast %reduce_min3A_417 : vector<256xf32> to vector<256x1xf32>
    %broadcast_in_dim3A_422 = vector.shape_cast %broadcast_in_dim3A_421 : vector<256x1xf32> to vector<256x1xf32>
    %broadcast_in_dim3A_423 = vector.broadcast %broadcast_in_dim3A_422 : vector<256x1xf32> to vector<256x32xf32>
    %select_n3A_424 = arith.select %eq3A_420, %broadcast_in_dim3A_423, %select_n3A_401 : vector<256x32xi1>, vector<256x32xf32>
    %broadcast_in_dim3A_425 = vector.shape_cast %reduce_min3A_417 : vector<256xf32> to vector<256x1xf32>
    %eq3A_426 = vector.broadcast %broadcast_in_dim3A_425 : vector<256x1xf32> to vector<256x2048xf32>
    %eq3A_427 = arith.cmpf oeq, %convert_element_type3A, %eq3A_426 : vector<256x2048xf32>
    %jit3A_428 = arith.constant -3.000000e+38 : f32
    %broadcast_in_dim3A_429 = vector.broadcast %jit3A_428 : f32 to vector<256x2048xf32>
    %select_n3A_430 = arith.select %eq3A_427, %broadcast_in_dim3A_429, %select_n3A_407 : vector<256x2048xi1>, vector<256x2048xf32>
    %reduce_max3A_431 = arith.constant dense<0xFF800000> : vector<256xf32>
    %reduce_max3A_432 = vector.multi_reduction <maximumf>, %select_n3A_430, %reduce_max3A_431 [1] : vector<256x2048xf32> to vector<256xf32>
    %broadcast_in_dim3A_433 = vector.shape_cast %reduce_max3A_432 : vector<256xf32> to vector<256x1xf32>
    %ge3A_434 = vector.broadcast %broadcast_in_dim3A_433 : vector<256x1xf32> to vector<256x2048xf32>
    %ge3A_435 = arith.cmpf oge, %select_n3A_430, %ge3A_434 : vector<256x2048xf32>
    %jit3A_436 = arith.constant 2.048000e+03 : f32
    %broadcast_in_dim3A_437 = vector.broadcast %jit3A_436 : f32 to vector<256x2048xf32>
    %select_n3A_438 = arith.select %ge3A_435, %convert_element_type3A, %broadcast_in_dim3A_437 : vector<256x2048xi1>, vector<256x2048xf32>
    %reduce_min3A_439 = arith.constant dense<0x7F800000> : vector<256xf32>
    %reduce_min3A_440 = vector.multi_reduction <minimumf>, %select_n3A_438, %reduce_min3A_439 [1] : vector<256x2048xf32> to vector<256xf32>
    %eq3A_441 = arith.constant 1.600000e+01 : f32
    %eq3A_442 = vector.broadcast %eq3A_441 : f32 to vector<256x32xf32>
    %eq3A_443 = arith.cmpf oeq, %convert_element_type3A_65, %eq3A_442 : vector<256x32xf32>
    %broadcast_in_dim3A_444 = vector.shape_cast %reduce_min3A_440 : vector<256xf32> to vector<256x1xf32>
    %broadcast_in_dim3A_445 = vector.shape_cast %broadcast_in_dim3A_444 : vector<256x1xf32> to vector<256x1xf32>
    %broadcast_in_dim3A_446 = vector.broadcast %broadcast_in_dim3A_445 : vector<256x1xf32> to vector<256x32xf32>
    %select_n3A_447 = arith.select %eq3A_443, %broadcast_in_dim3A_446, %select_n3A_424 : vector<256x32xi1>, vector<256x32xf32>
    %broadcast_in_dim3A_448 = vector.shape_cast %reduce_min3A_440 : vector<256xf32> to vector<256x1xf32>
    %eq3A_449 = vector.broadcast %broadcast_in_dim3A_448 : vector<256x1xf32> to vector<256x2048xf32>
    %eq3A_450 = arith.cmpf oeq, %convert_element_type3A, %eq3A_449 : vector<256x2048xf32>
    %jit3A_451 = arith.constant -3.000000e+38 : f32
    %broadcast_in_dim3A_452 = vector.broadcast %jit3A_451 : f32 to vector<256x2048xf32>
    %select_n3A_453 = arith.select %eq3A_450, %broadcast_in_dim3A_452, %select_n3A_430 : vector<256x2048xi1>, vector<256x2048xf32>
    %reduce_max3A_454 = arith.constant dense<0xFF800000> : vector<256xf32>
    %reduce_max3A_455 = vector.multi_reduction <maximumf>, %select_n3A_453, %reduce_max3A_454 [1] : vector<256x2048xf32> to vector<256xf32>
    %broadcast_in_dim3A_456 = vector.shape_cast %reduce_max3A_455 : vector<256xf32> to vector<256x1xf32>
    %ge3A_457 = vector.broadcast %broadcast_in_dim3A_456 : vector<256x1xf32> to vector<256x2048xf32>
    %ge3A_458 = arith.cmpf oge, %select_n3A_453, %ge3A_457 : vector<256x2048xf32>
    %jit3A_459 = arith.constant 2.048000e+03 : f32
    %broadcast_in_dim3A_460 = vector.broadcast %jit3A_459 : f32 to vector<256x2048xf32>
    %select_n3A_461 = arith.select %ge3A_458, %convert_element_type3A, %broadcast_in_dim3A_460 : vector<256x2048xi1>, vector<256x2048xf32>
    %reduce_min3A_462 = arith.constant dense<0x7F800000> : vector<256xf32>
    %reduce_min3A_463 = vector.multi_reduction <minimumf>, %select_n3A_461, %reduce_min3A_462 [1] : vector<256x2048xf32> to vector<256xf32>
    %eq3A_464 = arith.constant 1.700000e+01 : f32
    %eq3A_465 = vector.broadcast %eq3A_464 : f32 to vector<256x32xf32>
    %eq3A_466 = arith.cmpf oeq, %convert_element_type3A_65, %eq3A_465 : vector<256x32xf32>
    %broadcast_in_dim3A_467 = vector.shape_cast %reduce_min3A_463 : vector<256xf32> to vector<256x1xf32>
    %broadcast_in_dim3A_468 = vector.shape_cast %broadcast_in_dim3A_467 : vector<256x1xf32> to vector<256x1xf32>
    %broadcast_in_dim3A_469 = vector.broadcast %broadcast_in_dim3A_468 : vector<256x1xf32> to vector<256x32xf32>
    %select_n3A_470 = arith.select %eq3A_466, %broadcast_in_dim3A_469, %select_n3A_447 : vector<256x32xi1>, vector<256x32xf32>
    %broadcast_in_dim3A_471 = vector.shape_cast %reduce_min3A_463 : vector<256xf32> to vector<256x1xf32>
    %eq3A_472 = vector.broadcast %broadcast_in_dim3A_471 : vector<256x1xf32> to vector<256x2048xf32>
    %eq3A_473 = arith.cmpf oeq, %convert_element_type3A, %eq3A_472 : vector<256x2048xf32>
    %jit3A_474 = arith.constant -3.000000e+38 : f32
    %broadcast_in_dim3A_475 = vector.broadcast %jit3A_474 : f32 to vector<256x2048xf32>
    %select_n3A_476 = arith.select %eq3A_473, %broadcast_in_dim3A_475, %select_n3A_453 : vector<256x2048xi1>, vector<256x2048xf32>
    %reduce_max3A_477 = arith.constant dense<0xFF800000> : vector<256xf32>
    %reduce_max3A_478 = vector.multi_reduction <maximumf>, %select_n3A_476, %reduce_max3A_477 [1] : vector<256x2048xf32> to vector<256xf32>
    %broadcast_in_dim3A_479 = vector.shape_cast %reduce_max3A_478 : vector<256xf32> to vector<256x1xf32>
    %ge3A_480 = vector.broadcast %broadcast_in_dim3A_479 : vector<256x1xf32> to vector<256x2048xf32>
    %ge3A_481 = arith.cmpf oge, %select_n3A_476, %ge3A_480 : vector<256x2048xf32>
    %jit3A_482 = arith.constant 2.048000e+03 : f32
    %broadcast_in_dim3A_483 = vector.broadcast %jit3A_482 : f32 to vector<256x2048xf32>
    %select_n3A_484 = arith.select %ge3A_481, %convert_element_type3A, %broadcast_in_dim3A_483 : vector<256x2048xi1>, vector<256x2048xf32>
    %reduce_min3A_485 = arith.constant dense<0x7F800000> : vector<256xf32>
    %reduce_min3A_486 = vector.multi_reduction <minimumf>, %select_n3A_484, %reduce_min3A_485 [1] : vector<256x2048xf32> to vector<256xf32>
    %eq3A_487 = arith.constant 1.800000e+01 : f32
    %eq3A_488 = vector.broadcast %eq3A_487 : f32 to vector<256x32xf32>
    %eq3A_489 = arith.cmpf oeq, %convert_element_type3A_65, %eq3A_488 : vector<256x32xf32>
    %broadcast_in_dim3A_490 = vector.shape_cast %reduce_min3A_486 : vector<256xf32> to vector<256x1xf32>
    %broadcast_in_dim3A_491 = vector.shape_cast %broadcast_in_dim3A_490 : vector<256x1xf32> to vector<256x1xf32>
    %broadcast_in_dim3A_492 = vector.broadcast %broadcast_in_dim3A_491 : vector<256x1xf32> to vector<256x32xf32>
    %select_n3A_493 = arith.select %eq3A_489, %broadcast_in_dim3A_492, %select_n3A_470 : vector<256x32xi1>, vector<256x32xf32>
    %broadcast_in_dim3A_494 = vector.shape_cast %reduce_min3A_486 : vector<256xf32> to vector<256x1xf32>
    %eq3A_495 = vector.broadcast %broadcast_in_dim3A_494 : vector<256x1xf32> to vector<256x2048xf32>
    %eq3A_496 = arith.cmpf oeq, %convert_element_type3A, %eq3A_495 : vector<256x2048xf32>
    %jit3A_497 = arith.constant -3.000000e+38 : f32
    %broadcast_in_dim3A_498 = vector.broadcast %jit3A_497 : f32 to vector<256x2048xf32>
    %select_n3A_499 = arith.select %eq3A_496, %broadcast_in_dim3A_498, %select_n3A_476 : vector<256x2048xi1>, vector<256x2048xf32>
    %reduce_max3A_500 = arith.constant dense<0xFF800000> : vector<256xf32>
    %reduce_max3A_501 = vector.multi_reduction <maximumf>, %select_n3A_499, %reduce_max3A_500 [1] : vector<256x2048xf32> to vector<256xf32>
    %broadcast_in_dim3A_502 = vector.shape_cast %reduce_max3A_501 : vector<256xf32> to vector<256x1xf32>
    %ge3A_503 = vector.broadcast %broadcast_in_dim3A_502 : vector<256x1xf32> to vector<256x2048xf32>
    %ge3A_504 = arith.cmpf oge, %select_n3A_499, %ge3A_503 : vector<256x2048xf32>
    %jit3A_505 = arith.constant 2.048000e+03 : f32
    %broadcast_in_dim3A_506 = vector.broadcast %jit3A_505 : f32 to vector<256x2048xf32>
    %select_n3A_507 = arith.select %ge3A_504, %convert_element_type3A, %broadcast_in_dim3A_506 : vector<256x2048xi1>, vector<256x2048xf32>
    %reduce_min3A_508 = arith.constant dense<0x7F800000> : vector<256xf32>
    %reduce_min3A_509 = vector.multi_reduction <minimumf>, %select_n3A_507, %reduce_min3A_508 [1] : vector<256x2048xf32> to vector<256xf32>
    %eq3A_510 = arith.constant 1.900000e+01 : f32
    %eq3A_511 = vector.broadcast %eq3A_510 : f32 to vector<256x32xf32>
    %eq3A_512 = arith.cmpf oeq, %convert_element_type3A_65, %eq3A_511 : vector<256x32xf32>
    %broadcast_in_dim3A_513 = vector.shape_cast %reduce_min3A_509 : vector<256xf32> to vector<256x1xf32>
    %broadcast_in_dim3A_514 = vector.shape_cast %broadcast_in_dim3A_513 : vector<256x1xf32> to vector<256x1xf32>
    %broadcast_in_dim3A_515 = vector.broadcast %broadcast_in_dim3A_514 : vector<256x1xf32> to vector<256x32xf32>
    %select_n3A_516 = arith.select %eq3A_512, %broadcast_in_dim3A_515, %select_n3A_493 : vector<256x32xi1>, vector<256x32xf32>
    %slice3A = vector.extract_strided_slice %select_n3A_516 {offsets = [0, 0], sizes = [256, 20], strides = [1, 1]} : vector<256x32xf32> to vector<256x20xf32>
    %convert_element_type3A_517 = arith.fptosi %slice3A : vector<256x20xf32> to vector<256x20xi32>
    %add3A_518 = vector.broadcast %mul3A_63 : i32 to vector<256x20xi32>
    %add3A_519 = arith.addi %convert_element_type3A_517, %add3A_518 : vector<256x20xi32>
    %swap3A = arith.constant 0 : index
    %swap3A_520 = arith.constant 0 : index
    %swap3A_521 = vector.load %arg4[%swap3A, %swap3A_520] : memref<256x20xi32, #tpu.memory_space<vmem>>, vector<256x20xi32>
    tpu.vector_store %arg4[%swap3A, %swap3A_520], %add3A_519 {strides = array<i32>} : memref<256x20xi32, #tpu.memory_space<vmem>>, vector<256x20xi32>,
    %jit3A_522 = arith.constant 0 : i32
    %convert_element_type3A_523 = arith.sitofp %jit3A_522 : i32 to f32
    %pad3A = vector.broadcast %convert_element_type3A_523 : f32 to vector<256x64xf32>
    %pad3A_524 = tpu.concatenate %select_n3A_47, %pad3A in 1 : vector<256x64xf32>, vector<256x64xf32> -> vector<256x128xf32>
    %swap3A_525 = arith.constant 0 : index
    %swap3A_526 = arith.constant 0 : index
    %swap3A_527 = arith.constant 0 : index
    %swap3A_528 = vector.load %arg5[%swap3A_525, %swap3A_526, %swap3A_527] : memref<1x256x128xf32, #tpu.memory_space<vmem>>, vector<1x256x128xf32>
    %swap3A_529 = vector.shape_cast %swap3A_528 : vector<1x256x128xf32> to vector<256x128xf32>
    %swap3A_530 = vector.shape_cast %pad3A_524 : vector<256x128xf32> to vector<1x256x128xf32>
    tpu.vector_store %arg5[%swap3A_525, %swap3A_526, %swap3A_527], %swap3A_530 {strides = array<i32>} : memref<1x256x128xf32, #tpu.memory_space<vmem>>, vector<1x256x128xf32>,
    return
  }
  func.func @transform_0(%arg0: i32, %arg1: i32) -> (i32, i32, i32) {
    %c0_i32 = arith.constant 0 : i32
    %c0_i32_0 = arith.constant 0 : i32
    %c0_i32_1 = arith.constant 0 : i32
    return %arg0, %c0_i32, %c0_i32_0 : i32, i32, i32
  }
  func.func @transform_1(%arg0: i32, %arg1: i32) -> (i32, i32) {
    %c0_i32 = arith.constant 0 : i32
    %c0_i32_0 = arith.constant 0 : i32
    %c0_i32_1 = arith.constant 0 : i32
    return %c0_i32, %c0_i32_0 : i32, i32
  }
  func.func @transform_2(%arg0: i32, %arg1: i32) -> (i32, i32) {
    %mul3A = arith.constant 8 : i32
    %mul3A_0 = arith.muli %arg0, %mul3A : i32
    %add3A = arith.addi %mul3A_0, %arg1 : i32
    %c0_i32 = arith.constant 0 : i32
    %c0_i32_1 = arith.constant 0 : i32
    return %add3A, %c0_i32 : i32, i32
  }
  func.func @transform_3(%arg0: i32, %arg1: i32) -> (i32, i32, i32) {
    %c0_i32 = arith.constant 0 : i32
    %c0_i32_0 = arith.constant 0 : i32
    return %arg0, %arg1, %c0_i32 : i32, i32, i32
  }
}

module attributes {stable_mosaic.version = 14 : i64} {
  func.func @body(%arg0: i32, %arg1: memref<20x512x128xf32, #tpu.memory_space<vmem>>, %arg2: memref<512x128xf32, #tpu.memory_space<vmem>>, %arg3: memref<128x128xf32, #tpu.memory_space<vmem>>, %arg4: memref<512x128xf32, #tpu.memory_space<vmem>>, %arg5: memref<8x128xf32, #tpu.memory_space<vmem>>) attributes {dimension_semantics = [#tpu.dimension_semantics<arbitrary>], iteration_bounds = array<i64: 32>, scalar_prefetch = 0 : i64, scratch_operands = 0 : i64, tpu.core_type = #tpu.core_type<tc>, window_params = [{transform_indices = @transform_0, window_bounds = array<i64: 20, 512, 128>}, {transform_indices = @transform_1, window_bounds = array<i64: 512, 128>}, {pipeline_mode = #tpu.pipeline_mode<synchronous>, transform_indices = @transform_2, window_bounds = array<i64: 128, 128>}, {transform_indices = @transform_3, window_bounds = array<i64: 512, 128>}, {pipeline_mode = #tpu.pipeline_mode<synchronous>, transform_indices = @transform_4, window_bounds = array<i64: 8, 128>}]} {
    %get3A = arith.constant 0 : index
    %get3A_0 = arith.constant 0 : index
    %get3A_1 = arith.constant 0 : index
    %get3A_2 = vector.load %arg1[%get3A, %get3A_0, %get3A_1] : memref<20x512x128xf32, #tpu.memory_space<vmem>>, vector<20x512x64xf32>
    %get3A_3 = arith.constant 0 : index
    %get3A_4 = arith.constant 0 : index
    %get3A_5 = vector.load %arg2[%get3A_3, %get3A_4] : memref<512x128xf32, #tpu.memory_space<vmem>>, vector<512x64xf32>
    %broadcast_in_dim3A = vector.shape_cast %get3A_5 : vector<512x64xf32> to vector<1x512x64xf32>
    %sub3A = vector.broadcast %broadcast_in_dim3A : vector<1x512x64xf32> to vector<20x512x64xf32>
    %sub3A_6 = arith.subf %get3A_2, %sub3A : vector<20x512x64xf32>
    %broadcast_in_dim3A_7 = vector.shape_cast %broadcast_in_dim3A : vector<1x512x64xf32> to vector<1x512x64xf32>
    %broadcast_in_dim3A_8 = vector.broadcast %broadcast_in_dim3A_7 : vector<1x512x64xf32> to vector<20x512x64xf32>
    %concatenate3A = tpu.concatenate %sub3A_6, %broadcast_in_dim3A_8 in 2 : vector<20x512x64xf32>, vector<20x512x64xf32> -> vector<20x512x128xf32>
    %reshape3A = vector.shape_cast %concatenate3A : vector<20x512x128xf32> to vector<10240x128xf32>
    %get3A_9 = arith.constant 0 : index
    %get3A_10 = arith.constant 0 : index
    %get3A_11 = vector.load %arg3[%get3A_9, %get3A_10] : memref<128x128xf32, #tpu.memory_space<vmem>>, vector<128x128xf32>
    %dot_general3A = arith.constant dense<0.000000e+00> : vector<10240x128xf32>
    %dot_general3A_12 = tpu.matmul %reshape3A, %get3A_11, %dot_general3A {dimension_numbers = #tpu.dot_dimension_numbers<[1], [0], [0], [1], [0, 0, 1, 1], [], []>, transpose_lhs_hint = false} : vector<10240x128xf32>, vector<128x128xf32>, vector<10240x128xf32> -> vector<10240x128xf32>
    %reduce_sum3A = arith.constant dense<0.000000e+00> : vector<128xf32>
    %reduce_sum3A_13 = vector.multi_reduction <add>, %dot_general3A_12, %reduce_sum3A [0] : vector<10240x128xf32> to vector<128xf32>
    %mul3A = arith.mulf %dot_general3A_12, %dot_general3A_12 : vector<10240x128xf32>
    %reduce_sum3A_14 = arith.constant dense<0.000000e+00> : vector<128xf32>
    %reduce_sum3A_15 = vector.multi_reduction <add>, %mul3A, %reduce_sum3A_14 [0] : vector<10240x128xf32> to vector<128xf32>
    %reshape3A_16 = vector.shape_cast %dot_general3A_12 : vector<10240x128xf32> to vector<20x512x128xf32>
    %reduce_max3A = arith.constant dense<0xFF800000> : vector<512x128xf32>
    %reduce_max3A_17 = vector.multi_reduction <maximumf>, %reshape3A_16, %reduce_max3A [0] : vector<20x512x128xf32> to vector<512x128xf32>
    %swap3A = arith.constant 0 : index
    %swap3A_18 = arith.constant 0 : index
    %swap3A_19 = vector.load %arg4[%swap3A, %swap3A_18] : memref<512x128xf32, #tpu.memory_space<vmem>>, vector<512x128xf32>
    tpu.vector_store %arg4[%swap3A, %swap3A_18], %reduce_max3A_17 {strides = array<i32>} : memref<512x128xf32, #tpu.memory_space<vmem>>, vector<512x128xf32>,
    %broadcast_in_dim3A_20 = vector.shape_cast %reduce_sum3A_13 : vector<128xf32> to vector<1x128xf32>
    %broadcast_in_dim3A_21 = vector.shape_cast %reduce_sum3A_15 : vector<128xf32> to vector<1x128xf32>
    %broadcast_in_dim3A_22 = arith.constant 0.000000e+00 : f32
    %broadcast_in_dim3A_23 = vector.broadcast %broadcast_in_dim3A_22 : f32 to vector<6x128xf32>
    %concatenate3A_24 = tpu.concatenate %broadcast_in_dim3A_20, %broadcast_in_dim3A_21, %broadcast_in_dim3A_23 in 0 : vector<1x128xf32>, vector<1x128xf32>, vector<6x128xf32> -> vector<8x128xf32>
    %eq3A = arith.constant 0 : i32
    %eq3A_25 = arith.cmpi eq, %arg0, %eq3A : i32
    %convert_element_type3A = arith.extui %eq3A_25 : i1 to i32
    %cond3A = arith.constant 0 : i32
    %cond3A_26 = arith.cmpi ne, %convert_element_type3A, %cond3A : i32
    scf.if %cond3A_26 {
      %broadcast_in_dim3A_33 = arith.constant 0.000000e+00 : f32
      %broadcast_in_dim3A_34 = vector.broadcast %broadcast_in_dim3A_33 : f32 to vector<8x128xf32>
      %swap3A_35 = arith.constant 0 : index
      %swap3A_36 = arith.constant 0 : index
      %swap3A_37 = vector.load %arg5[%swap3A_35, %swap3A_36] : memref<8x128xf32, #tpu.memory_space<vmem>>, vector<8x128xf32>
      tpu.vector_store %arg5[%swap3A_35, %swap3A_36], %broadcast_in_dim3A_34 {strides = array<i32>} : memref<8x128xf32, #tpu.memory_space<vmem>>, vector<8x128xf32>,
    } else {
    }
    %get3A_27 = arith.constant 0 : index
    %get3A_28 = arith.constant 0 : index
    %get3A_29 = vector.load %arg5[%get3A_27, %get3A_28] : memref<8x128xf32, #tpu.memory_space<vmem>>, vector<8x128xf32>
    %add3A = arith.addf %get3A_29, %concatenate3A_24 : vector<8x128xf32>
    %swap3A_30 = arith.constant 0 : index
    %swap3A_31 = arith.constant 0 : index
    %swap3A_32 = vector.load %arg5[%swap3A_30, %swap3A_31] : memref<8x128xf32, #tpu.memory_space<vmem>>, vector<8x128xf32>
    tpu.vector_store %arg5[%swap3A_30, %swap3A_31], %add3A {strides = array<i32>} : memref<8x128xf32, #tpu.memory_space<vmem>>, vector<8x128xf32>,
    return
  }
  func.func @transform_0(%arg0: i32) -> (i32, i32, i32) {
    %c0_i32 = arith.constant 0 : i32
    %c0_i32_0 = arith.constant 0 : i32
    %c0_i32_1 = arith.constant 0 : i32
    return %c0_i32, %arg0, %c0_i32_0 : i32, i32, i32
  }
  func.func @transform_1(%arg0: i32) -> (i32, i32) {
    %c0_i32 = arith.constant 0 : i32
    %c0_i32_0 = arith.constant 0 : i32
    return %arg0, %c0_i32 : i32, i32
  }
  func.func @transform_2(%arg0: i32) -> (i32, i32) {
    %c0_i32 = arith.constant 0 : i32
    %c0_i32_0 = arith.constant 0 : i32
    %c0_i32_1 = arith.constant 0 : i32
    return %c0_i32, %c0_i32_0 : i32, i32
  }
  func.func @transform_3(%arg0: i32) -> (i32, i32) {
    %c0_i32 = arith.constant 0 : i32
    %c0_i32_0 = arith.constant 0 : i32
    return %arg0, %c0_i32 : i32, i32
  }
  func.func @transform_4(%arg0: i32) -> (i32, i32) {
    %c0_i32 = arith.constant 0 : i32
    %c0_i32_0 = arith.constant 0 : i32
    %c0_i32_1 = arith.constant 0 : i32
    return %c0_i32, %c0_i32_0 : i32, i32
  }
}

module attributes {stable_mosaic.version = 14 : i64} {
  func.func @body(%arg0: i32, %arg1: memref<512x64xf32, #tpu.memory_space<vmem>>, %arg2: memref<8x64xf32, #tpu.memory_space<vmem>>, %arg3: memref<512x64xf32, #tpu.memory_space<vmem>>, %arg4: memref<8x64xf32, #tpu.memory_space<vmem>>, %arg5: memref<512x128xf32, #tpu.memory_space<vmem>>, %arg6: memref<8x128xf32, #tpu.memory_space<vmem>>, %arg7: memref<256x512xf32, #tpu.memory_space<vmem>>, %arg8: memref<512x512xf32, #tpu.memory_space<vmem>>, %arg9: memref<8x512xf32, #tpu.memory_space<vmem>>) attributes {dimension_semantics = [#tpu.dimension_semantics<arbitrary>], iteration_bounds = array<i64: 32>, scalar_prefetch = 0 : i64, scratch_operands = 0 : i64, tpu.core_type = #tpu.core_type<tc>, window_params = [{transform_indices = @transform_0, window_bounds = array<i64: 512, 64>}, {pipeline_mode = #tpu.pipeline_mode<synchronous>, transform_indices = @transform_1, window_bounds = array<i64: 8, 64>}, {transform_indices = @transform_2, window_bounds = array<i64: 512, 64>}, {pipeline_mode = #tpu.pipeline_mode<synchronous>, transform_indices = @transform_3, window_bounds = array<i64: 8, 64>}, {transform_indices = @transform_4, window_bounds = array<i64: 512, 128>}, {pipeline_mode = #tpu.pipeline_mode<synchronous>, transform_indices = @transform_5, window_bounds = array<i64: 8, 128>}, {pipeline_mode = #tpu.pipeline_mode<synchronous>, transform_indices = @transform_6, window_bounds = array<i64: 256, 512>}, {transform_indices = @transform_7, window_bounds = array<i64: 512, 512>}, {pipeline_mode = #tpu.pipeline_mode<synchronous>, transform_indices = @transform_8, window_bounds = array<i64: 8, 512>}]} {
    %get3A = arith.constant 0 : index
    %get3A_0 = arith.constant 0 : index
    %get3A_1 = vector.load %arg1[%get3A, %get3A_0] : memref<512x64xf32, #tpu.memory_space<vmem>>, vector<512x64xf32>
    %get3A_2 = arith.constant 0 : index
    %get3A_3 = arith.constant 0 : index
    %get3A_4 = vector.load %arg2[%get3A_2, %get3A_3] : memref<8x64xf32, #tpu.memory_space<vmem>>, vector<1x64xf32>
    %get3A_5 = vector.shape_cast %get3A_4 : vector<1x64xf32> to vector<64xf32>
    %broadcast_in_dim3A = vector.shape_cast %get3A_5 : vector<64xf32> to vector<1x64xf32>
    %mul3A = vector.broadcast %broadcast_in_dim3A : vector<1x64xf32> to vector<512x64xf32>
    %mul3A_6 = arith.mulf %get3A_1, %mul3A : vector<512x64xf32>
    %get3A_7 = arith.constant 1 : index
    %get3A_8 = arith.constant 0 : index
    %get3A_9 = vector.load %arg2[%get3A_7, %get3A_8] : memref<8x64xf32, #tpu.memory_space<vmem>>, vector<1x64xf32>
    %get3A_10 = vector.shape_cast %get3A_9 : vector<1x64xf32> to vector<64xf32>
    %broadcast_in_dim3A_11 = vector.shape_cast %get3A_10 : vector<64xf32> to vector<1x64xf32>
    %add3A = vector.broadcast %broadcast_in_dim3A_11 : vector<1x64xf32> to vector<512x64xf32>
    %add3A_12 = arith.addf %mul3A_6, %add3A : vector<512x64xf32>
    %gt3A = arith.constant 0.000000e+00 : f32
    %gt3A_13 = vector.broadcast %gt3A : f32 to vector<512x64xf32>
    %gt3A_14 = arith.cmpf ogt, %add3A_12, %gt3A_13 : vector<512x64xf32>
    %mul3A_15 = arith.constant 1.000000e-01 : f32
    %mul3A_16 = vector.broadcast %mul3A_15 : f32 to vector<512x64xf32>
    %mul3A_17 = arith.mulf %mul3A_16, %add3A_12 : vector<512x64xf32>
    %select_n3A = arith.select %gt3A_14, %add3A_12, %mul3A_17 : vector<512x64xi1>, vector<512x64xf32>
    %get3A_18 = arith.constant 0 : index
    %get3A_19 = arith.constant 0 : index
    %get3A_20 = vector.load %arg3[%get3A_18, %get3A_19] : memref<512x64xf32, #tpu.memory_space<vmem>>, vector<512x64xf32>
    %get3A_21 = arith.constant 0 : index
    %get3A_22 = arith.constant 0 : index
    %get3A_23 = vector.load %arg4[%get3A_21, %get3A_22] : memref<8x64xf32, #tpu.memory_space<vmem>>, vector<1x64xf32>
    %get3A_24 = vector.shape_cast %get3A_23 : vector<1x64xf32> to vector<64xf32>
    %broadcast_in_dim3A_25 = vector.shape_cast %get3A_24 : vector<64xf32> to vector<1x64xf32>
    %mul3A_26 = vector.broadcast %broadcast_in_dim3A_25 : vector<1x64xf32> to vector<512x64xf32>
    %mul3A_27 = arith.mulf %get3A_20, %mul3A_26 : vector<512x64xf32>
    %get3A_28 = arith.constant 1 : index
    %get3A_29 = arith.constant 0 : index
    %get3A_30 = vector.load %arg4[%get3A_28, %get3A_29] : memref<8x64xf32, #tpu.memory_space<vmem>>, vector<1x64xf32>
    %get3A_31 = vector.shape_cast %get3A_30 : vector<1x64xf32> to vector<64xf32>
    %broadcast_in_dim3A_32 = vector.shape_cast %get3A_31 : vector<64xf32> to vector<1x64xf32>
    %add3A_33 = vector.broadcast %broadcast_in_dim3A_32 : vector<1x64xf32> to vector<512x64xf32>
    %add3A_34 = arith.addf %mul3A_27, %add3A_33 : vector<512x64xf32>
    %gt3A_35 = arith.constant 0.000000e+00 : f32
    %gt3A_36 = vector.broadcast %gt3A_35 : f32 to vector<512x64xf32>
    %gt3A_37 = arith.cmpf ogt, %add3A_34, %gt3A_36 : vector<512x64xf32>
    %mul3A_38 = arith.constant 1.000000e-01 : f32
    %mul3A_39 = vector.broadcast %mul3A_38 : f32 to vector<512x64xf32>
    %mul3A_40 = arith.mulf %mul3A_39, %add3A_34 : vector<512x64xf32>
    %select_n3A_41 = arith.select %gt3A_37, %add3A_34, %mul3A_40 : vector<512x64xi1>, vector<512x64xf32>
    %get3A_42 = arith.constant 0 : index
    %get3A_43 = arith.constant 0 : index
    %get3A_44 = vector.load %arg5[%get3A_42, %get3A_43] : memref<512x128xf32, #tpu.memory_space<vmem>>, vector<512x128xf32>
    %get3A_45 = arith.constant 0 : index
    %get3A_46 = arith.constant 0 : index
    %get3A_47 = vector.load %arg6[%get3A_45, %get3A_46] : memref<8x128xf32, #tpu.memory_space<vmem>>, vector<1x128xf32>
    %get3A_48 = vector.shape_cast %get3A_47 : vector<1x128xf32> to vector<128xf32>
    %broadcast_in_dim3A_49 = vector.shape_cast %get3A_48 : vector<128xf32> to vector<1x128xf32>
    %mul3A_50 = vector.broadcast %broadcast_in_dim3A_49 : vector<1x128xf32> to vector<512x128xf32>
    %mul3A_51 = arith.mulf %get3A_44, %mul3A_50 : vector<512x128xf32>
    %get3A_52 = arith.constant 1 : index
    %get3A_53 = arith.constant 0 : index
    %get3A_54 = vector.load %arg6[%get3A_52, %get3A_53] : memref<8x128xf32, #tpu.memory_space<vmem>>, vector<1x128xf32>
    %get3A_55 = vector.shape_cast %get3A_54 : vector<1x128xf32> to vector<128xf32>
    %broadcast_in_dim3A_56 = vector.shape_cast %get3A_55 : vector<128xf32> to vector<1x128xf32>
    %add3A_57 = vector.broadcast %broadcast_in_dim3A_56 : vector<1x128xf32> to vector<512x128xf32>
    %add3A_58 = arith.addf %mul3A_51, %add3A_57 : vector<512x128xf32>
    %gt3A_59 = arith.constant 0.000000e+00 : f32
    %gt3A_60 = vector.broadcast %gt3A_59 : f32 to vector<512x128xf32>
    %gt3A_61 = arith.cmpf ogt, %add3A_58, %gt3A_60 : vector<512x128xf32>
    %mul3A_62 = arith.constant 1.000000e-01 : f32
    %mul3A_63 = vector.broadcast %mul3A_62 : f32 to vector<512x128xf32>
    %mul3A_64 = arith.mulf %mul3A_63, %add3A_58 : vector<512x128xf32>
    %select_n3A_65 = arith.select %gt3A_61, %add3A_58, %mul3A_64 : vector<512x128xi1>, vector<512x128xf32>
    %concatenate3A = tpu.concatenate %select_n3A, %select_n3A_41, %select_n3A_65 in 1 : vector<512x64xf32>, vector<512x64xf32>, vector<512x128xf32> -> vector<512x256xf32>
    %get3A_66 = arith.constant 0 : index
    %get3A_67 = arith.constant 0 : index
    %get3A_68 = vector.load %arg7[%get3A_66, %get3A_67] : memref<256x512xf32, #tpu.memory_space<vmem>>, vector<256x512xf32>
    %dot_general3A = arith.constant dense<0.000000e+00> : vector<512x512xf32>
    %dot_general3A_69 = tpu.matmul %concatenate3A, %get3A_68, %dot_general3A {dimension_numbers = #tpu.dot_dimension_numbers<[1], [0], [0], [1], [0, 0, 1, 1], [], []>, transpose_lhs_hint = false} : vector<512x256xf32>, vector<256x512xf32>, vector<512x512xf32> -> vector<512x512xf32>
    %swap3A = arith.constant 0 : index
    %swap3A_70 = arith.constant 0 : index
    %swap3A_71 = vector.load %arg8[%swap3A, %swap3A_70] : memref<512x512xf32, #tpu.memory_space<vmem>>, vector<512x512xf32>
    tpu.vector_store %arg8[%swap3A, %swap3A_70], %dot_general3A_69 {strides = array<i32>} : memref<512x512xf32, #tpu.memory_space<vmem>>, vector<512x512xf32>,
    %reduce_sum3A = arith.constant dense<0.000000e+00> : vector<512xf32>
    %reduce_sum3A_72 = vector.multi_reduction <add>, %dot_general3A_69, %reduce_sum3A [0] : vector<512x512xf32> to vector<512xf32>
    %mul3A_73 = arith.mulf %dot_general3A_69, %dot_general3A_69 : vector<512x512xf32>
    %reduce_sum3A_74 = arith.constant dense<0.000000e+00> : vector<512xf32>
    %reduce_sum3A_75 = vector.multi_reduction <add>, %mul3A_73, %reduce_sum3A_74 [0] : vector<512x512xf32> to vector<512xf32>
    %broadcast_in_dim3A_76 = vector.shape_cast %reduce_sum3A_72 : vector<512xf32> to vector<1x512xf32>
    %broadcast_in_dim3A_77 = vector.shape_cast %reduce_sum3A_75 : vector<512xf32> to vector<1x512xf32>
    %broadcast_in_dim3A_78 = arith.constant 0.000000e+00 : f32
    %broadcast_in_dim3A_79 = vector.broadcast %broadcast_in_dim3A_78 : f32 to vector<6x512xf32>
    %concatenate3A_80 = tpu.concatenate %broadcast_in_dim3A_76, %broadcast_in_dim3A_77, %broadcast_in_dim3A_79 in 0 : vector<1x512xf32>, vector<1x512xf32>, vector<6x512xf32> -> vector<8x512xf32>
    %eq3A = arith.constant 0 : i32
    %eq3A_81 = arith.cmpi eq, %arg0, %eq3A : i32
    %convert_element_type3A = arith.extui %eq3A_81 : i1 to i32
    %cond3A = arith.constant 0 : i32
    %cond3A_82 = arith.cmpi ne, %convert_element_type3A, %cond3A : i32
    scf.if %cond3A_82 {
      %broadcast_in_dim3A_90 = arith.constant 0.000000e+00 : f32
      %broadcast_in_dim3A_91 = vector.broadcast %broadcast_in_dim3A_90 : f32 to vector<8x512xf32>
      %swap3A_92 = arith.constant 0 : index
      %swap3A_93 = arith.constant 0 : index
      %swap3A_94 = vector.load %arg9[%swap3A_92, %swap3A_93] : memref<8x512xf32, #tpu.memory_space<vmem>>, vector<8x512xf32>
      tpu.vector_store %arg9[%swap3A_92, %swap3A_93], %broadcast_in_dim3A_91 {strides = array<i32>} : memref<8x512xf32, #tpu.memory_space<vmem>>, vector<8x512xf32>,
    } else {
    }
    %get3A_83 = arith.constant 0 : index
    %get3A_84 = arith.constant 0 : index
    %get3A_85 = vector.load %arg9[%get3A_83, %get3A_84] : memref<8x512xf32, #tpu.memory_space<vmem>>, vector<8x512xf32>
    %add3A_86 = arith.addf %get3A_85, %concatenate3A_80 : vector<8x512xf32>
    %swap3A_87 = arith.constant 0 : index
    %swap3A_88 = arith.constant 0 : index
    %swap3A_89 = vector.load %arg9[%swap3A_87, %swap3A_88] : memref<8x512xf32, #tpu.memory_space<vmem>>, vector<8x512xf32>
    tpu.vector_store %arg9[%swap3A_87, %swap3A_88], %add3A_86 {strides = array<i32>} : memref<8x512xf32, #tpu.memory_space<vmem>>, vector<8x512xf32>,
    return
  }
  func.func @transform_0(%arg0: i32) -> (i32, i32) {
    %c0_i32 = arith.constant 0 : i32
    %c0_i32_0 = arith.constant 0 : i32
    return %arg0, %c0_i32 : i32, i32
  }
  func.func @transform_1(%arg0: i32) -> (i32, i32) {
    %c0_i32 = arith.constant 0 : i32
    %c0_i32_0 = arith.constant 0 : i32
    %c0_i32_1 = arith.constant 0 : i32
    return %c0_i32, %c0_i32_0 : i32, i32
  }
  func.func @transform_2(%arg0: i32) -> (i32, i32) {
    %c0_i32 = arith.constant 0 : i32
    %c0_i32_0 = arith.constant 0 : i32
    return %arg0, %c0_i32 : i32, i32
  }
  func.func @transform_3(%arg0: i32) -> (i32, i32) {
    %c0_i32 = arith.constant 0 : i32
    %c0_i32_0 = arith.constant 0 : i32
    %c0_i32_1 = arith.constant 0 : i32
    return %c0_i32, %c0_i32_0 : i32, i32
  }
  func.func @transform_4(%arg0: i32) -> (i32, i32) {
    %c0_i32 = arith.constant 0 : i32
    %c0_i32_0 = arith.constant 0 : i32
    return %arg0, %c0_i32 : i32, i32
  }
  func.func @transform_5(%arg0: i32) -> (i32, i32) {
    %c0_i32 = arith.constant 0 : i32
    %c0_i32_0 = arith.constant 0 : i32
    %c0_i32_1 = arith.constant 0 : i32
    return %c0_i32, %c0_i32_0 : i32, i32
  }
  func.func @transform_6(%arg0: i32) -> (i32, i32) {
    %c0_i32 = arith.constant 0 : i32
    %c0_i32_0 = arith.constant 0 : i32
    %c0_i32_1 = arith.constant 0 : i32
    return %c0_i32, %c0_i32_0 : i32, i32
  }
  func.func @transform_7(%arg0: i32) -> (i32, i32) {
    %c0_i32 = arith.constant 0 : i32
    %c0_i32_0 = arith.constant 0 : i32
    return %arg0, %c0_i32 : i32, i32
  }
  func.func @transform_8(%arg0: i32) -> (i32, i32) {
    %c0_i32 = arith.constant 0 : i32
    %c0_i32_0 = arith.constant 0 : i32
    %c0_i32_1 = arith.constant 0 : i32
    return %c0_i32, %c0_i32_0 : i32, i32
  }
}

module attributes {stable_mosaic.version = 14 : i64} {
  func.func @body(%arg0: i32, %arg1: i32, %arg2: memref<512x512xf32, #tpu.memory_space<vmem>>, %arg3: memref<8x512xf32, #tpu.memory_space<vmem>>, %arg4: memref<1x512x512xf32, #tpu.memory_space<vmem>>) attributes {dimension_semantics = [#tpu.dimension_semantics<arbitrary>, #tpu.dimension_semantics<arbitrary>], iteration_bounds = array<i64: 8, 4>, scalar_prefetch = 0 : i64, scratch_operands = 0 : i64, tpu.core_type = #tpu.core_type<tc>, window_params = [{transform_indices = @transform_0, window_bounds = array<i64: 512, 512>}, {pipeline_mode = #tpu.pipeline_mode<synchronous>, transform_indices = @transform_1, window_bounds = array<i64: 8, 512>}, {transform_indices = @transform_2, window_bounds = array<i64: 1, 512, 512>}]} {
    %get3A = arith.constant 0 : index
    %get3A_0 = arith.constant 0 : index
    %get3A_1 = vector.load %arg2[%get3A, %get3A_0] : memref<512x512xf32, #tpu.memory_space<vmem>>, vector<512x512xf32>
    %get3A_2 = arith.constant 0 : index
    %get3A_3 = arith.constant 0 : index
    %get3A_4 = vector.load %arg3[%get3A_2, %get3A_3] : memref<8x512xf32, #tpu.memory_space<vmem>>, vector<1x512xf32>
    %get3A_5 = vector.shape_cast %get3A_4 : vector<1x512xf32> to vector<512xf32>
    %broadcast_in_dim3A = vector.shape_cast %get3A_5 : vector<512xf32> to vector<1x512xf32>
    %mul3A = vector.broadcast %broadcast_in_dim3A : vector<1x512xf32> to vector<512x512xf32>
    %mul3A_6 = arith.mulf %get3A_1, %mul3A : vector<512x512xf32>
    %get3A_7 = arith.constant 1 : index
    %get3A_8 = arith.constant 0 : index
    %get3A_9 = vector.load %arg3[%get3A_7, %get3A_8] : memref<8x512xf32, #tpu.memory_space<vmem>>, vector<1x512xf32>
    %get3A_10 = vector.shape_cast %get3A_9 : vector<1x512xf32> to vector<512xf32>
    %broadcast_in_dim3A_11 = vector.shape_cast %get3A_10 : vector<512xf32> to vector<1x512xf32>
    %add3A = vector.broadcast %broadcast_in_dim3A_11 : vector<1x512xf32> to vector<512x512xf32>
    %add3A_12 = arith.addf %mul3A_6, %add3A : vector<512x512xf32>
    %gt3A = arith.constant 0.000000e+00 : f32
    %gt3A_13 = vector.broadcast %gt3A : f32 to vector<512x512xf32>
    %gt3A_14 = arith.cmpf ogt, %add3A_12, %gt3A_13 : vector<512x512xf32>
    %mul3A_15 = arith.constant 1.000000e-01 : f32
    %mul3A_16 = vector.broadcast %mul3A_15 : f32 to vector<512x512xf32>
    %mul3A_17 = arith.mulf %mul3A_16, %add3A_12 : vector<512x512xf32>
    %select_n3A = arith.select %gt3A_14, %add3A_12, %mul3A_17 : vector<512x512xi1>, vector<512x512xf32>
    %transpose3A = tpu.transpose %select_n3A, [1, 0] : vector<512x512xf32> -> vector<512x512xf32>
    %swap3A = arith.constant 0 : index
    %swap3A_18 = arith.constant 0 : index
    %swap3A_19 = arith.constant 0 : index
    %swap3A_20 = vector.load %arg4[%swap3A, %swap3A_18, %swap3A_19] : memref<1x512x512xf32, #tpu.memory_space<vmem>>, vector<1x512x512xf32>
    %swap3A_21 = vector.shape_cast %swap3A_20 : vector<1x512x512xf32> to vector<512x512xf32>
    %swap3A_22 = vector.shape_cast %transpose3A : vector<512x512xf32> to vector<1x512x512xf32>
    tpu.vector_store %arg4[%swap3A, %swap3A_18, %swap3A_19], %swap3A_22 {strides = array<i32>} : memref<1x512x512xf32, #tpu.memory_space<vmem>>, vector<1x512x512xf32>,
    return
  }
  func.func @transform_0(%arg0: i32, %arg1: i32) -> (i32, i32) {
    %mul3A = arith.constant 4 : i32
    %mul3A_0 = arith.muli %arg0, %mul3A : i32
    %add3A = arith.addi %mul3A_0, %arg1 : i32
    %c0_i32 = arith.constant 0 : i32
    %c0_i32_1 = arith.constant 0 : i32
    return %add3A, %c0_i32 : i32, i32
  }
  func.func @transform_1(%arg0: i32, %arg1: i32) -> (i32, i32) {
    %c0_i32 = arith.constant 0 : i32
    %c0_i32_0 = arith.constant 0 : i32
    %c0_i32_1 = arith.constant 0 : i32
    return %c0_i32, %c0_i32_0 : i32, i32
  }
  func.func @transform_2(%arg0: i32, %arg1: i32) -> (i32, i32, i32) {
    %c0_i32 = arith.constant 0 : i32
    %c0_i32_0 = arith.constant 0 : i32
    return %arg0, %c0_i32, %arg1 : i32, i32, i32
  }
}

</mosaic_0001>

<sc_bundles>
// kernel: kernel.18.cloned.1.call-start
scs
__scs_entry_jumppad:
0x0: {  	(pc) =	sbr.rel $0x88, $3  }
0x1: {  	(tag) =	ssettag $0x0;
	lr =	simm.s32 $0x1  }
0x2: {  	[smem:$0x3F8E] =	sst lr;
	_ =	strace $0xD0000000  }
0x3: {  	_ = 	snop  }
0x4: {  	_ = 	snop  }
0x5: {  	_ = 	snop  }
0x6: {  	_ = 	snop  }
0x7: {  	_ = 	snop  }
__scs_overlays_trampoline_lowered:
0x8: {  	[smem:$0x3F9D] =	sst s0  }
0x9: {  	[smem:$0x3F9E] =	sst s1  }
0xa: {  	[smem:$0x3F9F] =	sst s2  }
0xb: {  	[smem:$0x3FA0] =	sst s3  }
0xc: {  	[smem:$0x3FA1] =	sst s4  }
0xd: {  	[smem:$0x3FA2] =	sst s5  }
0xe: {  	[smem:$0x3FA3] =	sst s6  }
0xf: {  	[smem:$0x3FA4] =	sst s7  }
0x10: {  	[smem:$0x3FA5] =	sst s8  }
0x11: {  	[smem:$0x3FA6] =	sst s9;
	s0 =	simm.s32 @!p0 $0x0  }
0x12: {  	s1 =	sld [smem:$0x3F8C];
	s0 =	simm.s32 @p0 $0x1  }
0x13: {  	[smem:$0x3FA7] =	sst s0;
	s0 =	simm.s32 @!p1 $0x0  }
0x14: {  	s2 =	sld [smem:$0x3F8B];
	s0 =	simm.s32 @p1 $0x1  }
0x15: {  	[smem:$0x3FA8] =	sst s0;
	s0 =	simm.s32 @!p2 $0x0  }
0x16: {  	s3 =	sld [smem:$0x3FDB];
	s0 =	simm.s32 @p2 $0x1  }
0x17: {  	s4 =	simm.s32 $0x1BF5;
	[smem:$0x3FAA] =	sst s0  }
0x18: {  	s0 =	sld [smem:$0x3F8D];
	_ =	swait.ge [sflag:s4], $0x0  }
0x19: {  	s7 =	sld [smem:$0x3F8E]  }
0x1a: {  	s8 =	sadd.s32 $0xFFFFE003, lr  }
0x1b: {  	s9 =	sadd.s32 $0xFFFFFEF7, lr;
	s5 =	simm.s32 $0xFFFFFFFF;
	p2 =	slt.u32 s8, $0xFFFFF086  }
0x1c: {  	p1 =	slt.u32 s9, $0xF7A;
	s5 =	simm.s32 @!p2 $0x0  }
0x1d: {  	s5 =	simm.s32 @p1 $0x1;
	p0 =	seq.s32 s7, s2  }
0x1e: {  	s7 =	smul.u32 @!p0 $0xF7A, s2;
	p2 =	seq.s32 @!p0 s5, $0x0  }
0x1f: {  	s9 =	smul.u32 $0xF7A, s1;
	s8 =	simm.s32 @!p0 $0x1BF5;
	p2 =	por !p2, p0  }
0x20: {  	[sflag:s8] =	ssyncset.s32 @!p0 $0xFFFFF086;
	s6 =	sadd.s32 @!p0 s3, s7;
	s7 =	simm.s32 @!p0 $0x108  }
0x21: {  	s3 =	sadd.s32 s3, s9;
	s6 =	sadd.s32 @!p0 $0x88, s6;
	s7 =	simm.s32 @p2 $0x1082  }
0x22: {  	[simem:s7], [sflag:s8] =	dma.local @!p0 [hbm:s6], $0xF7A  }
0x23: {  	s9 =	sor.u32 $0xD0000000, s2;
	s6 =	simm.s32 $0x108;
	_ =	swait.ge @!p0 [sflag:s8], $0x0  }
0x24: {  	s3 =	sadd.s32 $0x88, s3;
	s6 =	simm.s32 @!p1 $0x1082;
	[sflag:s4] =	ssyncset.s32 $0xFFFFF086  }
0x25: {  	[simem:s6], [sflag:s4] =	dma.local [hbm:s3], $0xF7A  }
0x26: {  	[smem:$0x3F8E] =	sst s1;
	(tag) =	ssettag s2;
	_ =	strace s9  }
0x27: {  	s1 =	sld [smem:$0x3F9E]  }
0x28: {  	s2 =	sld [smem:$0x3F9F]  }
0x29: {  	s4 =	sld [smem:$0x3FA1]  }
0x2a: {  	p0 =	seq.s32 s5, $0x0;
	s5 =	sld [smem:$0x3FA2]  }
0x2b: {  	s6 =	sld [smem:$0x3FA3]  }
0x2c: {  	s7 =	sld [smem:$0x3FA4]  }
0x2d: {  	s3 =	simm.s32 $0x108;
	s8 =	sld [smem:$0x3FA5]  }
0x2e: {  	s3 =	simm.s32 @!p0 $0x1082;
	s9 =	sld [smem:$0x3FA6]  }
0x2f: {  	lr =	sadd.s32 s0, s3;
	s0 =	sld [smem:$0x3F9D]  }
0x30: {  	s3 =	sld [smem:$0x3FA0]  }
0x31: {  	[smem:$0x3FA9] =	sst s10  }
0x32: {  	s10 =	sld [smem:$0x3FA7];
	_ =	sdelay $0x3  }
0x33: {  	p0 =	seq.s32 s10, $0x1;
	s10 =	sld [smem:$0x3FA9];
	_ =	sdelay $0x3  }
0x34: {  	[smem:$0x3FA9] =	sst s10  }
0x35: {  	s10 =	sld [smem:$0x3FA8];
	_ =	sdelay $0x3  }
0x36: {  	p1 =	seq.s32 s10, $0x1;
	s10 =	sld [smem:$0x3FA9];
	_ =	sdelay $0x3  }
0x37: {  	[smem:$0x3FA9] =	sst s10  }
0x38: {  	s10 =	sld [smem:$0x3FAA]  }
0x39: {  	_ = 	snop;
	(pc) =	sbr.ind lr, $3  }
0x3a: {  	_ = 	snop  }
0x3b: {  	_ = 	snop  }
0x3c: {  	p2 =	seq.s32 s10, $0x1;
	s10 =	sld [smem:$0x3FA9]  }
0x3d: {  	_ =	shalt  }
0x3e: {  	_ =	shalt  }
0x3f: {  	_ =	shalt  }
0x40: {  	_ =	shalt  }
0x41: {  	_ =	shalt  }
0x42: {  	_ =	shalt  }
0x43: {  	_ =	shalt  }
0x44: {  	_ =	shalt  }
0x45: {  	_ =	shalt  }
0x46: {  	_ =	shalt  }
0x47: {  	_ =	shalt  }
0x48: {  	_ =	shalt  }
0x49: {  	_ =	shalt  }
0x4a: {  	_ =	shalt  }
0x4b: {  	_ =	shalt  }
0x4c: {  	_ =	shalt  }
0x4d: {  	_ =	shalt  }
0x4e: {  	_ =	shalt  }
0x4f: {  	_ =	shalt  }
0x50: {  	_ =	shalt  }
0x51: {  	_ =	shalt  }
0x52: {  	_ =	shalt  }
0x53: {  	_ =	shalt  }
0x54: {  	_ =	shalt  }
0x55: {  	_ =	shalt  }
0x56: {  	_ =	shalt  }
0x57: {  	_ =	shalt  }
0x58: {  	_ =	shalt  }
0x59: {  	_ =	shalt  }
0x5a: {  	_ =	shalt  }
0x5b: {  	_ =	shalt  }
0x5c: {  	_ =	shalt  }
0x5d: {  	_ =	shalt  }
0x5e: {  	_ =	shalt  }
0x5f: {  	_ =	shalt  }
0x60: {  	_ =	shalt  }
0x61: {  	_ =	shalt  }
0x62: {  	_ =	shalt  }
0x63: {  	_ =	shalt  }
0x64: {  	_ =	shalt  }
0x65: {  	_ =	shalt  }
0x66: {  	_ =	shalt  }
0x67: {  	_ =	shalt  }
0x68: {  	_ =	shalt  }
0x69: {  	_ =	shalt  }
0x6a: {  	_ =	shalt  }
0x6b: {  	_ =	shalt  }
0x6c: {  	_ =	shalt  }
0x6d: {  	_ =	shalt  }
0x6e: {  	_ =	shalt  }
0x6f: {  	_ =	shalt  }
0x70: {  	_ =	shalt  }
0x71: {  	_ =	shalt  }
0x72: {  	_ =	shalt  }
0x73: {  	_ =	shalt  }
0x74: {  	_ =	shalt  }
0x75: {  	_ =	shalt  }
0x76: {  	_ =	shalt  }
0x77: {  	_ =	shalt  }
0x78: {  	_ =	shalt  }
0x79: {  	_ =	shalt  }
0x7a: {  	_ =	shalt  }
0x7b: {  	_ =	shalt  }
0x7c: {  	_ =	shalt  }
0x7d: {  	_ =	shalt  }
0x7e: {  	_ =	shalt  }
0x7f: {  	_ =	shalt  }
0x80: {  	_ =	shalt  }
0x81: {  	_ =	shalt  }
0x82: {  	_ =	shalt  }
0x83: {  	_ =	shalt  }
0x84: {  	_ =	shalt  }
0x85: {  	_ =	shalt  }
0x86: {  	_ =	shalt  }
0x87: {  	_ =	shalt  }
.Lfunc_end0:
.L_simem_size_0:
called_computation_lowered:
.L_overlay_start_0:
0x88: {  	s2 =	sld [smem:$0x3FD9]  }
0x89: {  	s3 =	sld [smem:$0x3FFE];
	_ =	sdelay $0x1  }
0x8a: {  	s1 =	srdreg.scid  }
0x8b: {  	s0 =	sand.u32 $0x1, s1  }
0x8c: {  	s17 =	sshll.u32 s0, $0xA;
	s2 =	sadd.s32 s3, s2  }
0x8d: {  	s2 =	sadd.s32 s2, s17  }
0x8e: {  	[smem:$0x3FB5] =	sst s2  }
0x8f: {  	_ = 	snop  }
0x90: {  	s2 =	sld [smem:$0x3FD0];
	(tm) =	ssettm $0x1  }
0x91: {  	s18 =	sld [smem:$0x3FFB];
	_ =	sdelay $0x3  }
0x92: {  	_ =	strace s18  }
0x93: {  	s3 =	sld [smem:$0x3FFC];
	_ =	sdelay $0x3  }
0x94: {  	_ =	strace s3  }
0x95: {  	s3 =	sld [smem:$0x3FFD];
	_ =	sdelay $0x3  }
0x96: {  	_ =	strace s3  }
0x97: {  	_ =	strace $0x8FFFFFFF  }
0x98: {  	s19 =	sld [smem:$0x3FDB];
	_ =	sdelay $0x1  }
0x99: {  	s4 =	simm.s32 $_scs_section_size  }
0x9a: {  	s5 =	simm.s32 $_size__tile_overlayer_lowered;
	s6 =	simm.s32 $_tile_overlayer_lowered  }
0x9b: {  	s22 =	simm.s32 $0x1BFF;
	s21 =	sshll.u32 s6, $0x1;
	s3 =	sadd.s32 s4, s19  }
0x9c: {  	s7 =	simm.s32 $0x0;
	s20 =	sshll.u32 s5, $0x1;
	s5 =	sadd.s32 s21, s3  }
0x9d: {  	[timem:s7], [sflag:s22] =	dma.local [hbm:s5], s20  }
0x9e: {  	_ =	swait.ge [sflag:s22], s20  }
0x9f: {  	s4 =	ssub.s32 $0x0, s20;
	[sflag:s22] =	ssyncset.done $0x0  }
0xa0: {  	[sflag:s22] =	ssyncadd.s32 s4;
	_ =	sdelay $0x1  }
0xa1: {  	s23 =	simm.s32 $0x1B8B  }
0xa2: {  	_ =	swait.ge [sflag:s23], $0x1  }
0xa3: {  	[sflag:s23] =	ssyncset.done $0x0  }
0xa4: {  	s25 =	simm.s32 $0x1B8E;
	s24 =	sld [smem:$0x3FFE];
	[sflag:s23] =	ssyncadd.s32 $0xFFFFFFFF  }
0xa5: {  	s26 =	simm.s32 $execute0_lowered;
	[smem:$0x3FD2] =	sst s25  }
0xa6: {  	s5 =	sshll.u32 s26, $0x1;
	_ =	strace $0x80000046;
	[dreg:$0x1] =	wrdreg $0xFFFFFFFF  }
0xa7: {  	s28 =	simm.s32 $_size_execute0_lowered;
	s3 =	sadd.s32 s3, s5;
	[dreg:$0x0] =	wrdreg $0x0  }
0xa8: {  	s5 =	sshll.u32 s28, $0x1;
	[dreg:$0x2] =	wrdreg s3  }
0xa9: {  	[dreg:$0x3] =	wrdreg s5  }
0xaa: {  	[dreg:$0x4] =	wrdreg $0xC0  }
0xab: {  	_ =	task [dreg:s7], $0x5FFFF  }
0xac: {  	[dreg:$0x1] =	wrdreg $0xFFFFFFFF  }
0xad: {  	[dreg:$0x0] =	wrdreg $0x60  }
0xae: {  	[dreg:$0x2] =	wrdreg s2  }
0xaf: {  	[dreg:$0x3] =	wrdreg s24  }
0xb0: {  	[dreg:$0x4] =	wrdreg $0x9  }
0xb1: {  	_ =	task.clear_ibuf [dreg:s7], $0x5FFFF;
	_ =	strace $0x90000046  }
0xb2: {  	s29 =	simm.s32 $0x9;
	_ =	strace $0x80000048  }
0xb3: {  	_ =	swait.ge [sflag:s29], $0x1  }
0xb4: {  	[sflag:s29] =	ssyncadd.s32 $0xFFFFFFFF  }
0xb5: {  	_ =	strace $0x90000048  }
0xb6: {  	_ =	sfence  }
0xb7: {  	s30 =	sld [smem:$0x0];
	_ =	sdelay $0x2  }
0xb8: {  	s31 =	sshll.u32 s1, $0xD;
	s1 =	sshrl.u32 s1, $0x2  }
0xb9: {  	s3 =	sand.u32 $0x4000, s31;
	s1 =	sadd.s32 s1, s30  }
0xba: {  	s0 =	sor.u32 s3, s0;
	s1 =	sshll.u32 s1, $0x11  }
0xbb: {  	s0 =	sor.u32 s1, s0  }
0xbc: {  	s0 =	sadd.s32 $0x8F2B, s0  }
0xbd: {  	[sflag:s0] =	ssyncadd.remote.s32 $0x1  }
0xbe: {  	_ =	sfence.sel $0xFFFF  }
0xbf: {  	[dreg:$0x0] =	wrdreg $0xFFFFFFFF;
	(pc) =	sbr.abs _section_cstart, $3  }
0xc0: {  	[dreg:$0x1] =	wrdreg $0xFFFFFFFF  }
0xc1: {  	_ =	task.clear_ibuf [dreg:s7], $0x2FFFF;
	_ =	strace $0x9FFFFFFF  }
0xc2: {  	(tm) =	ssettm $0x7FFFFFFF  }
0xc3: {  	_ =	shalt  }
tec
execute0_lowered:
.L_overlay_start_1:
0x0: {  	(tag) =	ssettag $0x1  }
0x1: {  	s2 =	rddreg [dreg:$0x0];
	s1 =	srdreg.scid  }
0x2: {  	s0 =	stileid.u32;
	s4 =	rddreg [dreg:$0x1];
	s3 =	simm.s32 $0x0  }
0x3: {  	s11 =	simm.s32 $0xA800;
	s12 =	simm.s32 $0xE800;
	s13 =	simm.s32 $0x1  }
0x4: {  	s14 =	simm.s32 $0x2;
	s15 =	simm.s32 $0x3;
	s16 =	simm.s32 $0x4  }
0x5: {  	s17 =	simm.s32 $0x0;
	s5 =	sand.u32 $0x1, s1;
	s1 =	rddreg [dreg:$0x2]  }
0x6: {  	s6 =	sshll.u32 s0, $0x1;
	[smem:$0x7FF] =	sst s3;
	s7 =	smul.u32 $0x50000, s0  }
0x7: {  	s6 =	sor.u32 s5, s6;
	s8 =	ssub.s32 $0x2, s5;
	s10 =	smul.u32 $0x28000, s5  }
0x8: {  	_ =	strace $0x80000047;
	s6 =	smul.u32 $0x2800, s6;
	s9 =	sshrl.u32 s8, $0x1  }
0x9: {  	s30 =	sadd.s32 s7, s4;
	s7 =	simm.s32 $0x5;
	s31 =	ssub.s32 s8, s9  }
0xa: {  	s8 =	simm.s32 $0x80;
	s9 =	simm.s32 $0x2800;
	s6 =	sshrl.u32 s6, $0x3  }
0xb: {  	s5 =	smax.u32 s31, $0x1;
	s29 =	sadd.s32 s6, s4;
	s6 =	sadd.s32 s10, s30  }
0xc: {  	s10 =	simm.s32 $0x6800;
	s4 =	sadd.s32 $0x7600, s29;
	s6 =	sadd.s32 $0x12E00, s6  }
.LBB2_1:
0xd: {  	[tilespmem:s3], [sflag:$0x5] =	stream.linear.gather [hbm4b:s4+s3], $0x2800, $0x38;
	[tilespmem:$0x12800] =	vst v63  }
0xe: {  	_ =	swait.ge [sflag:s7], $0x2800  }
0xf: {  	[sflag:s7] =	ssyncset.done $0x0  }
0x10: {  	s18 =	simm.s32 $0x0;
	[sflag:s7] =	ssyncadd.s32 $0xFFFFD800  }
0x11: {  	[tilespmem:s9], [sflag:$0x1] =	stream.indirect.gather [hbm4b:s2+s8], $0x80, s18, s8, $0xb8;
	[tilespmem:$0x12800] =	vst v63  }
0x12: {  	s25 =	simm.s32 $0x80  }
0x13: {  	[tilespmem:s10], [sflag:$0x2] =	stream.indirect.gather [hbm4b:s2+s8], $0x80, s25, s8, $0xb8;
	[tilespmem:$0x12800] =	vst v63  }
0x14: {  	s26 =	simm.s32 $0x100  }
0x15: {  	[tilespmem:s11], [sflag:$0x3] =	stream.indirect.gather [hbm4b:s2+s8], $0x80, s26, s8, $0xb8;
	[tilespmem:$0x12800] =	vst v63  }
0x16: {  	s28 =	simm.s32 $0x180  }
0x17: {  	[tilespmem:s12], [sflag:$0x4] =	stream.indirect.gather [hbm4b:s2+s8], $0x80, s28, s8, $0xb8;
	[tilespmem:$0x12800] =	vst v63  }
0x18: {  	_ =	swait.ge [sflag:s13], $0x4000  }
0x19: {  	[sflag:s13] =	ssyncset.done $0x0  }
0x1a: {  	s29 =	sadd.s32 $0xFFFFE800, s6;
	[sflag:s13] =	ssyncadd.s32 $0xFFFFC000  }
0x1b: {  	[hbm4b:s29+s3] =	stream.linear.scatter [tilespmem:s9], [sflag:$0x5], $0x4000, $0x38;
	[tilespmem:$0x12800] =	vst v63  }
0x1c: {  	_ =	swait.ge [sflag:s7], $0x4000  }
0x1d: {  	[sflag:s7] =	ssyncset.done $0x0  }
0x1e: {  	[sflag:s7] =	ssyncadd.s32 $0xFFFFC000  }
0x1f: {  	_ =	swait.ge [sflag:s14], $0x4000  }
0x20: {  	[sflag:s14] =	ssyncset.done $0x0  }
0x21: {  	s30 =	sadd.s32 $0xFFFFF000, s6;
	[sflag:s14] =	ssyncadd.s32 $0xFFFFC000  }
0x22: {  	[hbm4b:s30+s3] =	stream.linear.scatter [tilespmem:s10], [sflag:$0x5], $0x4000, $0x38;
	[tilespmem:$0x12800] =	vst v63  }
0x23: {  	_ =	swait.ge [sflag:s7], $0x4000  }
0x24: {  	[sflag:s7] =	ssyncset.done $0x0  }
0x25: {  	[sflag:s7] =	ssyncadd.s32 $0xFFFFC000  }
0x26: {  	_ =	swait.ge [sflag:s15], $0x4000  }
0x27: {  	[sflag:s15] =	ssyncset.done $0x0  }
0x28: {  	s31 =	sadd.s32 $0xFFFFF800, s6;
	[sflag:s15] =	ssyncadd.s32 $0xFFFFC000  }
0x29: {  	[hbm4b:s31+s3] =	stream.linear.scatter [tilespmem:s11], [sflag:$0x5], $0x4000, $0x38;
	[tilespmem:$0x12800] =	vst v63  }
0x2a: {  	_ =	swait.ge [sflag:s7], $0x4000  }
0x2b: {  	[sflag:s7] =	ssyncset.done $0x0  }
0x2c: {  	[sflag:s7] =	ssyncadd.s32 $0xFFFFC000  }
0x2d: {  	_ =	swait.ge [sflag:s16], $0x4000  }
0x2e: {  	[sflag:s16] =	ssyncset.done $0x0  }
0x2f: {  	[sflag:s16] =	ssyncadd.s32 $0xFFFFC000  }
0x30: {  	[hbm4b:s6+s3] =	stream.linear.scatter [tilespmem:s12], [sflag:$0x5], $0x4000, $0x38;
	[tilespmem:$0x12800] =	vst v63  }
0x31: {  	s19 =	simm.s32 $0x800;
	_ =	swait.ge [sflag:s7], $0x4000  }
0x32: {  	s21 =	simm.s32 $0x1000;
	s18 =	sadd.s32 $0x2000, s6;
	[sflag:s7] =	ssyncset.done $0x0  }
.LBB2_2:
0x33: {  	s22 =	sshra.s32 s19, $0x2  }
0x34: {  	[sflag:s7] =	ssyncadd.s32 $0xFFFFC000;
	s19 =	smov.u32 s21;
	s20 =	sadd.s32 $0x800, s21  }
0x35: {  	[tilespmem:s9], [sflag:$0x1] =	stream.indirect.gather [hbm4b:s2+s8], $0x80, s22, s8, $0xb8;
	[tilespmem:$0x12800] =	vst v63  }
0x36: {  	p0 =	sne.s32 s21, $0x9800;
	s21 =	sadd.s32 $0x80, s22  }
0x37: {  	[tilespmem:s10], [sflag:$0x2] =	stream.indirect.gather [hbm4b:s2+s8], $0x80, s21, s8, $0xb8;
	[tilespmem:$0x12800] =	vst v63  }
0x38: {  	s21 =	sadd.s32 $0x100, s22  }
0x39: {  	[tilespmem:s11], [sflag:$0x3] =	stream.indirect.gather [hbm4b:s2+s8], $0x80, s21, s8, $0xb8;
	[tilespmem:$0x12800] =	vst v63  }
0x3a: {  	s21 =	sadd.s32 $0x180, s22  }
0x3b: {  	[tilespmem:s12], [sflag:$0x4] =	stream.indirect.gather [hbm4b:s2+s8], $0x80, s21, s8, $0xb8;
	[tilespmem:$0x12800] =	vst v63  }
0x3c: {  	_ =	swait.ge [sflag:s13], $0x4000  }
0x3d: {  	[sflag:s13] =	ssyncset.done $0x0  }
0x3e: {  	s21 =	sadd.s32 $0xFFFFE800, s18;
	[sflag:s13] =	ssyncadd.s32 $0xFFFFC000  }
0x3f: {  	[hbm4b:s21+s3] =	stream.linear.scatter [tilespmem:s9], [sflag:$0x5], $0x4000, $0x38;
	[tilespmem:$0x12800] =	vst v63  }
0x40: {  	_ =	swait.ge [sflag:s7], $0x4000  }
0x41: {  	[sflag:s7] =	ssyncset.done $0x0  }
0x42: {  	[sflag:s7] =	ssyncadd.s32 $0xFFFFC000  }
0x43: {  	_ =	swait.ge [sflag:s14], $0x4000  }
0x44: {  	[sflag:s14] =	ssyncset.done $0x0  }
0x45: {  	s21 =	sadd.s32 $0xFFFFF000, s18;
	[sflag:s14] =	ssyncadd.s32 $0xFFFFC000  }
0x46: {  	[hbm4b:s21+s3] =	stream.linear.scatter [tilespmem:s10], [sflag:$0x5], $0x4000, $0x38;
	[tilespmem:$0x12800] =	vst v63  }
0x47: {  	_ =	swait.ge [sflag:s7], $0x4000  }
0x48: {  	[sflag:s7] =	ssyncset.done $0x0  }
0x49: {  	[sflag:s7] =	ssyncadd.s32 $0xFFFFC000  }
0x4a: {  	_ =	swait.ge [sflag:s15], $0x4000  }
0x4b: {  	[sflag:s15] =	ssyncset.done $0x0  }
0x4c: {  	s21 =	sadd.s32 $0xFFFFF800, s18;
	[sflag:s15] =	ssyncadd.s32 $0xFFFFC000  }
0x4d: {  	[hbm4b:s21+s3] =	stream.linear.scatter [tilespmem:s11], [sflag:$0x5], $0x4000, $0x38;
	[tilespmem:$0x12800] =	vst v63  }
0x4e: {  	_ =	swait.ge [sflag:s7], $0x4000  }
0x4f: {  	[sflag:s7] =	ssyncset.done $0x0  }
0x50: {  	[sflag:s7] =	ssyncadd.s32 $0xFFFFC000  }
0x51: {  	_ =	swait.ge [sflag:s16], $0x4000  }
.Ltmp0:
0x52: {  	[sflag:s16] =	ssyncset.done $0x0;
	(pc) =	sbr.rel @p0 .LBB2_2-.Ltmp0, $4  }
0x53: {  	[sflag:s16] =	ssyncadd.s32 $0xFFFFC000  }
0x54: {  	[hbm4b:s18+s3] =	stream.linear.scatter [tilespmem:s12], [sflag:$0x5], $0x4000, $0x38;
	[tilespmem:$0x12800] =	vst v63  }
0x55: {  	_ =	swait.ge [sflag:s7], $0x4000  }
0x56: {  	s21 =	smov.u32 s20;
	s18 =	sadd.s32 $0x2000, s18;
	[sflag:s7] =	ssyncset.done $0x0  }
0x57: {  	s19 =	sshra.s32 s19, $0x2;
	[sflag:s7] =	ssyncadd.s32 $0xFFFFC000  }
0x58: {  	[tilespmem:s9], [sflag:$0x1] =	stream.indirect.gather [hbm4b:s2+s8], $0x80, s19, s8, $0xb8;
	[tilespmem:$0x12800] =	vst v63  }
0x59: {  	s20 =	sadd.s32 $0x80, s19  }
0x5a: {  	[tilespmem:s10], [sflag:$0x2] =	stream.indirect.gather [hbm4b:s2+s8], $0x80, s20, s8, $0xb8;
	[tilespmem:$0x12800] =	vst v63  }
0x5b: {  	s28 =	sadd.s32 $0x100, s19  }
0x5c: {  	[tilespmem:s11], [sflag:$0x3] =	stream.indirect.gather [hbm4b:s2+s8], $0x80, s28, s8, $0xb8;
	[tilespmem:$0x12800] =	vst v63  }
0x5d: {  	s19 =	sadd.s32 $0x180, s19  }
0x5e: {  	[tilespmem:s12], [sflag:$0x4] =	stream.indirect.gather [hbm4b:s2+s8], $0x80, s19, s8, $0xb8;
	[tilespmem:$0x12800] =	vst v63  }
0x5f: {  	_ =	swait.ge [sflag:s13], $0x4000  }
0x60: {  	[sflag:s13] =	ssyncset.done $0x0  }
0x61: {  	s29 =	sadd.s32 $0xFFFFE800, s18;
	[sflag:s13] =	ssyncadd.s32 $0xFFFFC000  }
0x62: {  	[hbm4b:s29+s3] =	stream.linear.scatter [tilespmem:s9], [sflag:$0x5], $0x4000, $0x38;
	[tilespmem:$0x12800] =	vst v63  }
0x63: {  	_ =	swait.ge [sflag:s7], $0x4000  }
0x64: {  	[sflag:s7] =	ssyncset.done $0x0  }
0x65: {  	[sflag:s7] =	ssyncadd.s32 $0xFFFFC000  }
0x66: {  	_ =	swait.ge [sflag:s14], $0x4000  }
0x67: {  	[sflag:s14] =	ssyncset.done $0x0  }
0x68: {  	s30 =	sadd.s32 $0xFFFFF000, s18;
	[sflag:s14] =	ssyncadd.s32 $0xFFFFC000  }
0x69: {  	[hbm4b:s30+s3] =	stream.linear.scatter [tilespmem:s10], [sflag:$0x5], $0x4000, $0x38;
	[tilespmem:$0x12800] =	vst v63  }
0x6a: {  	_ =	swait.ge [sflag:s7], $0x4000  }
0x6b: {  	[sflag:s7] =	ssyncset.done $0x0  }
0x6c: {  	[sflag:s7] =	ssyncadd.s32 $0xFFFFC000  }
0x6d: {  	_ =	swait.ge [sflag:s15], $0x4000  }
0x6e: {  	[sflag:s15] =	ssyncset.done $0x0  }
0x6f: {  	s31 =	sadd.s32 $0xFFFFF800, s18;
	[sflag:s15] =	ssyncadd.s32 $0xFFFFC000  }
0x70: {  	[hbm4b:s31+s3] =	stream.linear.scatter [tilespmem:s11], [sflag:$0x5], $0x4000, $0x38;
	[tilespmem:$0x12800] =	vst v63  }
0x71: {  	_ =	swait.ge [sflag:s7], $0x4000  }
0x72: {  	[sflag:s7] =	ssyncset.done $0x0  }
0x73: {  	[sflag:s7] =	ssyncadd.s32 $0xFFFFC000  }
0x74: {  	s17 =	sadd.s32 $0x1, s17;
	_ =	swait.ge [sflag:s16], $0x4000  }
0x75: {  	p0 =	sne.s32 s17, s5;
	[sflag:s16] =	ssyncset.done $0x0  }
.Ltmp1:
0x76: {  	[sflag:s16] =	ssyncadd.s32 $0xFFFFC000;
	(pc) =	sbr.rel @p0 .LBB2_1-.Ltmp1, $4  }
0x77: {  	[hbm4b:s18+s3] =	stream.linear.scatter [tilespmem:s12], [sflag:$0x5], $0x4000, $0x38;
	[tilespmem:$0x12800] =	vst v63  }
0x78: {  	_ =	swait.ge [sflag:s7], $0x4000  }
0x79: {  	[sflag:s7] =	ssyncset.done $0x0  }
0x7a: {  	[sflag:s7] =	ssyncadd.s32 $0xFFFFC000  }
0x7b: {  	_ =	sfence.sel $0x180000  }
0x7c: {  	[bflag:$0x0] =	sbarrier.arrive $0xFFFF  }
0x7d: {  	p0 =	sne.s32 s0, $0x0;
	_ =	strace $0x90000047  }
0x7e: {  	s0 =	sadd.s32 @!p0 $0x100000, s1;
	[bflag:$0x2] =	sbarrier.arrive $0xFFFF  }
0x7f: {  	[sflag:s0] =	ssyncadd.tile.s32 @!p0 $0x1;
	_ =	shalt  }
.Lfunc_end2:
_tile_overlayer_lowered:
.L_overlay_start_2:
0x80: {  	(tag) =	ssettag $0x2  }
0x81: {  	s0 =	rddreg [dreg:$0x0];
	s2 =	stileid.u32  }
0x82: {  	s1 =	rddreg [dreg:$0x1];
	p0 =	sne.s32 s2, $0x0  }
0x83: {  	s3 =	rddreg [dreg:$0x2];
	[bflag:$0x3] =	sbarrier.arrive $0xFFFF;
	s2 =	simm.s32 @!p0 $0x1C05  }
0x84: {  	[timem:s3], [sflag:s2] =	dma.local @!p0 [hbm:s0], s1  }
0x85: {  	s0 =	simm.s32 @!p0 $0x5  }
0x86: {  	_ =	swait.ge @!p0 [sflag:s0], s1  }
0x87: {  	s1 =	ssub.s32 @!p0 $0x0, s1;
	[sflag:s0] =	ssyncset.done @!p0 $0x0  }
0x88: {  	[sflag:s0] =	ssyncadd.s32 @!p0 s1  }
0x89: {  	[bflag:$0x3] =	sbarrier.arrive $0xFFFF  }
0x8a: {  	_ =	shalt  }

// kernel: kernel.21.cloned.1.call-start
scs
__scs_entry_jumppad:
0x0: {  	(pc) =	sbr.rel $0x88, $3  }
0x1: {  	(tag) =	ssettag $0x0;
	lr =	simm.s32 $0x1  }
0x2: {  	[smem:$0x3F8E] =	sst lr;
	_ =	strace $0xD0000000  }
0x3: {  	_ = 	snop  }
0x4: {  	_ = 	snop  }
0x5: {  	_ = 	snop  }
0x6: {  	_ = 	snop  }
0x7: {  	_ = 	snop  }
__scs_overlays_trampoline_lowered:
0x8: {  	[smem:$0x3F9D] =	sst s0  }
0x9: {  	[smem:$0x3F9E] =	sst s1  }
0xa: {  	[smem:$0x3F9F] =	sst s2  }
0xb: {  	[smem:$0x3FA0] =	sst s3  }
0xc: {  	[smem:$0x3FA1] =	sst s4  }
0xd: {  	[smem:$0x3FA2] =	sst s5  }
0xe: {  	[smem:$0x3FA3] =	sst s6  }
0xf: {  	[smem:$0x3FA4] =	sst s7  }
0x10: {  	[smem:$0x3FA5] =	sst s8  }
0x11: {  	[smem:$0x3FA6] =	sst s9;
	s0 =	simm.s32 @!p0 $0x0  }
0x12: {  	s1 =	sld [smem:$0x3F8C];
	s0 =	simm.s32 @p0 $0x1  }
0x13: {  	[smem:$0x3FA7] =	sst s0;
	s0 =	simm.s32 @!p1 $0x0  }
0x14: {  	s2 =	sld [smem:$0x3F8B];
	s0 =	simm.s32 @p1 $0x1  }
0x15: {  	[smem:$0x3FA8] =	sst s0;
	s0 =	simm.s32 @!p2 $0x0  }
0x16: {  	s3 =	sld [smem:$0x3FDB];
	s0 =	simm.s32 @p2 $0x1  }
0x17: {  	s4 =	simm.s32 $0x1BF5;
	[smem:$0x3FAA] =	sst s0  }
0x18: {  	s0 =	sld [smem:$0x3F8D];
	_ =	swait.ge [sflag:s4], $0x0  }
0x19: {  	s7 =	sld [smem:$0x3F8E]  }
0x1a: {  	s8 =	sadd.s32 $0xFFFFE003, lr  }
0x1b: {  	s9 =	sadd.s32 $0xFFFFFEF7, lr;
	s5 =	simm.s32 $0xFFFFFFFF;
	p2 =	slt.u32 s8, $0xFFFFF086  }
0x1c: {  	p1 =	slt.u32 s9, $0xF7A;
	s5 =	simm.s32 @!p2 $0x0  }
0x1d: {  	s5 =	simm.s32 @p1 $0x1;
	p0 =	seq.s32 s7, s2  }
0x1e: {  	s7 =	smul.u32 @!p0 $0xF7A, s2;
	p2 =	seq.s32 @!p0 s5, $0x0  }
0x1f: {  	s9 =	smul.u32 $0xF7A, s1;
	s8 =	simm.s32 @!p0 $0x1BF5;
	p2 =	por !p2, p0  }
0x20: {  	[sflag:s8] =	ssyncset.s32 @!p0 $0xFFFFF086;
	s6 =	sadd.s32 @!p0 s3, s7;
	s7 =	simm.s32 @!p0 $0x108  }
0x21: {  	s3 =	sadd.s32 s3, s9;
	s6 =	sadd.s32 @!p0 $0x88, s6;
	s7 =	simm.s32 @p2 $0x1082  }
0x22: {  	[simem:s7], [sflag:s8] =	dma.local @!p0 [hbm:s6], $0xF7A  }
0x23: {  	s9 =	sor.u32 $0xD0000000, s2;
	s6 =	simm.s32 $0x108;
	_ =	swait.ge @!p0 [sflag:s8], $0x0  }
0x24: {  	s3 =	sadd.s32 $0x88, s3;
	s6 =	simm.s32 @!p1 $0x1082;
	[sflag:s4] =	ssyncset.s32 $0xFFFFF086  }
0x25: {  	[simem:s6], [sflag:s4] =	dma.local [hbm:s3], $0xF7A  }
0x26: {  	[smem:$0x3F8E] =	sst s1;
	(tag) =	ssettag s2;
	_ =	strace s9  }
0x27: {  	s1 =	sld [smem:$0x3F9E]  }
0x28: {  	s2 =	sld [smem:$0x3F9F]  }
0x29: {  	s4 =	sld [smem:$0x3FA1]  }
0x2a: {  	p0 =	seq.s32 s5, $0x0;
	s5 =	sld [smem:$0x3FA2]  }
0x2b: {  	s6 =	sld [smem:$0x3FA3]  }
0x2c: {  	s7 =	sld [smem:$0x3FA4]  }
0x2d: {  	s3 =	simm.s32 $0x108;
	s8 =	sld [smem:$0x3FA5]  }
0x2e: {  	s3 =	simm.s32 @!p0 $0x1082;
	s9 =	sld [smem:$0x3FA6]  }
0x2f: {  	lr =	sadd.s32 s0, s3;
	s0 =	sld [smem:$0x3F9D]  }
0x30: {  	s3 =	sld [smem:$0x3FA0]  }
0x31: {  	[smem:$0x3FA9] =	sst s10  }
0x32: {  	s10 =	sld [smem:$0x3FA7];
	_ =	sdelay $0x3  }
0x33: {  	p0 =	seq.s32 s10, $0x1;
	s10 =	sld [smem:$0x3FA9];
	_ =	sdelay $0x3  }
0x34: {  	[smem:$0x3FA9] =	sst s10  }
0x35: {  	s10 =	sld [smem:$0x3FA8];
	_ =	sdelay $0x3  }
0x36: {  	p1 =	seq.s32 s10, $0x1;
	s10 =	sld [smem:$0x3FA9];
	_ =	sdelay $0x3  }
0x37: {  	[smem:$0x3FA9] =	sst s10  }
0x38: {  	s10 =	sld [smem:$0x3FAA]  }
0x39: {  	_ = 	snop;
	(pc) =	sbr.ind lr, $3  }
0x3a: {  	_ = 	snop  }
0x3b: {  	_ = 	snop  }
0x3c: {  	p2 =	seq.s32 s10, $0x1;
	s10 =	sld [smem:$0x3FA9]  }
0x3d: {  	_ =	shalt  }
0x3e: {  	_ =	shalt  }
0x3f: {  	_ =	shalt  }
0x40: {  	_ =	shalt  }
0x41: {  	_ =	shalt  }
0x42: {  	_ =	shalt  }
0x43: {  	_ =	shalt  }
0x44: {  	_ =	shalt  }
0x45: {  	_ =	shalt  }
0x46: {  	_ =	shalt  }
0x47: {  	_ =	shalt  }
0x48: {  	_ =	shalt  }
0x49: {  	_ =	shalt  }
0x4a: {  	_ =	shalt  }
0x4b: {  	_ =	shalt  }
0x4c: {  	_ =	shalt  }
0x4d: {  	_ =	shalt  }
0x4e: {  	_ =	shalt  }
0x4f: {  	_ =	shalt  }
0x50: {  	_ =	shalt  }
0x51: {  	_ =	shalt  }
0x52: {  	_ =	shalt  }
0x53: {  	_ =	shalt  }
0x54: {  	_ =	shalt  }
0x55: {  	_ =	shalt  }
0x56: {  	_ =	shalt  }
0x57: {  	_ =	shalt  }
0x58: {  	_ =	shalt  }
0x59: {  	_ =	shalt  }
0x5a: {  	_ =	shalt  }
0x5b: {  	_ =	shalt  }
0x5c: {  	_ =	shalt  }
0x5d: {  	_ =	shalt  }
0x5e: {  	_ =	shalt  }
0x5f: {  	_ =	shalt  }
0x60: {  	_ =	shalt  }
0x61: {  	_ =	shalt  }
0x62: {  	_ =	shalt  }
0x63: {  	_ =	shalt  }
0x64: {  	_ =	shalt  }
0x65: {  	_ =	shalt  }
0x66: {  	_ =	shalt  }
0x67: {  	_ =	shalt  }
0x68: {  	_ =	shalt  }
0x69: {  	_ =	shalt  }
0x6a: {  	_ =	shalt  }
0x6b: {  	_ =	shalt  }
0x6c: {  	_ =	shalt  }
0x6d: {  	_ =	shalt  }
0x6e: {  	_ =	shalt  }
0x6f: {  	_ =	shalt  }
0x70: {  	_ =	shalt  }
0x71: {  	_ =	shalt  }
0x72: {  	_ =	shalt  }
0x73: {  	_ =	shalt  }
0x74: {  	_ =	shalt  }
0x75: {  	_ =	shalt  }
0x76: {  	_ =	shalt  }
0x77: {  	_ =	shalt  }
0x78: {  	_ =	shalt  }
0x79: {  	_ =	shalt  }
0x7a: {  	_ =	shalt  }
0x7b: {  	_ =	shalt  }
0x7c: {  	_ =	shalt  }
0x7d: {  	_ =	shalt  }
0x7e: {  	_ =	shalt  }
0x7f: {  	_ =	shalt  }
0x80: {  	_ =	shalt  }
0x81: {  	_ =	shalt  }
0x82: {  	_ =	shalt  }
0x83: {  	_ =	shalt  }
0x84: {  	_ =	shalt  }
0x85: {  	_ =	shalt  }
0x86: {  	_ =	shalt  }
0x87: {  	_ =	shalt  }
.Lfunc_end0:
.L_simem_size_0:
called_computation.1_lowered:
.L_overlay_start_0:
0x88: {  	s2 =	sld [smem:$0x3FD9]  }
0x89: {  	s3 =	sld [smem:$0x3FFE];
	_ =	sdelay $0x1  }
0x8a: {  	s1 =	srdreg.scid  }
0x8b: {  	s0 =	sand.u32 $0x1, s1  }
0x8c: {  	s16 =	sshll.u32 s0, $0xA;
	s2 =	sadd.s32 s3, s2  }
0x8d: {  	s2 =	sadd.s32 s2, s16  }
0x8e: {  	[smem:$0x3FB5] =	sst s2  }
0x8f: {  	_ = 	snop  }
0x90: {  	(tm) =	ssettm $0x1  }
0x91: {  	s17 =	sld [smem:$0x3FFB];
	_ =	sdelay $0x3  }
0x92: {  	_ =	strace s17  }
0x93: {  	s2 =	sld [smem:$0x3FFC];
	_ =	sdelay $0x3  }
0x94: {  	_ =	strace s2  }
0x95: {  	s2 =	sld [smem:$0x3FFD];
	_ =	sdelay $0x3  }
0x96: {  	_ =	strace s2  }
0x97: {  	_ =	strace $0x8FFFFFFF  }
0x98: {  	s18 =	sld [smem:$0x3FDB];
	_ =	sdelay $0x1  }
0x99: {  	s19 =	simm.s32 $_scs_section_size  }
0x9a: {  	s4 =	simm.s32 $_size__tile_overlayer_lowered;
	s5 =	simm.s32 $_tile_overlayer_lowered  }
0x9b: {  	s22 =	simm.s32 $0x1BFF;
	s21 =	sshll.u32 s5, $0x1;
	s2 =	sadd.s32 s19, s18  }
0x9c: {  	s6 =	simm.s32 $0x0;
	s20 =	sshll.u32 s4, $0x1;
	s4 =	sadd.s32 s21, s2  }
0x9d: {  	[timem:s6], [sflag:s22] =	dma.local [hbm:s4], s20  }
0x9e: {  	_ =	swait.ge [sflag:s22], s20  }
0x9f: {  	s3 =	ssub.s32 $0x0, s20;
	[sflag:s22] =	ssyncset.done $0x0  }
0xa0: {  	[sflag:s22] =	ssyncadd.s32 s3;
	_ =	sdelay $0x1  }
0xa1: {  	s23 =	simm.s32 $0x1B8B  }
0xa2: {  	_ =	swait.ge [sflag:s23], $0x1  }
0xa3: {  	[sflag:s23] =	ssyncset.done $0x0  }
0xa4: {  	s25 =	simm.s32 $0x1B8E;
	s24 =	sld [smem:$0x3FFE];
	[sflag:s23] =	ssyncadd.s32 $0xFFFFFFFF  }
0xa5: {  	s26 =	simm.s32 $execute0_lowered;
	[smem:$0x3FD2] =	sst s25  }
0xa6: {  	s4 =	sshll.u32 s26, $0x1;
	_ =	strace $0x80000049;
	[dreg:$0x1] =	wrdreg $0xFFFFFFFF  }
0xa7: {  	s28 =	simm.s32 $_size_execute0_lowered;
	s2 =	sadd.s32 s2, s4;
	[dreg:$0x0] =	wrdreg $0x0  }
0xa8: {  	s4 =	sshll.u32 s28, $0x1;
	[dreg:$0x2] =	wrdreg s2  }
0xa9: {  	[dreg:$0x3] =	wrdreg s4  }
0xaa: {  	[dreg:$0x4] =	wrdreg $0xC0  }
0xab: {  	_ =	task [dreg:s6], $0x5FFFF  }
0xac: {  	[dreg:$0x1] =	wrdreg $0xFFFFFFFF  }
0xad: {  	[dreg:$0x0] =	wrdreg $0x60  }
0xae: {  	[dreg:$0x2] =	wrdreg s24  }
0xaf: {  	[dreg:$0x3] =	wrdreg $0x9  }
0xb0: {  	_ =	task.clear_ibuf [dreg:s6], $0x4FFFF;
	_ =	strace $0x90000049  }
0xb1: {  	s29 =	simm.s32 $0x9;
	_ =	strace $0x8000004B  }
0xb2: {  	_ =	swait.ge [sflag:s29], $0x1  }
0xb3: {  	[sflag:s29] =	ssyncadd.s32 $0xFFFFFFFF  }
0xb4: {  	_ =	strace $0x9000004B  }
0xb5: {  	_ =	sfence  }
0xb6: {  	s30 =	sld [smem:$0x0];
	_ =	sdelay $0x2  }
0xb7: {  	s31 =	sshll.u32 s1, $0xD;
	s1 =	sshrl.u32 s1, $0x2  }
0xb8: {  	s3 =	sand.u32 $0x4000, s31;
	s1 =	sadd.s32 s1, s30  }
0xb9: {  	s0 =	sor.u32 s3, s0;
	s1 =	sshll.u32 s1, $0x11  }
0xba: {  	s0 =	sor.u32 s1, s0  }
0xbb: {  	s0 =	sadd.s32 $0x8F2B, s0  }
0xbc: {  	[sflag:s0] =	ssyncadd.remote.s32 $0x1  }
0xbd: {  	_ =	sfence.sel $0xFFFF  }
0xbe: {  	[dreg:$0x0] =	wrdreg $0xFFFFFFFF;
	(pc) =	sbr.abs _section_cstart, $3  }
0xbf: {  	[dreg:$0x1] =	wrdreg $0xFFFFFFFF  }
0xc0: {  	_ =	task.clear_ibuf [dreg:s6], $0x2FFFF;
	_ =	strace $0x9FFFFFFF  }
0xc1: {  	(tm) =	ssettm $0x7FFFFFFF  }
tec
execute0_lowered:
.L_overlay_start_1:
0x0: {  	(tag) =	ssettag $0x1  }
0x1: {  	s4 =	rddreg [dreg:$0x0]  }
0x2: {  	s0 =	rddreg [dreg:$0x1]  }
0x3: {  	s3 =	srdreg.scid;
	s1 =	stileid.u32;
	s2 =	simm.s32 $0x0  }
0x4: {  	s11 =	simm.s32 $0xA800;
	s12 =	simm.s32 $0xE800;
	s13 =	simm.s32 $0x1  }
0x5: {  	s14 =	simm.s32 $0x2;
	s15 =	simm.s32 $0x3;
	s16 =	simm.s32 $0x4  }
0x6: {  	s17 =	simm.s32 $0x0;
	s5 =	sand.u32 $0x1, s3;
	s28 =	sshll.u32 s1, $0x1  }
0x7: {  	[smem:$0x7FF] =	sst s2;
	s7 =	smul.u32 $0x50000, s1;
	s3 =	sor.u32 s5, s28  }
0x8: {  	_ =	strace $0x8000004A;
	s8 =	ssub.s32 $0x2, s5;
	s10 =	smul.u32 $0x28000, s5  }
0x9: {  	s6 =	smul.u32 $0x2800, s3;
	s3 =	sadd.s32 $0x7800, s4;
	s9 =	sshrl.u32 s8, $0x1  }
0xa: {  	s30 =	sadd.s32 s7, s4;
	s7 =	simm.s32 $0x5;
	s31 =	ssub.s32 s8, s9  }
0xb: {  	s8 =	simm.s32 $0x80;
	s9 =	simm.s32 $0x2800;
	s6 =	sshrl.u32 s6, $0x3  }
0xc: {  	s5 =	smax.u32 s31, $0x1;
	s29 =	sadd.s32 s6, s4;
	s6 =	sadd.s32 s10, s30  }
0xd: {  	s10 =	simm.s32 $0x6800;
	s4 =	sadd.s32 $0x47800, s29;
	s6 =	sadd.s32 $0x513000, s6  }
.LBB2_1:
0xe: {  	[tilespmem:s2], [sflag:$0x5] =	stream.linear.gather [hbm4b:s4+s2], $0x2800, $0x38;
	[tilespmem:$0x12800] =	vst v63  }
0xf: {  	_ =	swait.ge [sflag:s7], $0x2800  }
0x10: {  	[sflag:s7] =	ssyncset.done $0x0  }
0x11: {  	s18 =	simm.s32 $0x0;
	[sflag:s7] =	ssyncadd.s32 $0xFFFFD800  }
0x12: {  	[tilespmem:s9], [sflag:$0x1] =	stream.indirect.gather [hbm4b:s3+s8], $0x80, s18, s8, $0xb8;
	[tilespmem:$0x12800] =	vst v63  }
0x13: {  	s25 =	simm.s32 $0x80  }
0x14: {  	[tilespmem:s10], [sflag:$0x2] =	stream.indirect.gather [hbm4b:s3+s8], $0x80, s25, s8, $0xb8;
	[tilespmem:$0x12800] =	vst v63  }
0x15: {  	s26 =	simm.s32 $0x100  }
0x16: {  	[tilespmem:s11], [sflag:$0x3] =	stream.indirect.gather [hbm4b:s3+s8], $0x80, s26, s8, $0xb8;
	[tilespmem:$0x12800] =	vst v63  }
0x17: {  	s28 =	simm.s32 $0x180  }
0x18: {  	[tilespmem:s12], [sflag:$0x4] =	stream.indirect.gather [hbm4b:s3+s8], $0x80, s28, s8, $0xb8;
	[tilespmem:$0x12800] =	vst v63  }
0x19: {  	_ =	swait.ge [sflag:s13], $0x4000  }
0x1a: {  	[sflag:s13] =	ssyncset.done $0x0  }
0x1b: {  	s29 =	sadd.s32 $0xFFFFE800, s6;
	[sflag:s13] =	ssyncadd.s32 $0xFFFFC000  }
0x1c: {  	[hbm4b:s29+s2] =	stream.linear.scatter [tilespmem:s9], [sflag:$0x5], $0x4000, $0x38;
	[tilespmem:$0x12800] =	vst v63  }
0x1d: {  	_ =	swait.ge [sflag:s7], $0x4000  }
0x1e: {  	[sflag:s7] =	ssyncset.done $0x0  }
0x1f: {  	[sflag:s7] =	ssyncadd.s32 $0xFFFFC000  }
0x20: {  	_ =	swait.ge [sflag:s14], $0x4000  }
0x21: {  	[sflag:s14] =	ssyncset.done $0x0  }
0x22: {  	s30 =	sadd.s32 $0xFFFFF000, s6;
	[sflag:s14] =	ssyncadd.s32 $0xFFFFC000  }
0x23: {  	[hbm4b:s30+s2] =	stream.linear.scatter [tilespmem:s10], [sflag:$0x5], $0x4000, $0x38;
	[tilespmem:$0x12800] =	vst v63  }
0x24: {  	_ =	swait.ge [sflag:s7], $0x4000  }
0x25: {  	[sflag:s7] =	ssyncset.done $0x0  }
0x26: {  	[sflag:s7] =	ssyncadd.s32 $0xFFFFC000  }
0x27: {  	_ =	swait.ge [sflag:s15], $0x4000  }
0x28: {  	[sflag:s15] =	ssyncset.done $0x0  }
0x29: {  	s31 =	sadd.s32 $0xFFFFF800, s6;
	[sflag:s15] =	ssyncadd.s32 $0xFFFFC000  }
0x2a: {  	[hbm4b:s31+s2] =	stream.linear.scatter [tilespmem:s11], [sflag:$0x5], $0x4000, $0x38;
	[tilespmem:$0x12800] =	vst v63  }
0x2b: {  	_ =	swait.ge [sflag:s7], $0x4000  }
0x2c: {  	[sflag:s7] =	ssyncset.done $0x0  }
0x2d: {  	[sflag:s7] =	ssyncadd.s32 $0xFFFFC000  }
0x2e: {  	_ =	swait.ge [sflag:s16], $0x4000  }
0x2f: {  	[sflag:s16] =	ssyncset.done $0x0  }
0x30: {  	[sflag:s16] =	ssyncadd.s32 $0xFFFFC000  }
0x31: {  	[hbm4b:s6+s2] =	stream.linear.scatter [tilespmem:s12], [sflag:$0x5], $0x4000, $0x38;
	[tilespmem:$0x12800] =	vst v63  }
0x32: {  	s19 =	simm.s32 $0x800;
	_ =	swait.ge [sflag:s7], $0x4000  }
0x33: {  	s21 =	simm.s32 $0x1000;
	s18 =	sadd.s32 $0x2000, s6;
	[sflag:s7] =	ssyncset.done $0x0  }
.LBB2_2:
0x34: {  	s22 =	sshra.s32 s19, $0x2  }
0x35: {  	[sflag:s7] =	ssyncadd.s32 $0xFFFFC000;
	s19 =	smov.u32 s21;
	s20 =	sadd.s32 $0x800, s21  }
0x36: {  	[tilespmem:s9], [sflag:$0x1] =	stream.indirect.gather [hbm4b:s3+s8], $0x80, s22, s8, $0xb8;
	[tilespmem:$0x12800] =	vst v63  }
0x37: {  	p0 =	sne.s32 s21, $0x9800;
	s21 =	sadd.s32 $0x80, s22  }
0x38: {  	[tilespmem:s10], [sflag:$0x2] =	stream.indirect.gather [hbm4b:s3+s8], $0x80, s21, s8, $0xb8;
	[tilespmem:$0x12800] =	vst v63  }
0x39: {  	s21 =	sadd.s32 $0x100, s22  }
0x3a: {  	[tilespmem:s11], [sflag:$0x3] =	stream.indirect.gather [hbm4b:s3+s8], $0x80, s21, s8, $0xb8;
	[tilespmem:$0x12800] =	vst v63  }
0x3b: {  	s21 =	sadd.s32 $0x180, s22  }
0x3c: {  	[tilespmem:s12], [sflag:$0x4] =	stream.indirect.gather [hbm4b:s3+s8], $0x80, s21, s8, $0xb8;
	[tilespmem:$0x12800] =	vst v63  }
0x3d: {  	_ =	swait.ge [sflag:s13], $0x4000  }
0x3e: {  	[sflag:s13] =	ssyncset.done $0x0  }
0x3f: {  	s21 =	sadd.s32 $0xFFFFE800, s18;
	[sflag:s13] =	ssyncadd.s32 $0xFFFFC000  }
0x40: {  	[hbm4b:s21+s2] =	stream.linear.scatter [tilespmem:s9], [sflag:$0x5], $0x4000, $0x38;
	[tilespmem:$0x12800] =	vst v63  }
0x41: {  	_ =	swait.ge [sflag:s7], $0x4000  }
0x42: {  	[sflag:s7] =	ssyncset.done $0x0  }
0x43: {  	[sflag:s7] =	ssyncadd.s32 $0xFFFFC000  }
0x44: {  	_ =	swait.ge [sflag:s14], $0x4000  }
0x45: {  	[sflag:s14] =	ssyncset.done $0x0  }
0x46: {  	s21 =	sadd.s32 $0xFFFFF000, s18;
	[sflag:s14] =	ssyncadd.s32 $0xFFFFC000  }
0x47: {  	[hbm4b:s21+s2] =	stream.linear.scatter [tilespmem:s10], [sflag:$0x5], $0x4000, $0x38;
	[tilespmem:$0x12800] =	vst v63  }
0x48: {  	_ =	swait.ge [sflag:s7], $0x4000  }
0x49: {  	[sflag:s7] =	ssyncset.done $0x0  }
0x4a: {  	[sflag:s7] =	ssyncadd.s32 $0xFFFFC000  }
0x4b: {  	_ =	swait.ge [sflag:s15], $0x4000  }
0x4c: {  	[sflag:s15] =	ssyncset.done $0x0  }
0x4d: {  	s21 =	sadd.s32 $0xFFFFF800, s18;
	[sflag:s15] =	ssyncadd.s32 $0xFFFFC000  }
0x4e: {  	[hbm4b:s21+s2] =	stream.linear.scatter [tilespmem:s11], [sflag:$0x5], $0x4000, $0x38;
	[tilespmem:$0x12800] =	vst v63  }
0x4f: {  	_ =	swait.ge [sflag:s7], $0x4000  }
0x50: {  	[sflag:s7] =	ssyncset.done $0x0  }
0x51: {  	[sflag:s7] =	ssyncadd.s32 $0xFFFFC000  }
0x52: {  	_ =	swait.ge [sflag:s16], $0x4000  }
.Ltmp0:
0x53: {  	[sflag:s16] =	ssyncset.done $0x0;
	(pc) =	sbr.rel @p0 .LBB2_2-.Ltmp0, $4  }
0x54: {  	[sflag:s16] =	ssyncadd.s32 $0xFFFFC000  }
0x55: {  	[hbm4b:s18+s2] =	stream.linear.scatter [tilespmem:s12], [sflag:$0x5], $0x4000, $0x38;
	[tilespmem:$0x12800] =	vst v63  }
0x56: {  	_ =	swait.ge [sflag:s7], $0x4000  }
0x57: {  	s21 =	smov.u32 s20;
	s18 =	sadd.s32 $0x2000, s18;
	[sflag:s7] =	ssyncset.done $0x0  }
0x58: {  	s19 =	sshra.s32 s19, $0x2;
	[sflag:s7] =	ssyncadd.s32 $0xFFFFC000  }
0x59: {  	[tilespmem:s9], [sflag:$0x1] =	stream.indirect.gather [hbm4b:s3+s8], $0x80, s19, s8, $0xb8;
	[tilespmem:$0x12800] =	vst v63  }
0x5a: {  	s20 =	sadd.s32 $0x80, s19  }
0x5b: {  	[tilespmem:s10], [sflag:$0x2] =	stream.indirect.gather [hbm4b:s3+s8], $0x80, s20, s8, $0xb8;
	[tilespmem:$0x12800] =	vst v63  }
0x5c: {  	s28 =	sadd.s32 $0x100, s19  }
0x5d: {  	[tilespmem:s11], [sflag:$0x3] =	stream.indirect.gather [hbm4b:s3+s8], $0x80, s28, s8, $0xb8;
	[tilespmem:$0x12800] =	vst v63  }
0x5e: {  	s19 =	sadd.s32 $0x180, s19  }
0x5f: {  	[tilespmem:s12], [sflag:$0x4] =	stream.indirect.gather [hbm4b:s3+s8], $0x80, s19, s8, $0xb8;
	[tilespmem:$0x12800] =	vst v63  }
0x60: {  	_ =	swait.ge [sflag:s13], $0x4000  }
0x61: {  	[sflag:s13] =	ssyncset.done $0x0  }
0x62: {  	s29 =	sadd.s32 $0xFFFFE800, s18;
	[sflag:s13] =	ssyncadd.s32 $0xFFFFC000  }
0x63: {  	[hbm4b:s29+s2] =	stream.linear.scatter [tilespmem:s9], [sflag:$0x5], $0x4000, $0x38;
	[tilespmem:$0x12800] =	vst v63  }
0x64: {  	_ =	swait.ge [sflag:s7], $0x4000  }
0x65: {  	[sflag:s7] =	ssyncset.done $0x0  }
0x66: {  	[sflag:s7] =	ssyncadd.s32 $0xFFFFC000  }
0x67: {  	_ =	swait.ge [sflag:s14], $0x4000  }
0x68: {  	[sflag:s14] =	ssyncset.done $0x0  }
0x69: {  	s30 =	sadd.s32 $0xFFFFF000, s18;
	[sflag:s14] =	ssyncadd.s32 $0xFFFFC000  }
0x6a: {  	[hbm4b:s30+s2] =	stream.linear.scatter [tilespmem:s10], [sflag:$0x5], $0x4000, $0x38;
	[tilespmem:$0x12800] =	vst v63  }
0x6b: {  	_ =	swait.ge [sflag:s7], $0x4000  }
0x6c: {  	[sflag:s7] =	ssyncset.done $0x0  }
0x6d: {  	[sflag:s7] =	ssyncadd.s32 $0xFFFFC000  }
0x6e: {  	_ =	swait.ge [sflag:s15], $0x4000  }
0x6f: {  	[sflag:s15] =	ssyncset.done $0x0  }
0x70: {  	s31 =	sadd.s32 $0xFFFFF800, s18;
	[sflag:s15] =	ssyncadd.s32 $0xFFFFC000  }
0x71: {  	[hbm4b:s31+s2] =	stream.linear.scatter [tilespmem:s11], [sflag:$0x5], $0x4000, $0x38;
	[tilespmem:$0x12800] =	vst v63  }
0x72: {  	_ =	swait.ge [sflag:s7], $0x4000  }
0x73: {  	[sflag:s7] =	ssyncset.done $0x0  }
0x74: {  	[sflag:s7] =	ssyncadd.s32 $0xFFFFC000  }
0x75: {  	s17 =	sadd.s32 $0x1, s17;
	_ =	swait.ge [sflag:s16], $0x4000  }
0x76: {  	p0 =	sne.s32 s17, s5;
	[sflag:s16] =	ssyncset.done $0x0  }
.Ltmp1:
0x77: {  	[sflag:s16] =	ssyncadd.s32 $0xFFFFC000;
	(pc) =	sbr.rel @p0 .LBB2_1-.Ltmp1, $4  }
0x78: {  	[hbm4b:s18+s2] =	stream.linear.scatter [tilespmem:s12], [sflag:$0x5], $0x4000, $0x38;
	[tilespmem:$0x12800] =	vst v63  }
0x79: {  	_ =	swait.ge [sflag:s7], $0x4000  }
0x7a: {  	[sflag:s7] =	ssyncset.done $0x0  }
0x7b: {  	[sflag:s7] =	ssyncadd.s32 $0xFFFFC000  }
0x7c: {  	_ =	sfence.sel $0x180000  }
0x7d: {  	[bflag:$0x0] =	sbarrier.arrive $0xFFFF  }
0x7e: {  	p0 =	sne.s32 s1, $0x0;
	_ =	strace $0x9000004A  }
0x7f: {  	s0 =	sadd.s32 @!p0 $0x100000, s0;
	[bflag:$0x2] =	sbarrier.arrive $0xFFFF  }
0x80: {  	[sflag:s0] =	ssyncadd.tile.s32 @!p0 $0x1;
	_ =	shalt  }
.Lfunc_end2:
_tile_overlayer_lowered:
.L_overlay_start_2:
0x81: {  	(tag) =	ssettag $0x2  }
0x82: {  	s0 =	rddreg [dreg:$0x0];
	s2 =	stileid.u32  }
0x83: {  	s1 =	rddreg [dreg:$0x1];
	p0 =	sne.s32 s2, $0x0  }
0x84: {  	s3 =	rddreg [dreg:$0x2];
	[bflag:$0x3] =	sbarrier.arrive $0xFFFF;
	s2 =	simm.s32 @!p0 $0x1C05  }
0x85: {  	[timem:s3], [sflag:s2] =	dma.local @!p0 [hbm:s0], s1  }
0x86: {  	s0 =	simm.s32 @!p0 $0x5  }
0x87: {  	_ =	swait.ge @!p0 [sflag:s0], s1  }
0x88: {  	s1 =	ssub.s32 @!p0 $0x0, s1;
	[sflag:s0] =	ssyncset.done @!p0 $0x0  }
0x89: {  	[sflag:s0] =	ssyncadd.s32 @!p0 s1  }
0x8a: {  	[bflag:$0x3] =	sbarrier.arrive $0xFFFF  }
0x8b: {  	_ =	shalt  }

// kernel: kernel.24.cloned.1.call-start
scs
__scs_entry_jumppad:
0x0: {  	(pc) =	sbr.rel $0x88, $3  }
0x1: {  	(tag) =	ssettag $0x0;
	lr =	simm.s32 $0x1  }
0x2: {  	[smem:$0x3F8E] =	sst lr;
	_ =	strace $0xD0000000  }
0x3: {  	_ = 	snop  }
0x4: {  	_ = 	snop  }
0x5: {  	_ = 	snop  }
0x6: {  	_ = 	snop  }
0x7: {  	_ = 	snop  }
__scs_overlays_trampoline_lowered:
0x8: {  	[smem:$0x3F9D] =	sst s0  }
0x9: {  	[smem:$0x3F9E] =	sst s1  }
0xa: {  	[smem:$0x3F9F] =	sst s2  }
0xb: {  	[smem:$0x3FA0] =	sst s3  }
0xc: {  	[smem:$0x3FA1] =	sst s4  }
0xd: {  	[smem:$0x3FA2] =	sst s5  }
0xe: {  	[smem:$0x3FA3] =	sst s6  }
0xf: {  	[smem:$0x3FA4] =	sst s7  }
0x10: {  	[smem:$0x3FA5] =	sst s8  }
0x11: {  	[smem:$0x3FA6] =	sst s9;
	s0 =	simm.s32 @!p0 $0x0  }
0x12: {  	s1 =	sld [smem:$0x3F8C];
	s0 =	simm.s32 @p0 $0x1  }
0x13: {  	[smem:$0x3FA7] =	sst s0;
	s0 =	simm.s32 @!p1 $0x0  }
0x14: {  	s2 =	sld [smem:$0x3F8B];
	s0 =	simm.s32 @p1 $0x1  }
0x15: {  	[smem:$0x3FA8] =	sst s0;
	s0 =	simm.s32 @!p2 $0x0  }
0x16: {  	s3 =	sld [smem:$0x3FDB];
	s0 =	simm.s32 @p2 $0x1  }
0x17: {  	s4 =	simm.s32 $0x1BF5;
	[smem:$0x3FAA] =	sst s0  }
0x18: {  	s0 =	sld [smem:$0x3F8D];
	_ =	swait.ge [sflag:s4], $0x0  }
0x19: {  	s7 =	sld [smem:$0x3F8E]  }
0x1a: {  	s8 =	sadd.s32 $0xFFFFE003, lr  }
0x1b: {  	s9 =	sadd.s32 $0xFFFFFEF7, lr;
	s5 =	simm.s32 $0xFFFFFFFF;
	p2 =	slt.u32 s8, $0xFFFFF086  }
0x1c: {  	p1 =	slt.u32 s9, $0xF7A;
	s5 =	simm.s32 @!p2 $0x0  }
0x1d: {  	s5 =	simm.s32 @p1 $0x1;
	p0 =	seq.s32 s7, s2  }
0x1e: {  	s7 =	smul.u32 @!p0 $0xF7A, s2;
	p2 =	seq.s32 @!p0 s5, $0x0  }
0x1f: {  	s9 =	smul.u32 $0xF7A, s1;
	s8 =	simm.s32 @!p0 $0x1BF5;
	p2 =	por !p2, p0  }
0x20: {  	[sflag:s8] =	ssyncset.s32 @!p0 $0xFFFFF086;
	s6 =	sadd.s32 @!p0 s3, s7;
	s7 =	simm.s32 @!p0 $0x108  }
0x21: {  	s3 =	sadd.s32 s3, s9;
	s6 =	sadd.s32 @!p0 $0x88, s6;
	s7 =	simm.s32 @p2 $0x1082  }
0x22: {  	[simem:s7], [sflag:s8] =	dma.local @!p0 [hbm:s6], $0xF7A  }
0x23: {  	s9 =	sor.u32 $0xD0000000, s2;
	s6 =	simm.s32 $0x108;
	_ =	swait.ge @!p0 [sflag:s8], $0x0  }
0x24: {  	s3 =	sadd.s32 $0x88, s3;
	s6 =	simm.s32 @!p1 $0x1082;
	[sflag:s4] =	ssyncset.s32 $0xFFFFF086  }
0x25: {  	[simem:s6], [sflag:s4] =	dma.local [hbm:s3], $0xF7A  }
0x26: {  	[smem:$0x3F8E] =	sst s1;
	(tag) =	ssettag s2;
	_ =	strace s9  }
0x27: {  	s1 =	sld [smem:$0x3F9E]  }
0x28: {  	s2 =	sld [smem:$0x3F9F]  }
0x29: {  	s4 =	sld [smem:$0x3FA1]  }
0x2a: {  	p0 =	seq.s32 s5, $0x0;
	s5 =	sld [smem:$0x3FA2]  }
0x2b: {  	s6 =	sld [smem:$0x3FA3]  }
0x2c: {  	s7 =	sld [smem:$0x3FA4]  }
0x2d: {  	s3 =	simm.s32 $0x108;
	s8 =	sld [smem:$0x3FA5]  }
0x2e: {  	s3 =	simm.s32 @!p0 $0x1082;
	s9 =	sld [smem:$0x3FA6]  }
0x2f: {  	lr =	sadd.s32 s0, s3;
	s0 =	sld [smem:$0x3F9D]  }
0x30: {  	s3 =	sld [smem:$0x3FA0]  }
0x31: {  	[smem:$0x3FA9] =	sst s10  }
0x32: {  	s10 =	sld [smem:$0x3FA7];
	_ =	sdelay $0x3  }
0x33: {  	p0 =	seq.s32 s10, $0x1;
	s10 =	sld [smem:$0x3FA9];
	_ =	sdelay $0x3  }
0x34: {  	[smem:$0x3FA9] =	sst s10  }
0x35: {  	s10 =	sld [smem:$0x3FA8];
	_ =	sdelay $0x3  }
0x36: {  	p1 =	seq.s32 s10, $0x1;
	s10 =	sld [smem:$0x3FA9];
	_ =	sdelay $0x3  }
0x37: {  	[smem:$0x3FA9] =	sst s10  }
0x38: {  	s10 =	sld [smem:$0x3FAA]  }
0x39: {  	_ = 	snop;
	(pc) =	sbr.ind lr, $3  }
0x3a: {  	_ = 	snop  }
0x3b: {  	_ = 	snop  }
0x3c: {  	p2 =	seq.s32 s10, $0x1;
	s10 =	sld [smem:$0x3FA9]  }
0x3d: {  	_ =	shalt  }
0x3e: {  	_ =	shalt  }
0x3f: {  	_ =	shalt  }
0x40: {  	_ =	shalt  }
0x41: {  	_ =	shalt  }
0x42: {  	_ =	shalt  }
0x43: {  	_ =	shalt  }
0x44: {  	_ =	shalt  }
0x45: {  	_ =	shalt  }
0x46: {  	_ =	shalt  }
0x47: {  	_ =	shalt  }
0x48: {  	_ =	shalt  }
0x49: {  	_ =	shalt  }
0x4a: {  	_ =	shalt  }
0x4b: {  	_ =	shalt  }
0x4c: {  	_ =	shalt  }
0x4d: {  	_ =	shalt  }
0x4e: {  	_ =	shalt  }
0x4f: {  	_ =	shalt  }
0x50: {  	_ =	shalt  }
0x51: {  	_ =	shalt  }
0x52: {  	_ =	shalt  }
0x53: {  	_ =	shalt  }
0x54: {  	_ =	shalt  }
0x55: {  	_ =	shalt  }
0x56: {  	_ =	shalt  }
0x57: {  	_ =	shalt  }
0x58: {  	_ =	shalt  }
0x59: {  	_ =	shalt  }
0x5a: {  	_ =	shalt  }
0x5b: {  	_ =	shalt  }
0x5c: {  	_ =	shalt  }
0x5d: {  	_ =	shalt  }
0x5e: {  	_ =	shalt  }
0x5f: {  	_ =	shalt  }
0x60: {  	_ =	shalt  }
0x61: {  	_ =	shalt  }
0x62: {  	_ =	shalt  }
0x63: {  	_ =	shalt  }
0x64: {  	_ =	shalt  }
0x65: {  	_ =	shalt  }
0x66: {  	_ =	shalt  }
0x67: {  	_ =	shalt  }
0x68: {  	_ =	shalt  }
0x69: {  	_ =	shalt  }
0x6a: {  	_ =	shalt  }
0x6b: {  	_ =	shalt  }
0x6c: {  	_ =	shalt  }
0x6d: {  	_ =	shalt  }
0x6e: {  	_ =	shalt  }
0x6f: {  	_ =	shalt  }
0x70: {  	_ =	shalt  }
0x71: {  	_ =	shalt  }
0x72: {  	_ =	shalt  }
0x73: {  	_ =	shalt  }
0x74: {  	_ =	shalt  }
0x75: {  	_ =	shalt  }
0x76: {  	_ =	shalt  }
0x77: {  	_ =	shalt  }
0x78: {  	_ =	shalt  }
0x79: {  	_ =	shalt  }
0x7a: {  	_ =	shalt  }
0x7b: {  	_ =	shalt  }
0x7c: {  	_ =	shalt  }
0x7d: {  	_ =	shalt  }
0x7e: {  	_ =	shalt  }
0x7f: {  	_ =	shalt  }
0x80: {  	_ =	shalt  }
0x81: {  	_ =	shalt  }
0x82: {  	_ =	shalt  }
0x83: {  	_ =	shalt  }
0x84: {  	_ =	shalt  }
0x85: {  	_ =	shalt  }
0x86: {  	_ =	shalt  }
0x87: {  	_ =	shalt  }
.Lfunc_end0:
.L_simem_size_0:
called_computation.2_lowered:
.L_overlay_start_0:
0x88: {  	s2 =	sld [smem:$0x3FD9]  }
0x89: {  	s3 =	sld [smem:$0x3FFE];
	_ =	sdelay $0x1  }
0x8a: {  	s1 =	srdreg.scid  }
0x8b: {  	s0 =	sand.u32 $0x1, s1  }
0x8c: {  	s16 =	sshll.u32 s0, $0xA;
	s2 =	sadd.s32 s3, s2  }
0x8d: {  	s2 =	sadd.s32 s2, s16  }
0x8e: {  	[smem:$0x3FB5] =	sst s2  }
0x8f: {  	_ = 	snop  }
0x90: {  	(tm) =	ssettm $0x1  }
0x91: {  	s17 =	sld [smem:$0x3FFB];
	_ =	sdelay $0x3  }
0x92: {  	_ =	strace s17  }
0x93: {  	s2 =	sld [smem:$0x3FFC];
	_ =	sdelay $0x3  }
0x94: {  	_ =	strace s2  }
0x95: {  	s2 =	sld [smem:$0x3FFD];
	_ =	sdelay $0x3  }
0x96: {  	_ =	strace s2  }
0x97: {  	_ =	strace $0x8FFFFFFF  }
0x98: {  	s18 =	sld [smem:$0x3FDB];
	_ =	sdelay $0x1  }
0x99: {  	s19 =	simm.s32 $_scs_section_size  }
0x9a: {  	s4 =	simm.s32 $_size__tile_overlayer_lowered;
	s5 =	simm.s32 $_tile_overlayer_lowered  }
0x9b: {  	s22 =	simm.s32 $0x1BFF;
	s21 =	sshll.u32 s5, $0x1;
	s2 =	sadd.s32 s19, s18  }
0x9c: {  	s6 =	simm.s32 $0x0;
	s20 =	sshll.u32 s4, $0x1;
	s4 =	sadd.s32 s21, s2  }
0x9d: {  	[timem:s6], [sflag:s22] =	dma.local [hbm:s4], s20  }
0x9e: {  	_ =	swait.ge [sflag:s22], s20  }
0x9f: {  	s3 =	ssub.s32 $0x0, s20;
	[sflag:s22] =	ssyncset.done $0x0  }
0xa0: {  	[sflag:s22] =	ssyncadd.s32 s3;
	_ =	sdelay $0x1  }
0xa1: {  	s23 =	simm.s32 $0x1B8B  }
0xa2: {  	_ =	swait.ge [sflag:s23], $0x1  }
0xa3: {  	[sflag:s23] =	ssyncset.done $0x0  }
0xa4: {  	s25 =	simm.s32 $0x1B8E;
	s24 =	sld [smem:$0x3FFE];
	[sflag:s23] =	ssyncadd.s32 $0xFFFFFFFF  }
0xa5: {  	s26 =	simm.s32 $execute0_lowered;
	[smem:$0x3FD2] =	sst s25  }
0xa6: {  	s4 =	sshll.u32 s26, $0x1;
	_ =	strace $0x8000004C;
	[dreg:$0x1] =	wrdreg $0xFFFFFFFF  }
0xa7: {  	s28 =	simm.s32 $_size_execute0_lowered;
	s2 =	sadd.s32 s2, s4;
	[dreg:$0x0] =	wrdreg $0x0  }
0xa8: {  	s4 =	sshll.u32 s28, $0x1;
	[dreg:$0x2] =	wrdreg s2  }
0xa9: {  	[dreg:$0x3] =	wrdreg s4  }
0xaa: {  	[dreg:$0x4] =	wrdreg $0xC0  }
0xab: {  	_ =	task [dreg:s6], $0x5FFFF  }
0xac: {  	[dreg:$0x1] =	wrdreg $0xFFFFFFFF  }
0xad: {  	[dreg:$0x0] =	wrdreg $0x60  }
0xae: {  	[dreg:$0x2] =	wrdreg s24  }
0xaf: {  	[dreg:$0x3] =	wrdreg $0x9  }
0xb0: {  	_ =	task.clear_ibuf [dreg:s6], $0x4FFFF;
	_ =	strace $0x9000004C  }
0xb1: {  	s29 =	simm.s32 $0x9;
	_ =	strace $0x8000004E  }
0xb2: {  	_ =	swait.ge [sflag:s29], $0x1  }
0xb3: {  	[sflag:s29] =	ssyncadd.s32 $0xFFFFFFFF  }
0xb4: {  	_ =	strace $0x9000004E  }
0xb5: {  	_ =	sfence  }
0xb6: {  	s30 =	sld [smem:$0x0];
	_ =	sdelay $0x2  }
0xb7: {  	s31 =	sshll.u32 s1, $0xD;
	s1 =	sshrl.u32 s1, $0x2  }
0xb8: {  	s3 =	sand.u32 $0x4000, s31;
	s1 =	sadd.s32 s1, s30  }
0xb9: {  	s0 =	sor.u32 s3, s0;
	s1 =	sshll.u32 s1, $0x11  }
0xba: {  	s0 =	sor.u32 s1, s0  }
0xbb: {  	s0 =	sadd.s32 $0x8F2B, s0  }
0xbc: {  	[sflag:s0] =	ssyncadd.remote.s32 $0x1  }
0xbd: {  	_ =	sfence.sel $0xFFFF  }
0xbe: {  	[dreg:$0x0] =	wrdreg $0xFFFFFFFF;
	(pc) =	sbr.abs _section_cstart, $3  }
0xbf: {  	[dreg:$0x1] =	wrdreg $0xFFFFFFFF  }
0xc0: {  	_ =	task.clear_ibuf [dreg:s6], $0x2FFFF;
	_ =	strace $0x9FFFFFFF  }
0xc1: {  	(tm) =	ssettm $0x7FFFFFFF  }
tec
execute0_lowered:
.L_overlay_start_1:
0x0: {  	(tag) =	ssettag $0x1  }
0x1: {  	s4 =	rddreg [dreg:$0x0]  }
0x2: {  	s0 =	rddreg [dreg:$0x1]  }
0x3: {  	s3 =	srdreg.scid;
	s1 =	stileid.u32;
	s2 =	simm.s32 $0x0  }
0x4: {  	s11 =	simm.s32 $0xA800;
	s12 =	simm.s32 $0xE800;
	s13 =	simm.s32 $0x1  }
0x5: {  	s14 =	simm.s32 $0x2;
	s15 =	simm.s32 $0x3;
	s16 =	simm.s32 $0x4  }
0x6: {  	s17 =	simm.s32 $0x0;
	s5 =	sand.u32 $0x1, s3;
	s28 =	sshll.u32 s1, $0x1  }
0x7: {  	[smem:$0x7FF] =	sst s2;
	s7 =	smul.u32 $0x50000, s1;
	s3 =	sor.u32 s5, s28  }
0x8: {  	_ =	strace $0x8000004D;
	s8 =	ssub.s32 $0x2, s5;
	s10 =	smul.u32 $0x28000, s5  }
0x9: {  	s6 =	smul.u32 $0x2800, s3;
	s3 =	sadd.s32 $0x47A00, s4;
	s9 =	sshrl.u32 s8, $0x1  }
0xa: {  	s30 =	sadd.s32 s7, s4;
	s7 =	simm.s32 $0x5;
	s31 =	ssub.s32 s8, s9  }
0xb: {  	s8 =	simm.s32 $0x80;
	s9 =	simm.s32 $0x2800;
	s6 =	sshrl.u32 s6, $0x3  }
0xc: {  	s5 =	smax.u32 s31, $0x1;
	s29 =	sadd.s32 s6, s4;
	s6 =	sadd.s32 s10, s30  }
0xd: {  	s10 =	simm.s32 $0x6800;
	s4 =	sadd.s32 $0x87A00, s29;
	s6 =	sadd.s32 $0x513000, s6  }
.LBB2_1:
0xe: {  	[tilespmem:s2], [sflag:$0x5] =	stream.linear.gather [hbm4b:s4+s2], $0x2800, $0x38;
	[tilespmem:$0x12800] =	vst v63  }
0xf: {  	_ =	swait.ge [sflag:s7], $0x2800  }
0x10: {  	[sflag:s7] =	ssyncset.done $0x0  }
0x11: {  	s18 =	simm.s32 $0x0;
	[sflag:s7] =	ssyncadd.s32 $0xFFFFD800  }
0x12: {  	[tilespmem:s9], [sflag:$0x1] =	stream.indirect.gather [hbm4b:s3+s8], $0x80, s18, s8, $0xb8;
	[tilespmem:$0x12800] =	vst v63  }
0x13: {  	s25 =	simm.s32 $0x80  }
0x14: {  	[tilespmem:s10], [sflag:$0x2] =	stream.indirect.gather [hbm4b:s3+s8], $0x80, s25, s8, $0xb8;
	[tilespmem:$0x12800] =	vst v63  }
0x15: {  	s26 =	simm.s32 $0x100  }
0x16: {  	[tilespmem:s11], [sflag:$0x3] =	stream.indirect.gather [hbm4b:s3+s8], $0x80, s26, s8, $0xb8;
	[tilespmem:$0x12800] =	vst v63  }
0x17: {  	s28 =	simm.s32 $0x180  }
0x18: {  	[tilespmem:s12], [sflag:$0x4] =	stream.indirect.gather [hbm4b:s3+s8], $0x80, s28, s8, $0xb8;
	[tilespmem:$0x12800] =	vst v63  }
0x19: {  	_ =	swait.ge [sflag:s13], $0x4000  }
0x1a: {  	[sflag:s13] =	ssyncset.done $0x0  }
0x1b: {  	s29 =	sadd.s32 $0xFFFFE800, s6;
	[sflag:s13] =	ssyncadd.s32 $0xFFFFC000  }
0x1c: {  	[hbm4b:s29+s2] =	stream.linear.scatter [tilespmem:s9], [sflag:$0x5], $0x4000, $0x38;
	[tilespmem:$0x12800] =	vst v63  }
0x1d: {  	_ =	swait.ge [sflag:s7], $0x4000  }
0x1e: {  	[sflag:s7] =	ssyncset.done $0x0  }
0x1f: {  	[sflag:s7] =	ssyncadd.s32 $0xFFFFC000  }
0x20: {  	_ =	swait.ge [sflag:s14], $0x4000  }
0x21: {  	[sflag:s14] =	ssyncset.done $0x0  }
0x22: {  	s30 =	sadd.s32 $0xFFFFF000, s6;
	[sflag:s14] =	ssyncadd.s32 $0xFFFFC000  }
0x23: {  	[hbm4b:s30+s2] =	stream.linear.scatter [tilespmem:s10], [sflag:$0x5], $0x4000, $0x38;
	[tilespmem:$0x12800] =	vst v63  }
0x24: {  	_ =	swait.ge [sflag:s7], $0x4000  }
0x25: {  	[sflag:s7] =	ssyncset.done $0x0  }
0x26: {  	[sflag:s7] =	ssyncadd.s32 $0xFFFFC000  }
0x27: {  	_ =	swait.ge [sflag:s15], $0x4000  }
0x28: {  	[sflag:s15] =	ssyncset.done $0x0  }
0x29: {  	s31 =	sadd.s32 $0xFFFFF800, s6;
	[sflag:s15] =	ssyncadd.s32 $0xFFFFC000  }
0x2a: {  	[hbm4b:s31+s2] =	stream.linear.scatter [tilespmem:s11], [sflag:$0x5], $0x4000, $0x38;
	[tilespmem:$0x12800] =	vst v63  }
0x2b: {  	_ =	swait.ge [sflag:s7], $0x4000  }
0x2c: {  	[sflag:s7] =	ssyncset.done $0x0  }
0x2d: {  	[sflag:s7] =	ssyncadd.s32 $0xFFFFC000  }
0x2e: {  	_ =	swait.ge [sflag:s16], $0x4000  }
0x2f: {  	[sflag:s16] =	ssyncset.done $0x0  }
0x30: {  	[sflag:s16] =	ssyncadd.s32 $0xFFFFC000  }
0x31: {  	[hbm4b:s6+s2] =	stream.linear.scatter [tilespmem:s12], [sflag:$0x5], $0x4000, $0x38;
	[tilespmem:$0x12800] =	vst v63  }
0x32: {  	s19 =	simm.s32 $0x800;
	_ =	swait.ge [sflag:s7], $0x4000  }
0x33: {  	s21 =	simm.s32 $0x1000;
	s18 =	sadd.s32 $0x2000, s6;
	[sflag:s7] =	ssyncset.done $0x0  }
.LBB2_2:
0x34: {  	s22 =	sshra.s32 s19, $0x2  }
0x35: {  	[sflag:s7] =	ssyncadd.s32 $0xFFFFC000;
	s19 =	smov.u32 s21;
	s20 =	sadd.s32 $0x800, s21  }
0x36: {  	[tilespmem:s9], [sflag:$0x1] =	stream.indirect.gather [hbm4b:s3+s8], $0x80, s22, s8, $0xb8;
	[tilespmem:$0x12800] =	vst v63  }
0x37: {  	p0 =	sne.s32 s21, $0x9800;
	s21 =	sadd.s32 $0x80, s22  }
0x38: {  	[tilespmem:s10], [sflag:$0x2] =	stream.indirect.gather [hbm4b:s3+s8], $0x80, s21, s8, $0xb8;
	[tilespmem:$0x12800] =	vst v63  }
0x39: {  	s21 =	sadd.s32 $0x100, s22  }
0x3a: {  	[tilespmem:s11], [sflag:$0x3] =	stream.indirect.gather [hbm4b:s3+s8], $0x80, s21, s8, $0xb8;
	[tilespmem:$0x12800] =	vst v63  }
0x3b: {  	s21 =	sadd.s32 $0x180, s22  }
0x3c: {  	[tilespmem:s12], [sflag:$0x4] =	stream.indirect.gather [hbm4b:s3+s8], $0x80, s21, s8, $0xb8;
	[tilespmem:$0x12800] =	vst v63  }
0x3d: {  	_ =	swait.ge [sflag:s13], $0x4000  }
0x3e: {  	[sflag:s13] =	ssyncset.done $0x0  }
0x3f: {  	s21 =	sadd.s32 $0xFFFFE800, s18;
	[sflag:s13] =	ssyncadd.s32 $0xFFFFC000  }
0x40: {  	[hbm4b:s21+s2] =	stream.linear.scatter [tilespmem:s9], [sflag:$0x5], $0x4000, $0x38;
	[tilespmem:$0x12800] =	vst v63  }
0x41: {  	_ =	swait.ge [sflag:s7], $0x4000  }
0x42: {  	[sflag:s7] =	ssyncset.done $0x0  }
0x43: {  	[sflag:s7] =	ssyncadd.s32 $0xFFFFC000  }
0x44: {  	_ =	swait.ge [sflag:s14], $0x4000  }
0x45: {  	[sflag:s14] =	ssyncset.done $0x0  }
0x46: {  	s21 =	sadd.s32 $0xFFFFF000, s18;
	[sflag:s14] =	ssyncadd.s32 $0xFFFFC000  }
0x47: {  	[hbm4b:s21+s2] =	stream.linear.scatter [tilespmem:s10], [sflag:$0x5], $0x4000, $0x38;
	[tilespmem:$0x12800] =	vst v63  }
0x48: {  	_ =	swait.ge [sflag:s7], $0x4000  }
0x49: {  	[sflag:s7] =	ssyncset.done $0x0  }
0x4a: {  	[sflag:s7] =	ssyncadd.s32 $0xFFFFC000  }
0x4b: {  	_ =	swait.ge [sflag:s15], $0x4000  }
0x4c: {  	[sflag:s15] =	ssyncset.done $0x0  }
0x4d: {  	s21 =	sadd.s32 $0xFFFFF800, s18;
	[sflag:s15] =	ssyncadd.s32 $0xFFFFC000  }
0x4e: {  	[hbm4b:s21+s2] =	stream.linear.scatter [tilespmem:s11], [sflag:$0x5], $0x4000, $0x38;
	[tilespmem:$0x12800] =	vst v63  }
0x4f: {  	_ =	swait.ge [sflag:s7], $0x4000  }
0x50: {  	[sflag:s7] =	ssyncset.done $0x0  }
0x51: {  	[sflag:s7] =	ssyncadd.s32 $0xFFFFC000  }
0x52: {  	_ =	swait.ge [sflag:s16], $0x4000  }
.Ltmp0:
0x53: {  	[sflag:s16] =	ssyncset.done $0x0;
	(pc) =	sbr.rel @p0 .LBB2_2-.Ltmp0, $4  }
0x54: {  	[sflag:s16] =	ssyncadd.s32 $0xFFFFC000  }
0x55: {  	[hbm4b:s18+s2] =	stream.linear.scatter [tilespmem:s12], [sflag:$0x5], $0x4000, $0x38;
	[tilespmem:$0x12800] =	vst v63  }
0x56: {  	_ =	swait.ge [sflag:s7], $0x4000  }
0x57: {  	s21 =	smov.u32 s20;
	s18 =	sadd.s32 $0x2000, s18;
	[sflag:s7] =	ssyncset.done $0x0  }
0x58: {  	s19 =	sshra.s32 s19, $0x2;
	[sflag:s7] =	ssyncadd.s32 $0xFFFFC000  }
0x59: {  	[tilespmem:s9], [sflag:$0x1] =	stream.indirect.gather [hbm4b:s3+s8], $0x80, s19, s8, $0xb8;
	[tilespmem:$0x12800] =	vst v63  }
0x5a: {  	s20 =	sadd.s32 $0x80, s19  }
0x5b: {  	[tilespmem:s10], [sflag:$0x2] =	stream.indirect.gather [hbm4b:s3+s8], $0x80, s20, s8, $0xb8;
	[tilespmem:$0x12800] =	vst v63  }
0x5c: {  	s28 =	sadd.s32 $0x100, s19  }
0x5d: {  	[tilespmem:s11], [sflag:$0x3] =	stream.indirect.gather [hbm4b:s3+s8], $0x80, s28, s8, $0xb8;
	[tilespmem:$0x12800] =	vst v63  }
0x5e: {  	s19 =	sadd.s32 $0x180, s19  }
0x5f: {  	[tilespmem:s12], [sflag:$0x4] =	stream.indirect.gather [hbm4b:s3+s8], $0x80, s19, s8, $0xb8;
	[tilespmem:$0x12800] =	vst v63  }
0x60: {  	_ =	swait.ge [sflag:s13], $0x4000  }
0x61: {  	[sflag:s13] =	ssyncset.done $0x0  }
0x62: {  	s29 =	sadd.s32 $0xFFFFE800, s18;
	[sflag:s13] =	ssyncadd.s32 $0xFFFFC000  }
0x63: {  	[hbm4b:s29+s2] =	stream.linear.scatter [tilespmem:s9], [sflag:$0x5], $0x4000, $0x38;
	[tilespmem:$0x12800] =	vst v63  }
0x64: {  	_ =	swait.ge [sflag:s7], $0x4000  }
0x65: {  	[sflag:s7] =	ssyncset.done $0x0  }
0x66: {  	[sflag:s7] =	ssyncadd.s32 $0xFFFFC000  }
0x67: {  	_ =	swait.ge [sflag:s14], $0x4000  }
0x68: {  	[sflag:s14] =	ssyncset.done $0x0  }
0x69: {  	s30 =	sadd.s32 $0xFFFFF000, s18;
	[sflag:s14] =	ssyncadd.s32 $0xFFFFC000  }
0x6a: {  	[hbm4b:s30+s2] =	stream.linear.scatter [tilespmem:s10], [sflag:$0x5], $0x4000, $0x38;
	[tilespmem:$0x12800] =	vst v63  }
0x6b: {  	_ =	swait.ge [sflag:s7], $0x4000  }
0x6c: {  	[sflag:s7] =	ssyncset.done $0x0  }
0x6d: {  	[sflag:s7] =	ssyncadd.s32 $0xFFFFC000  }
0x6e: {  	_ =	swait.ge [sflag:s15], $0x4000  }
0x6f: {  	[sflag:s15] =	ssyncset.done $0x0  }
0x70: {  	s31 =	sadd.s32 $0xFFFFF800, s18;
	[sflag:s15] =	ssyncadd.s32 $0xFFFFC000  }
0x71: {  	[hbm4b:s31+s2] =	stream.linear.scatter [tilespmem:s11], [sflag:$0x5], $0x4000, $0x38;
	[tilespmem:$0x12800] =	vst v63  }
0x72: {  	_ =	swait.ge [sflag:s7], $0x4000  }
0x73: {  	[sflag:s7] =	ssyncset.done $0x0  }
0x74: {  	[sflag:s7] =	ssyncadd.s32 $0xFFFFC000  }
0x75: {  	s17 =	sadd.s32 $0x1, s17;
	_ =	swait.ge [sflag:s16], $0x4000  }
0x76: {  	p0 =	sne.s32 s17, s5;
	[sflag:s16] =	ssyncset.done $0x0  }
.Ltmp1:
0x77: {  	[sflag:s16] =	ssyncadd.s32 $0xFFFFC000;
	(pc) =	sbr.rel @p0 .LBB2_1-.Ltmp1, $4  }
0x78: {  	[hbm4b:s18+s2] =	stream.linear.scatter [tilespmem:s12], [sflag:$0x5], $0x4000, $0x38;
	[tilespmem:$0x12800] =	vst v63  }
0x79: {  	_ =	swait.ge [sflag:s7], $0x4000  }
0x7a: {  	[sflag:s7] =	ssyncset.done $0x0  }
0x7b: {  	[sflag:s7] =	ssyncadd.s32 $0xFFFFC000  }
0x7c: {  	_ =	sfence.sel $0x180000  }
0x7d: {  	[bflag:$0x0] =	sbarrier.arrive $0xFFFF  }
0x7e: {  	p0 =	sne.s32 s1, $0x0;
	_ =	strace $0x9000004D  }
0x7f: {  	s0 =	sadd.s32 @!p0 $0x100000, s0;
	[bflag:$0x2] =	sbarrier.arrive $0xFFFF  }
0x80: {  	[sflag:s0] =	ssyncadd.tile.s32 @!p0 $0x1;
	_ =	shalt  }
.Lfunc_end2:
_tile_overlayer_lowered:
.L_overlay_start_2:
0x81: {  	(tag) =	ssettag $0x2  }
0x82: {  	s0 =	rddreg [dreg:$0x0];
	s2 =	stileid.u32  }
0x83: {  	s1 =	rddreg [dreg:$0x1];
	p0 =	sne.s32 s2, $0x0  }
0x84: {  	s3 =	rddreg [dreg:$0x2];
	[bflag:$0x3] =	sbarrier.arrive $0xFFFF;
	s2 =	simm.s32 @!p0 $0x1C05  }
0x85: {  	[timem:s3], [sflag:s2] =	dma.local @!p0 [hbm:s0], s1  }
0x86: {  	s0 =	simm.s32 @!p0 $0x5  }
0x87: {  	_ =	swait.ge @!p0 [sflag:s0], s1  }
0x88: {  	s1 =	ssub.s32 @!p0 $0x0, s1;
	[sflag:s0] =	ssyncset.done @!p0 $0x0  }
0x89: {  	[sflag:s0] =	ssyncadd.s32 @!p0 s1  }
0x8a: {  	[bflag:$0x3] =	sbarrier.arrive $0xFFFF  }
0x8b: {  	_ =	shalt  }

</sc_bundles>
